<compile_context>
chip_gen: v7x
topology: tpu7x:2x2x1
jax: 0.10.2.dev20260603
libtpu: 0.0.44.dev20260713+nightly
codegen_flags: <defaults>
</compile_context>

<pallas_src>
import functools

import jax
import jax.numpy as jnp
from jax.experimental import pallas as pl
from jax.experimental.pallas import tpu as pltpu
from jax.experimental.pallas import tpu_sc as plsc

MAX_TOKENS = 128
TOKEN_DIM = 128
K_NEIGHBORS = 16
NBATCH = 4

def _coord_scalar(ptsT_ref, Nb, c, r, lane_onehot):
    row = ptsT_ref[pl.ds(c * Nb + r, 1), :]
    return jnp.sum(jnp.where(lane_onehot, row, jnp.float32(0.0)))


def _fps_knn_body(bounds_ref, ptsT_ref, cent_ref, knn_ref, dists_ref, d2_ref, *, Nb, TR):
    _F32_INF = jnp.float32(jnp.inf)
    _I32_BIG = jnp.int32(2**31 - 1)
    b = pl.program_id(0)
    start = bounds_ref[b]
    end = bounds_ref[b + 1]

    lane_i_1x128 = jax.lax.broadcasted_iota(jnp.int32, (1, 128), 1)

    gidx_all = (
        jax.lax.broadcasted_iota(jnp.int32, (Nb, 128), 0) * 128
        + jax.lax.broadcasted_iota(jnp.int32, (Nb, 128), 1)
    )
    inside = (gidx_all >= start) & (gidx_all < end)
    dists_ref[...] = jnp.where(inside, _F32_INF, -_F32_INF)

    def extract(idx):
        r = idx // 128
        l = idx % 128
        oh = lane_i_1x128 == l
        return (
            _coord_scalar(ptsT_ref, Nb, 0, r, oh),
            _coord_scalar(ptsT_ref, Nb, 1, r, oh),
            _coord_scalar(ptsT_ref, Nb, 2, r, oh),
            _coord_scalar(ptsT_ref, Nb, 3, r, oh),
        )

    first = start
    s0, s1, s2, s3 = extract(first)

    rlo = start // 128
    rhi = (end + 127) // 128
    nt = (rhi - rlo + (TR - 1)) // TR

    sub_fidx = (
        jax.lax.broadcasted_iota(jnp.int32, (TR, 128), 0) * 128
        + jax.lax.broadcasted_iota(jnp.int32, (TR, 128), 1)
    )

    def place_row(acc, i, v0, v1, v2, v3):
        row_is_i = jax.lax.broadcasted_iota(jnp.int32, (128, 4), 0) == i
        col = jax.lax.broadcasted_iota(jnp.int32, (128, 4), 1)
        newrow = jnp.where(
            col == 0, v0, jnp.where(col == 1, v1, jnp.where(col == 2, v2, v3))
        )
        return jnp.where(row_is_i, newrow, acc)

    cent0 = jnp.zeros((128, 4), jnp.float32)
    cent0 = place_row(cent0, 0, s0, s1, s2, s3)

    def fps_step(i, carry):
        last, c0, c1, c2, c3, cent = carry

        def tile_body(t, bc):
            bv, bb = bc
            base = jnp.minimum(rlo + t * TR, Nb - TR)
            d = None
            for c, cc in ((0, c0), (1, c1), (2, c2), (3, c3)):
                X = ptsT_ref[pl.ds(c * Nb + base, TR), :]
                diff = X - cc
                sq = diff * diff
                d = sq if d is None else d + sq
            dn = jnp.minimum(dists_ref[pl.ds(base, TR), :], d)
            dists_ref[pl.ds(base, TR), :] = dn
            m = jnp.max(dn)
            upd = m > bv
            return (jnp.where(upd, m, bv), jnp.where(upd, base, bb))

        bv, bb = jax.lax.fori_loop(
            0, nt, tile_body, (-_F32_INF, jnp.int32(0))
        )
        dnw = dists_ref[pl.ds(bb, TR), :]
        bi = jnp.min(jnp.where(dnw == bv, sub_fidx + bb * 128, _I32_BIG))
        n0, n1, n2, n3 = extract(bi)
        cent = place_row(cent, i, n0, n1, n2, n3)
        return (bi, n0, n1, n2, n3, cent)

    carry = jax.lax.fori_loop(
        1, MAX_TOKENS, fps_step, (first, s0, s1, s2, s3, cent0)
    )
    cent = carry[5]
    cent_ref[0, :, :] = cent

    csq = jnp.sum(cent * cent, axis=1, keepdims=True)
    slot_i = jax.lax.broadcasted_iota(jnp.int32, (128, K_NEIGHBORS), 1)

    G = 8
    GW = G * 128
    glo = start // GW
    ghi = (end + (GW - 1)) // GW
    lane_g = jax.lax.broadcasted_iota(jnp.int32, (1, GW), 1)

    def knn_group(g, carry):
        rv, ri, rmax = carry
        r0 = g * G
        rows = [
            [ptsT_ref[pl.ds(c * Nb + r0 + j, 1), :] for j in range(G)]
            for c in range(4)
        ]
        psq = jnp.concatenate(
            [
                ((rows[0][j] * rows[0][j] + rows[1][j] * rows[1][j])
                 + rows[2][j] * rows[2][j]) + rows[3][j] * rows[3][j]
                for j in range(G)
            ],
            axis=1,
        )
        P = jnp.concatenate(
            [jnp.concatenate(rows[c], axis=1) for c in range(4)], axis=0
        )
        mm = jax.lax.dot_general(
            cent, P, (((1,), (0,)), ((), ())),
            preferred_element_type=jnp.float32,
        )
        d2 = (csq + psq) - 2.0 * mm
        grow = lane_g + g * GW
        valid = (grow >= start) & (grow < end)
        d2 = jnp.where(valid, d2, _F32_INF)
        d2_ref[...] = d2

        minv0 = jnp.min(d2, axis=1, keepdims=True)
        go0 = jnp.any(minv0 < rmax)

        def wcond(st):
            return st[0]

        def wbody(st):
            _, rv, ri, rmax = st
            d2 = d2_ref[...]
            minv = jnp.min(d2, axis=1, keepdims=True)
            eqm = d2 == minv
            gi = jnp.min(jnp.where(eqm, grow, _I32_BIG), axis=1, keepdims=True)
            improve = minv < rmax
            eligible = rv == rmax
            evicti = jnp.max(
                jnp.where(eligible, ri, jnp.int32(-1)), axis=1, keepdims=True
            )
            elig2 = eligible & (ri == evicti)
            pos = jnp.max(
                jnp.where(elig2, slot_i, jnp.int32(-1)), axis=1, keepdims=True
            )
            oh = (slot_i == pos) & improve
            rv = jnp.where(oh, minv, rv)
            ri = jnp.where(oh, gi, ri)
            rmax = jnp.max(rv, axis=1, keepdims=True)
            elem = (grow == gi) & improve
            d2 = jnp.where(elem, _F32_INF, d2)
            d2_ref[...] = d2
            go = jnp.any(jnp.min(d2, axis=1, keepdims=True) < rmax)
            return (go, rv, ri, rmax)

        _, rv, ri, rmax = jax.lax.while_loop(
            wcond, wbody, (go0, rv, ri, rmax)
        )
        return (rv, ri, rmax)

    rv0 = jnp.full((128, K_NEIGHBORS), _F32_INF, jnp.float32)
    ri0 = jnp.zeros((128, K_NEIGHBORS), jnp.int32)
    rmax0 = jnp.full((128, 1), _F32_INF, jnp.float32)
    _, ri, _ = jax.lax.fori_loop(glo, ghi, knn_group, (rv0, ri0, rmax0))
    knn_ref[0, :, :] = ri


def _fps_knn_call(ptsT, bounds, Nb, TR):
    grid_spec = pltpu.PrefetchScalarGridSpec(
        num_scalar_prefetch=1,
        grid=(NBATCH,),
        in_specs=[pl.BlockSpec((4 * Nb, 128), lambda b, bounds: (0, 0))],
        out_specs=[
            pl.BlockSpec((1, MAX_TOKENS, 4), lambda b, bounds: (b, 0, 0)),
            pl.BlockSpec((1, MAX_TOKENS, K_NEIGHBORS), lambda b, bounds: (b, 0, 0)),
        ],
        scratch_shapes=[
            pltpu.VMEM((Nb, 128), jnp.float32),
            pltpu.VMEM((128, 8 * 128), jnp.float32),
        ],
    )
    return pl.pallas_call(
        functools.partial(_fps_knn_body, Nb=Nb, TR=TR),
        grid_spec=grid_spec,
        compiler_params=pltpu.CompilerParams(
            dimension_semantics=("parallel",)
        ),
        out_shape=[
            jax.ShapeDtypeStruct((NBATCH, MAX_TOKENS, 4), jnp.float32),
            jax.ShapeDtypeStruct((NBATCH, MAX_TOKENS, K_NEIGHBORS), jnp.int32),
        ],
    )(bounds, ptsT)


def _sc_gather(table, idx):
    B = idx.shape[0]
    D = table.shape[1]
    info = plsc.get_sparse_core_info()
    NW = info.num_cores * info.num_subcores
    b_per_w = B // NW
    chunks = b_per_w // 128
    mesh = plsc.VectorSubcoreMesh(core_axis_name="c", subcore_axis_name="s")

    @functools.partial(
        pl.kernel,
        mesh=mesh,
        out_type=jax.ShapeDtypeStruct((B, D), jnp.float32),
        scratch_types=[
            pltpu.VMEM((128,), jnp.int32),
            pltpu.VMEM((128, D), jnp.float32),
            pltpu.SemaphoreType.DMA,
        ],
    )
    def k(table_hbm, idx_hbm, out_hbm, idx_v, rows_v, sem):
        wid = jax.lax.axis_index("s") * info.num_cores + jax.lax.axis_index("c")
        base = wid * b_per_w
        for j in range(chunks):
            off = base + j * 128
            pltpu.sync_copy(idx_hbm.at[pl.ds(off, 128)], idx_v)
            pltpu.async_copy(table_hbm.at[idx_v], rows_v, sem).wait()
            pltpu.sync_copy(rows_v, out_hbm.at[pl.ds(off, 128)])

    return k(table, idx)


def _finish_body(
    g_ref, sub_ref, cent_ref, W0_ref, b0_ref, W1_ref, b1_ref, W2_ref, b2_ref,
    Wn0_ref, bn0_ref, Wn1_ref, bn1_ref, toks_ref, cents_ref
):
    NT = NBATCH * MAX_TOKENS

    def mm(a, b):
        return jax.lax.dot_general(
            a, b, (((1,), (0,)), ((), ())), preferred_element_type=jnp.float32
        )

    W0 = W0_ref[...]
    b0 = b0_ref[...]
    W1 = W1_ref[...]
    b1 = b1_ref[...]
    W2 = W2_ref[...]
    b2 = b2_ref[...]

    pooled = None
    for n in range(K_NEIGHBORS):
        big = g_ref[pl.ds(n * NT, NT), :]
        sub = sub_ref[pl.ds(n * NT, NT), :]
        x = jax.lax.slice(big, (0, 7 * 16), (NT, 8 * 16))
        for s in range(6, -1, -1):
            x = jnp.where(
                sub == s, jax.lax.slice(big, (0, s * 16), (NT, (s + 1) * 16)), x
            )
        h = jnp.maximum(mm(x, W0) + b0, 0.0)
        h = jnp.maximum(mm(h, W1) + b1, 0.0)
        f = mm(h, W2) + b2
        pooled = f if pooled is None else jnp.maximum(pooled, f)

    toks = jnp.maximum(mm(pooled, Wn0_ref[...]) + bn0_ref[...], 0.0)
    toks = mm(toks, Wn1_ref[...]) + bn1_ref[...]

    def mm_exact(a, b):
        return jax.lax.dot_general(
            a, b, (((1,), (0,)), ((), ())),
            preferred_element_type=jnp.float32,
            precision=jax.lax.Precision.HIGHEST,
        )

    row_i = jax.lax.broadcasted_iota(jnp.int32, (128, 128), 0)
    col_i = jax.lax.broadcasted_iota(jnp.int32, (128, 128), 1)

    for b in range(NBATCH):
        cb = cent_ref[b, :, :]
        t = cb[:, 3:4]
        trows = jnp.broadcast_to(t, (128, 128))
        tcols = jax.lax.transpose(trows, (1, 0))
        ltcnt = jnp.sum(
            (tcols < trows).astype(jnp.float32), axis=1, keepdims=True
        )
        eqcnt = jnp.sum(
            ((tcols == trows) & (col_i < row_i)).astype(jnp.float32),
            axis=1,
            keepdims=True,
        )
        rank = ltcnt + eqcnt
        rankrows = jnp.broadcast_to(rank, (128, 128))
        rankcols = jax.lax.transpose(rankrows, (1, 0))
        OT = (rankcols == row_i.astype(jnp.float32)).astype(jnp.float32)
        toks_ref[b, :, :] = mm_exact(OT, toks[b * 128:(b + 1) * 128, :])
        cents_ref[b, :, :] = mm_exact(OT, cb)


def _finish_call(gathered, sub, cent, W0, b0, W1, b1, W2, b2, Wn0, bn0, Wn1, bn1):
    return pl.pallas_call(
        _finish_body,
        out_shape=[
            jax.ShapeDtypeStruct((NBATCH, MAX_TOKENS, TOKEN_DIM), jnp.float32),
            jax.ShapeDtypeStruct((NBATCH, MAX_TOKENS, 4), jnp.float32),
        ],
    )(
        gathered, sub, cent,
        W0, b0.reshape(1, -1), W1, b1.reshape(1, -1), W2, b2.reshape(1, -1),
        Wn0, bn0.reshape(1, -1), Wn1, bn1.reshape(1, -1),
    )


def kernel(coords, features, batch_ids, W0, b0, W1, b1, W2, b2, Wn0, bn0, Wn1, bn1):
    N = coords.shape[0]
    Nb = N // 128
    pts_all = jnp.concatenate([coords, features[:, -1:]], axis=-1)
    ptsT = pts_all.T.reshape(4 * Nb, 128)
    bids = batch_ids.astype(jnp.int32)
    bounds = jnp.searchsorted(
        bids, jnp.arange(NBATCH + 1, dtype=jnp.int32), side="left"
    ).astype(jnp.int32)

    cent, knn = _fps_knn_call(ptsT, bounds, Nb, TR=512)

    knn_flat = knn.transpose(2, 0, 1).reshape(-1)
    tableB = features.reshape(-1, 128)
    gathered = _sc_gather(tableB, knn_flat // 8)
    sub = (knn_flat % 8).astype(jnp.int32).reshape(-1, 1)

    toks, cent_sorted = _finish_call(
        gathered, sub, cent, W0, b0, W1, b1, W2, b2, Wn0, bn0, Wn1, bn1
    )
    mask = jnp.ones((NBATCH, MAX_TOKENS), dtype=bool)
    return toks, cent_sorted, mask

# --- scband reference (transcript-rebuilt; emitter-appended) ---
"""Pipeline reference for scband-point-cloud-tokenizer-v1-28346784153894 (READ-ONLY COPY).

The authoritative reference and input builder live on the scoring server;
editing this copy changes nothing except your own understanding.
"""

import jax, jax.numpy as jnp
import numpy as np

MAX_TOKENS = 128
TOKEN_DIM = 128
K_NEIGHBORS = 16

def _mlp(x, Ws, bs):
    for W, b in zip(Ws[:-1], bs[:-1]):
        x = jax.nn.relu(x @ W + b)
    return x @ Ws[-1] + bs[-1]

def _fps(points, mask, m):
    pts = points.astype(jnp.float64)
    first = jnp.argmax(mask)
    dists = jnp.where(mask, jnp.inf, -jnp.inf)
    sel = jnp.zeros((m,), dtype=jnp.int64).at[0].set(first)
    def body(i, carry):
        dists, last, sel = carry
        d = ((pts - pts[last]) ** 2).sum(axis=1)
        dists = jnp.minimum(dists, d)
        last = jnp.argmax(dists)
        sel = sel.at[i].set(last)
        return (dists, last, sel)
    _, _, sel = jax.lax.fori_loop(1, m, body, (dists, first, sel))
    return sel

def setup_inputs(seed: int = 0):
    key = jax.random.key(seed)
    ks = jax.random.split(key, 12)
    N = 524288
    coords = jax.random.normal(ks[0], (N, 3), dtype=jnp.float32)
    features = jax.random.normal(ks[1], (N, 16), dtype=jnp.float32)
    batch_ids = jnp.sort(jax.random.randint(ks[2], (N,), 0, 4)).astype(jnp.int64)
    dims = [16, 64, 128, TOKEN_DIM]
    inp = {"coords": coords, "features": features, "batch_ids": batch_ids}
    for i in range(3):
        inp["W%d" % i] = jax.random.normal(ks[3 + i], (dims[i], dims[i + 1]), dtype=jnp.float32) / np.sqrt(dims[i])
        inp["b%d" % i] = jnp.zeros((dims[i + 1],), dtype=jnp.float32)
    inp["Wn0"] = jax.random.normal(ks[6], (TOKEN_DIM, TOKEN_DIM), dtype=jnp.float32) / np.sqrt(TOKEN_DIM)
    inp["bn0"] = jnp.zeros((TOKEN_DIM,), dtype=jnp.float32)
    inp["Wn1"] = jax.random.normal(ks[7], (TOKEN_DIM, TOKEN_DIM), dtype=jnp.float32) / np.sqrt(TOKEN_DIM)
    inp["bn1"] = jnp.zeros((TOKEN_DIM,), dtype=jnp.float32)
    return inp

def reference(coords, features, batch_ids, W0, b0, W1, b1, W2, b2, Wn0, bn0, Wn1, bn1):
    Ws = [W0, W1, W2]
    bs = [b0, b1, b2]
    time_col = features[:, -1:]
    batch_size = 4
    pts_all = jnp.concatenate([coords, time_col], axis=-1)
    all_f = _mlp(features, Ws, bs)
    toks_l, cent_l, mask_l = [], [], []
    for b in range(batch_size):
        mask_b = batch_ids == b
        fpsi = _fps(pts_all, mask_b, MAX_TOKENS)
        cent = pts_all[fpsi]
        d2 = (cent ** 2).sum(1)[:, None] + (pts_all ** 2).sum(1)[None, :] - 2.0 * (cent @ pts_all.T)
        k = K_NEIGHBORS
        _, knni = jax.lax.top_k(jnp.where(mask_b[None, :], -d2, -jnp.inf), k)
        g = all_f[knni.reshape(-1)].reshape(MAX_TOKENS, k, TOKEN_DIM)
        pooled = jnp.max(g, axis=1)
        toks = jax.nn.relu(pooled @ Wn0 + bn0) @ Wn1 + bn1
        nvalid = MAX_TOKENS
        order = jnp.argsort(cent[:nvalid, 3])
        cent = cent.at[:nvalid].set(cent[:nvalid][order])
        toks = toks.at[:nvalid].set(toks[:nvalid][order])
        mask = jnp.zeros((MAX_TOKENS,), dtype=bool).at[:nvalid].set(True)
        toks_l.append(toks)
        cent_l.append(cent)
        mask_l.append(mask)
    return jnp.stack(toks_l, 0), jnp.stack(cent_l, 0), jnp.stack(mask_l, 0)

if __name__ == "__main__":
    import jax
    _d = setup_inputs()
    print(jax.jit(kernel)(*tuple(_d.values())))

</pallas_src>

<mosaic_0001>
#map = affine_map<(d0, d1) -> (0, 0)>
#map1 = affine_map<(d0, d1) -> (0)>
module attributes {stable_mosaic.version = 14 : i64} {
  func.func @k(%arg0: i32, %arg1: i32, %arg2: memref<65536x128xf32, #tpu.memory_space<hbm>>, %arg3: memref<8192xi32, #tpu.memory_space<hbm>>, %arg4: memref<8192x128xf32, #tpu.memory_space<hbm>>, %arg5: memref<128xi32, #tpu.memory_space<vmem>>, %arg6: memref<128x128xf32, #tpu.memory_space<vmem>>, %arg7: memref<!tpu.dma_semaphore, #tpu.memory_space<semaphore_mem>>) attributes {dimension_semantics = [#tpu.dimension_semantics<core_parallel>, #tpu.dimension_semantics<subcore_parallel>], iteration_bounds = array<i64: 2, 16>, scalar_prefetch = 0 : i64, scratch_operands = 3 : i64, tpu.core_type = #tpu.core_type<sc_vector_subcore>, window_params = [{transform_indices = #map}, {transform_indices = #map1}, {transform_indices = #map}]} {
    %mul3A = arith.constant 2 : i32
    %mul3A_0 = arith.muli %arg1, %mul3A : i32
    %add3A = arith.addi %mul3A_0, %arg0 : i32
    %mul3A_1 = arith.constant 256 : i32
    %mul3A_2 = arith.muli %add3A, %mul3A_1 : i32
    %add3A_3 = arith.constant 0 : i32
    %add3A_4 = arith.addi %mul3A_2, %add3A_3 : i32
    "tpu.region"() ({
      %run_scoped3A = tpu.sem_alloc : memref<!tpu.dma_semaphore, #tpu.memory_space<semaphore_mem>>
      %dma_start3A_17 = tpu.memref_slice %arg3[%add3A_4] : memref<8192xi32, #tpu.memory_space<hbm>> -> memref<128xi32, #tpu.memory_space<hbm>>
      %dma_start3A_18 = tpu.memref_slice %arg3[%add3A_4] : memref<8192xi32, #tpu.memory_space<hbm>> -> memref<128xi32, #tpu.memory_space<hbm>>
      tpu.enqueue_dma source(%dma_start3A_18 : memref<128xi32, #tpu.memory_space<hbm>>) target(%arg5 : memref<128xi32, #tpu.memory_space<vmem>>) target_semaphore(%run_scoped3A : memref<!tpu.dma_semaphore, #tpu.memory_space<semaphore_mem>>)
      %dma_wait3A_19 = tpu.memref_slice %arg3[%add3A_4] : memref<8192xi32, #tpu.memory_space<hbm>> -> memref<128xi32, #tpu.memory_space<hbm>>
      %dma_wait3A_20 = tpu.memref_slice %arg3[%add3A_4] : memref<8192xi32, #tpu.memory_space<hbm>> -> memref<128xi32, #tpu.memory_space<hbm>>
      tpu.wait_dma2 semaphore(%run_scoped3A : memref<!tpu.dma_semaphore, #tpu.memory_space<semaphore_mem>>) src(%dma_wait3A_20 : memref<128xi32, #tpu.memory_space<hbm>>) dst(%arg5 : memref<128xi32, #tpu.memory_space<vmem>>)
      tpu.yield
    }) : () -> ()
    %dma_start3A = arith.constant 0 : i32
    %dma_start3A_5 = arith.constant 0 : i32
    %dma_start3A_6 = tpu.memref_slice %arg2[%dma_start3A, %dma_start3A_5] : memref<65536x128xf32, #tpu.memory_space<hbm>> -> memref<65536x128xf32, #tpu.memory_space<hbm>>
    tpu.enqueue_indirect_dma source(%dma_start3A_6 : memref<65536x128xf32, #tpu.memory_space<hbm>>) target(%arg6 : memref<128x128xf32, #tpu.memory_space<vmem>>) offsets(%arg5 : memref<128xi32, #tpu.memory_space<vmem>>) semaphore(%arg7 : memref<!tpu.dma_semaphore, #tpu.memory_space<semaphore_mem>>)
    %dma_wait3A = arith.constant 0 : i32
    %dma_wait3A_7 = arith.constant 0 : i32
    %dma_wait3A_8 = tpu.memref_slice %arg2[%dma_wait3A, %dma_wait3A_7] : memref<65536x128xf32, #tpu.memory_space<hbm>> -> memref<65536x128xf32, #tpu.memory_space<hbm>>
    tpu.wait_indirect_dma semaphore(%arg7 : memref<!tpu.dma_semaphore, #tpu.memory_space<semaphore_mem>>) src(%dma_wait3A_8 : memref<65536x128xf32, #tpu.memory_space<hbm>>) dst(%arg6 : memref<128x128xf32, #tpu.memory_space<vmem>>)
    "tpu.region"() ({
      %run_scoped3A = tpu.sem_alloc : memref<!tpu.dma_semaphore, #tpu.memory_space<semaphore_mem>>
      %dma_start3A_17 = arith.constant 0 : i32
      %dma_start3A_18 = tpu.memref_slice %arg4[%add3A_4, %dma_start3A_17] : memref<8192x128xf32, #tpu.memory_space<hbm>> -> memref<128x128xf32, #tpu.memory_space<hbm>>
      %dma_start3A_19 = arith.constant 0 : i32
      %dma_start3A_20 = tpu.memref_slice %arg4[%add3A_4, %dma_start3A_19] : memref<8192x128xf32, #tpu.memory_space<hbm>> -> memref<128x128xf32, #tpu.memory_space<hbm>>
      tpu.enqueue_dma source(%arg6 : memref<128x128xf32, #tpu.memory_space<vmem>>) target(%dma_start3A_20 : memref<128x128xf32, #tpu.memory_space<hbm>>) target_semaphore(%run_scoped3A : memref<!tpu.dma_semaphore, #tpu.memory_space<semaphore_mem>>)
      %dma_wait3A_21 = arith.constant 0 : i32
      %dma_wait3A_22 = tpu.memref_slice %arg4[%add3A_4, %dma_wait3A_21] : memref<8192x128xf32, #tpu.memory_space<hbm>> -> memref<128x128xf32, #tpu.memory_space<hbm>>
      %dma_wait3A_23 = arith.constant 0 : i32
      %dma_wait3A_24 = tpu.memref_slice %arg4[%add3A_4, %dma_wait3A_23] : memref<8192x128xf32, #tpu.memory_space<hbm>> -> memref<128x128xf32, #tpu.memory_space<hbm>>
      tpu.wait_dma2 semaphore(%run_scoped3A : memref<!tpu.dma_semaphore, #tpu.memory_space<semaphore_mem>>) src(%arg6 : memref<128x128xf32, #tpu.memory_space<vmem>>) dst(%dma_wait3A_24 : memref<128x128xf32, #tpu.memory_space<hbm>>)
      tpu.yield
    }) : () -> ()
    %add3A_9 = arith.constant 128 : i32
    %add3A_10 = arith.addi %mul3A_2, %add3A_9 : i32
    "tpu.region"() ({
      %run_scoped3A = tpu.sem_alloc : memref<!tpu.dma_semaphore, #tpu.memory_space<semaphore_mem>>
      %dma_start3A_17 = tpu.memref_slice %arg3[%add3A_10] : memref<8192xi32, #tpu.memory_space<hbm>> -> memref<128xi32, #tpu.memory_space<hbm>>
      %dma_start3A_18 = tpu.memref_slice %arg3[%add3A_10] : memref<8192xi32, #tpu.memory_space<hbm>> -> memref<128xi32, #tpu.memory_space<hbm>>
      tpu.enqueue_dma source(%dma_start3A_18 : memref<128xi32, #tpu.memory_space<hbm>>) target(%arg5 : memref<128xi32, #tpu.memory_space<vmem>>) target_semaphore(%run_scoped3A : memref<!tpu.dma_semaphore, #tpu.memory_space<semaphore_mem>>)
      %dma_wait3A_19 = tpu.memref_slice %arg3[%add3A_10] : memref<8192xi32, #tpu.memory_space<hbm>> -> memref<128xi32, #tpu.memory_space<hbm>>
      %dma_wait3A_20 = tpu.memref_slice %arg3[%add3A_10] : memref<8192xi32, #tpu.memory_space<hbm>> -> memref<128xi32, #tpu.memory_space<hbm>>
      tpu.wait_dma2 semaphore(%run_scoped3A : memref<!tpu.dma_semaphore, #tpu.memory_space<semaphore_mem>>) src(%dma_wait3A_20 : memref<128xi32, #tpu.memory_space<hbm>>) dst(%arg5 : memref<128xi32, #tpu.memory_space<vmem>>)
      tpu.yield
    }) : () -> ()
    %dma_start3A_11 = arith.constant 0 : i32
    %dma_start3A_12 = arith.constant 0 : i32
    %dma_start3A_13 = tpu.memref_slice %arg2[%dma_start3A_11, %dma_start3A_12] : memref<65536x128xf32, #tpu.memory_space<hbm>> -> memref<65536x128xf32, #tpu.memory_space<hbm>>
    tpu.enqueue_indirect_dma source(%dma_start3A_13 : memref<65536x128xf32, #tpu.memory_space<hbm>>) target(%arg6 : memref<128x128xf32, #tpu.memory_space<vmem>>) offsets(%arg5 : memref<128xi32, #tpu.memory_space<vmem>>) semaphore(%arg7 : memref<!tpu.dma_semaphore, #tpu.memory_space<semaphore_mem>>)
    %dma_wait3A_14 = arith.constant 0 : i32
    %dma_wait3A_15 = arith.constant 0 : i32
    %dma_wait3A_16 = tpu.memref_slice %arg2[%dma_wait3A_14, %dma_wait3A_15] : memref<65536x128xf32, #tpu.memory_space<hbm>> -> memref<65536x128xf32, #tpu.memory_space<hbm>>
    tpu.wait_indirect_dma semaphore(%arg7 : memref<!tpu.dma_semaphore, #tpu.memory_space<semaphore_mem>>) src(%dma_wait3A_16 : memref<65536x128xf32, #tpu.memory_space<hbm>>) dst(%arg6 : memref<128x128xf32, #tpu.memory_space<vmem>>)
    "tpu.region"() ({
      %run_scoped3A = tpu.sem_alloc : memref<!tpu.dma_semaphore, #tpu.memory_space<semaphore_mem>>
      %dma_start3A_17 = arith.constant 0 : i32
      %dma_start3A_18 = tpu.memref_slice %arg4[%add3A_10, %dma_start3A_17] : memref<8192x128xf32, #tpu.memory_space<hbm>> -> memref<128x128xf32, #tpu.memory_space<hbm>>
      %dma_start3A_19 = arith.constant 0 : i32
      %dma_start3A_20 = tpu.memref_slice %arg4[%add3A_10, %dma_start3A_19] : memref<8192x128xf32, #tpu.memory_space<hbm>> -> memref<128x128xf32, #tpu.memory_space<hbm>>
      tpu.enqueue_dma source(%arg6 : memref<128x128xf32, #tpu.memory_space<vmem>>) target(%dma_start3A_20 : memref<128x128xf32, #tpu.memory_space<hbm>>) target_semaphore(%run_scoped3A : memref<!tpu.dma_semaphore, #tpu.memory_space<semaphore_mem>>)
      %dma_wait3A_21 = arith.constant 0 : i32
      %dma_wait3A_22 = tpu.memref_slice %arg4[%add3A_10, %dma_wait3A_21] : memref<8192x128xf32, #tpu.memory_space<hbm>> -> memref<128x128xf32, #tpu.memory_space<hbm>>
      %dma_wait3A_23 = arith.constant 0 : i32
      %dma_wait3A_24 = tpu.memref_slice %arg4[%add3A_10, %dma_wait3A_23] : memref<8192x128xf32, #tpu.memory_space<hbm>> -> memref<128x128xf32, #tpu.memory_space<hbm>>
      tpu.wait_dma2 semaphore(%run_scoped3A : memref<!tpu.dma_semaphore, #tpu.memory_space<semaphore_mem>>) src(%arg6 : memref<128x128xf32, #tpu.memory_space<vmem>>) dst(%dma_wait3A_24 : memref<128x128xf32, #tpu.memory_space<hbm>>)
      tpu.yield
    }) : () -> ()
    return
  }
}

module attributes {stable_mosaic.version = 14 : i64} {
  func.func @_fps_knn_body(%arg0: i32, %arg1: memref<5xi32, #tpu.memory_space<smem>>, %arg2: memref<16384x128xf32, #tpu.memory_space<vmem>>, %arg3: memref<1x128x4xf32, #tpu.memory_space<vmem>>, %arg4: memref<1x128x16xi32, #tpu.memory_space<vmem>>, %arg5: memref<4096x128xf32, #tpu.memory_space<vmem>>, %arg6: memref<128x1024xf32, #tpu.memory_space<vmem>>) attributes {dimension_semantics = [#tpu.dimension_semantics<parallel>], iteration_bounds = array<i64: 4>, scalar_prefetch = 1 : i64, scratch_operands = 2 : i64, tpu.core_type = #tpu.core_type<tc>, window_params = [{pipeline_mode = #tpu.pipeline_mode<synchronous>, transform_indices = @transform_0, window_bounds = array<i64: 16384, 128>}, {transform_indices = @transform_1, window_bounds = array<i64: 1, 128, 4>}, {transform_indices = @transform_2, window_bounds = array<i64: 1, 128, 16>}]} {
    %get3A = arith.index_cast %arg0 : i32 to index
    %get3A_0 = memref.load %arg1[%get3A] : memref<5xi32, #tpu.memory_space<smem>>
    %add3A = arith.constant 1 : i32
    %add3A_1 = arith.addi %arg0, %add3A : i32
    %get3A_2 = arith.index_cast %add3A_1 : i32 to index
    %get3A_3 = memref.load %arg1[%get3A_2] : memref<5xi32, #tpu.memory_space<smem>>
    %iota3A = tpu.iota {dimensions = array<i32: 1>} : vector<1x128xi32>
    %iota3A_4 = tpu.iota {dimensions = array<i32: 0>} : vector<4096x128xi32>
    %mul3A = arith.constant 128 : i32
    %mul3A_5 = vector.broadcast %mul3A : i32 to vector<4096x128xi32>
    %mul3A_6 = arith.muli %iota3A_4, %mul3A_5 : vector<4096x128xi32>
    %iota3A_7 = tpu.iota {dimensions = array<i32: 1>} : vector<4096x128xi32>
    %add3A_8 = arith.addi %mul3A_6, %iota3A_7 : vector<4096x128xi32>
    %ge3A = vector.broadcast %get3A_0 : i32 to vector<4096x128xi32>
    %ge3A_9 = arith.cmpi sge, %add3A_8, %ge3A : vector<4096x128xi32>
    %lt3A = vector.broadcast %get3A_3 : i32 to vector<4096x128xi32>
    %lt3A_10 = arith.cmpi slt, %add3A_8, %lt3A : vector<4096x128xi32>
    %and3A = arith.andi %ge3A_9, %lt3A_10 : vector<4096x128xi1>
    %neg3A = arith.constant 0.000000e+00 : f32
    %neg3A_11 = arith.constant 0x7F800000 : f32
    %neg3A_12 = arith.subf %neg3A, %neg3A_11 : f32
    %jit3A = arith.constant 0x7F800000 : f32
    %broadcast_in_dim3A = vector.broadcast %jit3A : f32 to vector<4096x128xf32>
    %broadcast_in_dim3A_13 = vector.broadcast %neg3A_12 : f32 to vector<4096x128xf32>
    %select_n3A = arith.select %and3A, %broadcast_in_dim3A, %broadcast_in_dim3A_13 : vector<4096x128xi1>, vector<4096x128xf32>
    %swap3A = arith.constant 0 : index
    %swap3A_14 = arith.constant 0 : index
    %swap3A_15 = vector.load %arg5[%swap3A, %swap3A_14] : memref<4096x128xf32, #tpu.memory_space<vmem>>, vector<4096x128xf32>
    tpu.vector_store %arg5[%swap3A, %swap3A_14], %select_n3A {strides = array<i32>} : memref<4096x128xf32, #tpu.memory_space<vmem>>, vector<4096x128xf32>,
    %jit3A_16 = arith.constant 128 : i32
    %div3A = arith.divsi %get3A_0, %jit3A_16 : i32
    %sign3A = arith.constant 0 : i32
    %sign3A_17 = arith.cmpi sgt, %get3A_0, %sign3A : i32
    %sign3A_18 = arith.extui %sign3A_17 : i1 to i32
    %sign3A_19 = arith.constant 0 : i32
    %sign3A_20 = arith.cmpi slt, %get3A_0, %sign3A_19 : i32
    %sign3A_21 = arith.extui %sign3A_20 : i1 to i32
    %sign3A_22 = arith.subi %sign3A_18, %sign3A_21 : i32
    %sign3A_23 = arith.constant 0 : i32
    %sign3A_24 = arith.cmpi sgt, %jit3A_16, %sign3A_23 : i32
    %sign3A_25 = arith.extui %sign3A_24 : i1 to i32
    %sign3A_26 = arith.constant 0 : i32
    %sign3A_27 = arith.cmpi slt, %jit3A_16, %sign3A_26 : i32
    %sign3A_28 = arith.extui %sign3A_27 : i1 to i32
    %sign3A_29 = arith.subi %sign3A_25, %sign3A_28 : i32
    %ne3A = arith.cmpi ne, %sign3A_22, %sign3A_29 : i32
    %rem3A = arith.remsi %get3A_0, %jit3A_16 : i32
    %ne3A_30 = arith.constant 0 : i32
    %ne3A_31 = arith.cmpi ne, %rem3A, %ne3A_30 : i32
    %and3A_32 = arith.andi %ne3A, %ne3A_31 : i1
    %sub3A = arith.constant 1 : i32
    %sub3A_33 = arith.subi %div3A, %sub3A : i32
    %select_n3A_34 = arith.select %and3A_32, %sub3A_33, %div3A : i32
    %jit3A_35 = arith.constant 128 : i32
    %eq3A = arith.constant 0 : i32
    %eq3A_36 = arith.cmpi eq, %jit3A_35, %eq3A : i32
    %jit3A_37 = arith.constant 1 : i32
    %select_n3A_38 = arith.select %eq3A_36, %jit3A_37, %jit3A_35 : i32
    %rem3A_39 = arith.remsi %get3A_0, %select_n3A_38 : i32
    %ne3A_40 = arith.constant 0 : i32
    %ne3A_41 = arith.cmpi ne, %rem3A_39, %ne3A_40 : i32
    %lt3A_42 = arith.constant 0 : i32
    %lt3A_43 = arith.cmpi slt, %rem3A_39, %lt3A_42 : i32
    %lt3A_44 = arith.constant 0 : i32
    %lt3A_45 = arith.cmpi slt, %select_n3A_38, %lt3A_44 : i32
    %ne3A_46 = arith.xori %lt3A_43, %lt3A_45 : i1
    %and3A_47 = arith.andi %ne3A_46, %ne3A_41 : i1
    %add3A_48 = arith.addi %rem3A_39, %select_n3A_38 : i32
    %select_n3A_49 = arith.select %and3A_47, %add3A_48, %rem3A_39 : i32
    %eq3A_50 = vector.broadcast %select_n3A_49 : i32 to vector<1x128xi32>
    %eq3A_51 = arith.cmpi eq, %iota3A, %eq3A_50 : vector<1x128xi32>
    %add3A_52 = arith.constant 0 : i32
    %add3A_53 = arith.addi %add3A_52, %select_n3A_34 : i32
    %get3A_54 = arith.index_cast %add3A_53 : i32 to index
    %get3A_55 = arith.constant 0 : index
    %get3A_56 = vector.load %arg2[%get3A_54, %get3A_55] : memref<16384x128xf32, #tpu.memory_space<vmem>>, vector<1x128xf32>
    %jit3A_57 = arith.constant 0.000000e+00 : f32
    %broadcast_in_dim3A_58 = vector.broadcast %jit3A_57 : f32 to vector<1x128xf32>
    %select_n3A_59 = arith.select %eq3A_51, %get3A_56, %broadcast_in_dim3A_58 : vector<1x128xi1>, vector<1x128xf32>
    %reduce_sum3A = vector.shape_cast %select_n3A_59 : vector<1x128xf32> to vector<1x1x128xf32>
    %reduce_sum3A_60 = arith.constant dense<0.000000e+00> : vector<1xf32>
    %reduce_sum3A_61 = vector.multi_reduction <add>, %reduce_sum3A, %reduce_sum3A_60 [1, 2] : vector<1x1x128xf32> to vector<1xf32>
    %reduce_sum3A_62 = vector.shape_cast %reduce_sum3A_61 : vector<1xf32> to vector<1x1x1xf32>
    %reduce_sum3A_63 = vector.extract %reduce_sum3A_62[0, 0, 0] : f32 from vector<1x1x1xf32>
    %add3A_64 = arith.constant 4096 : i32
    %add3A_65 = arith.addi %add3A_64, %select_n3A_34 : i32
    %get3A_66 = arith.index_cast %add3A_65 : i32 to index
    %get3A_67 = arith.constant 0 : index
    %get3A_68 = vector.load %arg2[%get3A_66, %get3A_67] : memref<16384x128xf32, #tpu.memory_space<vmem>>, vector<1x128xf32>
    %jit3A_69 = arith.constant 0.000000e+00 : f32
    %broadcast_in_dim3A_70 = vector.broadcast %jit3A_69 : f32 to vector<1x128xf32>
    %select_n3A_71 = arith.select %eq3A_51, %get3A_68, %broadcast_in_dim3A_70 : vector<1x128xi1>, vector<1x128xf32>
    %reduce_sum3A_72 = vector.shape_cast %select_n3A_71 : vector<1x128xf32> to vector<1x1x128xf32>
    %reduce_sum3A_73 = arith.constant dense<0.000000e+00> : vector<1xf32>
    %reduce_sum3A_74 = vector.multi_reduction <add>, %reduce_sum3A_72, %reduce_sum3A_73 [1, 2] : vector<1x1x128xf32> to vector<1xf32>
    %reduce_sum3A_75 = vector.shape_cast %reduce_sum3A_74 : vector<1xf32> to vector<1x1x1xf32>
    %reduce_sum3A_76 = vector.extract %reduce_sum3A_75[0, 0, 0] : f32 from vector<1x1x1xf32>
    %add3A_77 = arith.constant 8192 : i32
    %add3A_78 = arith.addi %add3A_77, %select_n3A_34 : i32
    %get3A_79 = arith.index_cast %add3A_78 : i32 to index
    %get3A_80 = arith.constant 0 : index
    %get3A_81 = vector.load %arg2[%get3A_79, %get3A_80] : memref<16384x128xf32, #tpu.memory_space<vmem>>, vector<1x128xf32>
    %jit3A_82 = arith.constant 0.000000e+00 : f32
    %broadcast_in_dim3A_83 = vector.broadcast %jit3A_82 : f32 to vector<1x128xf32>
    %select_n3A_84 = arith.select %eq3A_51, %get3A_81, %broadcast_in_dim3A_83 : vector<1x128xi1>, vector<1x128xf32>
    %reduce_sum3A_85 = vector.shape_cast %select_n3A_84 : vector<1x128xf32> to vector<1x1x128xf32>
    %reduce_sum3A_86 = arith.constant dense<0.000000e+00> : vector<1xf32>
    %reduce_sum3A_87 = vector.multi_reduction <add>, %reduce_sum3A_85, %reduce_sum3A_86 [1, 2] : vector<1x1x128xf32> to vector<1xf32>
    %reduce_sum3A_88 = vector.shape_cast %reduce_sum3A_87 : vector<1xf32> to vector<1x1x1xf32>
    %reduce_sum3A_89 = vector.extract %reduce_sum3A_88[0, 0, 0] : f32 from vector<1x1x1xf32>
    %add3A_90 = arith.constant 12288 : i32
    %add3A_91 = arith.addi %add3A_90, %select_n3A_34 : i32
    %get3A_92 = arith.index_cast %add3A_91 : i32 to index
    %get3A_93 = arith.constant 0 : index
    %get3A_94 = vector.load %arg2[%get3A_92, %get3A_93] : memref<16384x128xf32, #tpu.memory_space<vmem>>, vector<1x128xf32>
    %jit3A_95 = arith.constant 0.000000e+00 : f32
    %broadcast_in_dim3A_96 = vector.broadcast %jit3A_95 : f32 to vector<1x128xf32>
    %select_n3A_97 = arith.select %eq3A_51, %get3A_94, %broadcast_in_dim3A_96 : vector<1x128xi1>, vector<1x128xf32>
    %reduce_sum3A_98 = vector.shape_cast %select_n3A_97 : vector<1x128xf32> to vector<1x1x128xf32>
    %reduce_sum3A_99 = arith.constant dense<0.000000e+00> : vector<1xf32>
    %reduce_sum3A_100 = vector.multi_reduction <add>, %reduce_sum3A_98, %reduce_sum3A_99 [1, 2] : vector<1x1x128xf32> to vector<1xf32>
    %reduce_sum3A_101 = vector.shape_cast %reduce_sum3A_100 : vector<1xf32> to vector<1x1x1xf32>
    %reduce_sum3A_102 = vector.extract %reduce_sum3A_101[0, 0, 0] : f32 from vector<1x1x1xf32>
    %jit3A_103 = arith.constant 128 : i32
    %div3A_104 = arith.divsi %get3A_0, %jit3A_103 : i32
    %sign3A_105 = arith.constant 0 : i32
    %sign3A_106 = arith.cmpi sgt, %get3A_0, %sign3A_105 : i32
    %sign3A_107 = arith.extui %sign3A_106 : i1 to i32
    %sign3A_108 = arith.constant 0 : i32
    %sign3A_109 = arith.cmpi slt, %get3A_0, %sign3A_108 : i32
    %sign3A_110 = arith.extui %sign3A_109 : i1 to i32
    %sign3A_111 = arith.subi %sign3A_107, %sign3A_110 : i32
    %sign3A_112 = arith.constant 0 : i32
    %sign3A_113 = arith.cmpi sgt, %jit3A_103, %sign3A_112 : i32
    %sign3A_114 = arith.extui %sign3A_113 : i1 to i32
    %sign3A_115 = arith.constant 0 : i32
    %sign3A_116 = arith.cmpi slt, %jit3A_103, %sign3A_115 : i32
    %sign3A_117 = arith.extui %sign3A_116 : i1 to i32
    %sign3A_118 = arith.subi %sign3A_114, %sign3A_117 : i32
    %ne3A_119 = arith.cmpi ne, %sign3A_111, %sign3A_118 : i32
    %rem3A_120 = arith.remsi %get3A_0, %jit3A_103 : i32
    %ne3A_121 = arith.constant 0 : i32
    %ne3A_122 = arith.cmpi ne, %rem3A_120, %ne3A_121 : i32
    %and3A_123 = arith.andi %ne3A_119, %ne3A_122 : i1
    %sub3A_124 = arith.constant 1 : i32
    %sub3A_125 = arith.subi %div3A_104, %sub3A_124 : i32
    %select_n3A_126 = arith.select %and3A_123, %sub3A_125, %div3A_104 : i32
    %add3A_127 = arith.constant 127 : i32
    %add3A_128 = arith.addi %get3A_3, %add3A_127 : i32
    %jit3A_129 = arith.constant 128 : i32
    %div3A_130 = arith.divsi %add3A_128, %jit3A_129 : i32
    %sign3A_131 = arith.constant 0 : i32
    %sign3A_132 = arith.cmpi sgt, %add3A_128, %sign3A_131 : i32
    %sign3A_133 = arith.extui %sign3A_132 : i1 to i32
    %sign3A_134 = arith.constant 0 : i32
    %sign3A_135 = arith.cmpi slt, %add3A_128, %sign3A_134 : i32
    %sign3A_136 = arith.extui %sign3A_135 : i1 to i32
    %sign3A_137 = arith.subi %sign3A_133, %sign3A_136 : i32
    %sign3A_138 = arith.constant 0 : i32
    %sign3A_139 = arith.cmpi sgt, %jit3A_129, %sign3A_138 : i32
    %sign3A_140 = arith.extui %sign3A_139 : i1 to i32
    %sign3A_141 = arith.constant 0 : i32
    %sign3A_142 = arith.cmpi slt, %jit3A_129, %sign3A_141 : i32
    %sign3A_143 = arith.extui %sign3A_142 : i1 to i32
    %sign3A_144 = arith.subi %sign3A_140, %sign3A_143 : i32
    %ne3A_145 = arith.cmpi ne, %sign3A_137, %sign3A_144 : i32
    %rem3A_146 = arith.remsi %add3A_128, %jit3A_129 : i32
    %ne3A_147 = arith.constant 0 : i32
    %ne3A_148 = arith.cmpi ne, %rem3A_146, %ne3A_147 : i32
    %and3A_149 = arith.andi %ne3A_145, %ne3A_148 : i1
    %sub3A_150 = arith.constant 1 : i32
    %sub3A_151 = arith.subi %div3A_130, %sub3A_150 : i32
    %select_n3A_152 = arith.select %and3A_149, %sub3A_151, %div3A_130 : i32
    %sub3A_153 = arith.subi %select_n3A_152, %select_n3A_126 : i32
    %add3A_154 = arith.constant 511 : i32
    %add3A_155 = arith.addi %sub3A_153, %add3A_154 : i32
    %jit3A_156 = arith.constant 512 : i32
    %div3A_157 = arith.divsi %add3A_155, %jit3A_156 : i32
    %sign3A_158 = arith.constant 0 : i32
    %sign3A_159 = arith.cmpi sgt, %add3A_155, %sign3A_158 : i32
    %sign3A_160 = arith.extui %sign3A_159 : i1 to i32
    %sign3A_161 = arith.constant 0 : i32
    %sign3A_162 = arith.cmpi slt, %add3A_155, %sign3A_161 : i32
    %sign3A_163 = arith.extui %sign3A_162 : i1 to i32
    %sign3A_164 = arith.subi %sign3A_160, %sign3A_163 : i32
    %sign3A_165 = arith.constant 0 : i32
    %sign3A_166 = arith.cmpi sgt, %jit3A_156, %sign3A_165 : i32
    %sign3A_167 = arith.extui %sign3A_166 : i1 to i32
    %sign3A_168 = arith.constant 0 : i32
    %sign3A_169 = arith.cmpi slt, %jit3A_156, %sign3A_168 : i32
    %sign3A_170 = arith.extui %sign3A_169 : i1 to i32
    %sign3A_171 = arith.subi %sign3A_167, %sign3A_170 : i32
    %ne3A_172 = arith.cmpi ne, %sign3A_164, %sign3A_171 : i32
    %rem3A_173 = arith.remsi %add3A_155, %jit3A_156 : i32
    %ne3A_174 = arith.constant 0 : i32
    %ne3A_175 = arith.cmpi ne, %rem3A_173, %ne3A_174 : i32
    %and3A_176 = arith.andi %ne3A_172, %ne3A_175 : i1
    %sub3A_177 = arith.constant 1 : i32
    %sub3A_178 = arith.subi %div3A_157, %sub3A_177 : i32
    %select_n3A_179 = arith.select %and3A_176, %sub3A_178, %div3A_157 : i32
    %iota3A_180 = tpu.iota {dimensions = array<i32: 0>} : vector<512x128xi32>
    %mul3A_181 = arith.constant 128 : i32
    %mul3A_182 = vector.broadcast %mul3A_181 : i32 to vector<512x128xi32>
    %mul3A_183 = arith.muli %iota3A_180, %mul3A_182 : vector<512x128xi32>
    %iota3A_184 = tpu.iota {dimensions = array<i32: 1>} : vector<512x128xi32>
    %add3A_185 = arith.addi %mul3A_183, %iota3A_184 : vector<512x128xi32>
    %broadcast_in_dim3A_186 = arith.constant 0.000000e+00 : f32
    %broadcast_in_dim3A_187 = vector.broadcast %broadcast_in_dim3A_186 : f32 to vector<128x4xf32>
    %iota3A_188 = tpu.iota {dimensions = array<i32: 0>} : vector<128x4xi32>
    %eq3A_189 = arith.constant 0 : i32
    %eq3A_190 = vector.broadcast %eq3A_189 : i32 to vector<128x4xi32>
    %eq3A_191 = arith.cmpi eq, %iota3A_188, %eq3A_190 : vector<128x4xi32>
    %iota3A_192 = tpu.iota {dimensions = array<i32: 1>} : vector<128x4xi32>
    %eq3A_193 = arith.constant 0 : i32
    %eq3A_194 = vector.broadcast %eq3A_193 : i32 to vector<128x4xi32>
    %eq3A_195 = arith.cmpi eq, %iota3A_192, %eq3A_194 : vector<128x4xi32>
    %eq3A_196 = arith.constant 1 : i32
    %eq3A_197 = vector.broadcast %eq3A_196 : i32 to vector<128x4xi32>
    %eq3A_198 = arith.cmpi eq, %iota3A_192, %eq3A_197 : vector<128x4xi32>
    %eq3A_199 = arith.constant 2 : i32
    %eq3A_200 = vector.broadcast %eq3A_199 : i32 to vector<128x4xi32>
    %eq3A_201 = arith.cmpi eq, %iota3A_192, %eq3A_200 : vector<128x4xi32>
    %broadcast_in_dim3A_202 = vector.broadcast %reduce_sum3A_89 : f32 to vector<128x4xf32>
    %broadcast_in_dim3A_203 = vector.broadcast %reduce_sum3A_102 : f32 to vector<128x4xf32>
    %select_n3A_204 = arith.select %eq3A_201, %broadcast_in_dim3A_202, %broadcast_in_dim3A_203 : vector<128x4xi1>, vector<128x4xf32>
    %broadcast_in_dim3A_205 = vector.broadcast %reduce_sum3A_76 : f32 to vector<128x4xf32>
    %select_n3A_206 = arith.select %eq3A_198, %broadcast_in_dim3A_205, %select_n3A_204 : vector<128x4xi1>, vector<128x4xf32>
    %broadcast_in_dim3A_207 = vector.broadcast %reduce_sum3A_63 : f32 to vector<128x4xf32>
    %select_n3A_208 = arith.select %eq3A_195, %broadcast_in_dim3A_207, %select_n3A_206 : vector<128x4xi1>, vector<128x4xf32>
    %select_n3A_209 = arith.select %eq3A_191, %select_n3A_208, %broadcast_in_dim3A_187 : vector<128x4xi1>, vector<128x4xf32>
    %scan3A = arith.constant 0x7F800000 : f32
    %scan3A_210 = arith.constant 2147483647 : i32
    %scan3A_211 = arith.constant 1 : i32
    %scan3A_212 = arith.constant 127 : i32
    %scan3A_213 = arith.addi %scan3A_211, %scan3A_212 : i32
    %scan3A_214 = arith.constant 1 : i32
    %scan3A_215:5 = scf.for %scan3A_302 = %scan3A_211 to %scan3A_213 step %scan3A_214 iter_args(%scan3A_303 = %reduce_sum3A_63, %scan3A_304 = %reduce_sum3A_76, %scan3A_305 = %reduce_sum3A_89, %scan3A_306 = %reduce_sum3A_102, %scan3A_307 = %select_n3A_209) -> (f32, f32, f32, f32, vector<128x4xf32>)  : i32 {
      %neg3A_308 = arith.constant 0.000000e+00 : f32
      %neg3A_309 = arith.subf %neg3A_308, %scan3A : f32
      %while3A_310 = arith.constant 0 : i32
      %while3A_311 = arith.constant 0 : i32
      %while3A_312 = arith.subi %select_n3A_179, %while3A_310 : i32
      %while3A_313 = arith.addi %while3A_310, %while3A_312 : i32
      %while3A_314 = arith.constant 1 : i32
      %while3A_315 = arith.divsi %while3A_312, %while3A_314 : i32
      %while3A_316 = arith.muli %while3A_315, %while3A_314 : i32
      %while3A_317 = arith.addi %while3A_310, %while3A_316 : i32
      %while3A_318 = arith.constant 1 : i32
      %while3A_319:2 = scf.for %while3A_452 = %while3A_310 to %while3A_317 step %while3A_318 iter_args(%while3A_453 = %neg3A_309, %while3A_454 = %while3A_311) -> (f32, i32)  : i32 {
        %mul3A_455 = arith.constant 512 : i32
        %mul3A_456 = arith.muli %while3A_452, %mul3A_455 : i32
        %add3A_457 = arith.addi %select_n3A_126, %mul3A_456 : i32
        %min3A = arith.constant 3584 : i32
        %min3A_458 = arith.minsi %add3A_457, %min3A : i32
        %add3A_459 = arith.constant 0 : i32
        %add3A_460 = arith.addi %add3A_459, %min3A_458 : i32
        %get3A_461 = arith.index_cast %add3A_460 : i32 to index
        %get3A_462 = arith.constant 0 : index
        %get3A_463 = vector.load %arg2[%get3A_461, %get3A_462] : memref<16384x128xf32, #tpu.memory_space<vmem>>, vector<512x128xf32>
        %sub3A_464 = vector.broadcast %scan3A_303 : f32 to vector<512x128xf32>
        %sub3A_465 = arith.subf %get3A_463, %sub3A_464 : vector<512x128xf32>
        %mul3A_466 = arith.mulf %sub3A_465, %sub3A_465 : vector<512x128xf32>
        %add3A_467 = arith.constant 4096 : i32
        %add3A_468 = arith.addi %add3A_467, %min3A_458 : i32
        %get3A_469 = arith.index_cast %add3A_468 : i32 to index
        %get3A_470 = arith.constant 0 : index
        %get3A_471 = vector.load %arg2[%get3A_469, %get3A_470] : memref<16384x128xf32, #tpu.memory_space<vmem>>, vector<512x128xf32>
        %sub3A_472 = vector.broadcast %scan3A_304 : f32 to vector<512x128xf32>
        %sub3A_473 = arith.subf %get3A_471, %sub3A_472 : vector<512x128xf32>
        %mul3A_474 = arith.mulf %sub3A_473, %sub3A_473 : vector<512x128xf32>
        %add3A_475 = arith.addf %mul3A_466, %mul3A_474 : vector<512x128xf32>
        %add3A_476 = arith.constant 8192 : i32
        %add3A_477 = arith.addi %add3A_476, %min3A_458 : i32
        %get3A_478 = arith.index_cast %add3A_477 : i32 to index
        %get3A_479 = arith.constant 0 : index
        %get3A_480 = vector.load %arg2[%get3A_478, %get3A_479] : memref<16384x128xf32, #tpu.memory_space<vmem>>, vector<512x128xf32>
        %sub3A_481 = vector.broadcast %scan3A_305 : f32 to vector<512x128xf32>
        %sub3A_482 = arith.subf %get3A_480, %sub3A_481 : vector<512x128xf32>
        %mul3A_483 = arith.mulf %sub3A_482, %sub3A_482 : vector<512x128xf32>
        %add3A_484 = arith.addf %add3A_475, %mul3A_483 : vector<512x128xf32>
        %add3A_485 = arith.constant 12288 : i32
        %add3A_486 = arith.addi %add3A_485, %min3A_458 : i32
        %get3A_487 = arith.index_cast %add3A_486 : i32 to index
        %get3A_488 = arith.constant 0 : index
        %get3A_489 = vector.load %arg2[%get3A_487, %get3A_488] : memref<16384x128xf32, #tpu.memory_space<vmem>>, vector<512x128xf32>
        %sub3A_490 = vector.broadcast %scan3A_306 : f32 to vector<512x128xf32>
        %sub3A_491 = arith.subf %get3A_489, %sub3A_490 : vector<512x128xf32>
        %mul3A_492 = arith.mulf %sub3A_491, %sub3A_491 : vector<512x128xf32>
        %add3A_493 = arith.addf %add3A_484, %mul3A_492 : vector<512x128xf32>
        %get3A_494 = arith.index_cast %min3A_458 : i32 to index
        %get3A_495 = arith.constant 0 : index
        %get3A_496 = vector.load %arg5[%get3A_494, %get3A_495] : memref<4096x128xf32, #tpu.memory_space<vmem>>, vector<512x128xf32>
        %min3A_497 = arith.minimumf %get3A_496, %add3A_493 : vector<512x128xf32>
        %swap3A_498 = arith.index_cast %min3A_458 : i32 to index
        %swap3A_499 = arith.constant 0 : index
        %swap3A_500 = vector.load %arg5[%swap3A_498, %swap3A_499] : memref<4096x128xf32, #tpu.memory_space<vmem>>, vector<512x128xf32>
        tpu.vector_store %arg5[%swap3A_498, %swap3A_499], %min3A_497 {strides = array<i32>} : memref<4096x128xf32, #tpu.memory_space<vmem>>, vector<512x128xf32>,
        %reduce_max3A = vector.shape_cast %min3A_497 : vector<512x128xf32> to vector<1x512x128xf32>
        %reduce_max3A_501 = arith.constant dense<0xFF800000> : vector<1xf32>
        %reduce_max3A_502 = vector.multi_reduction <maximumf>, %reduce_max3A, %reduce_max3A_501 [1, 2] : vector<1x512x128xf32> to vector<1xf32>
        %reduce_max3A_503 = vector.shape_cast %reduce_max3A_502 : vector<1xf32> to vector<1x1x1xf32>
        %reduce_max3A_504 = vector.extract %reduce_max3A_503[0, 0, 0] : f32 from vector<1x1x1xf32>
        %gt3A = arith.cmpf ogt, %reduce_max3A_504, %while3A_453 : f32
        %select_n3A_505 = arith.select %gt3A, %reduce_max3A_504, %while3A_453 : f32
        %select_n3A_506 = arith.select %gt3A, %min3A_458, %while3A_454 : i32
        scf.yield %select_n3A_505, %select_n3A_506 : f32, i32
      }
      %while3A_320 = arith.constant 1 : i32
      %while3A_321:2 = scf.for %while3A_452 = %while3A_317 to %while3A_313 step %while3A_320 iter_args(%while3A_453 = %while3A_319#0, %while3A_454 = %while3A_319#1) -> (f32, i32)  : i32 {
        %mul3A_455 = arith.constant 512 : i32
        %mul3A_456 = arith.muli %while3A_452, %mul3A_455 : i32
        %add3A_457 = arith.addi %select_n3A_126, %mul3A_456 : i32
        %min3A = arith.constant 3584 : i32
        %min3A_458 = arith.minsi %add3A_457, %min3A : i32
        %add3A_459 = arith.constant 0 : i32
        %add3A_460 = arith.addi %add3A_459, %min3A_458 : i32
        %get3A_461 = arith.index_cast %add3A_460 : i32 to index
        %get3A_462 = arith.constant 0 : index
        %get3A_463 = vector.load %arg2[%get3A_461, %get3A_462] : memref<16384x128xf32, #tpu.memory_space<vmem>>, vector<512x128xf32>
        %sub3A_464 = vector.broadcast %scan3A_303 : f32 to vector<512x128xf32>
        %sub3A_465 = arith.subf %get3A_463, %sub3A_464 : vector<512x128xf32>
        %mul3A_466 = arith.mulf %sub3A_465, %sub3A_465 : vector<512x128xf32>
        %add3A_467 = arith.constant 4096 : i32
        %add3A_468 = arith.addi %add3A_467, %min3A_458 : i32
        %get3A_469 = arith.index_cast %add3A_468 : i32 to index
        %get3A_470 = arith.constant 0 : index
        %get3A_471 = vector.load %arg2[%get3A_469, %get3A_470] : memref<16384x128xf32, #tpu.memory_space<vmem>>, vector<512x128xf32>
        %sub3A_472 = vector.broadcast %scan3A_304 : f32 to vector<512x128xf32>
        %sub3A_473 = arith.subf %get3A_471, %sub3A_472 : vector<512x128xf32>
        %mul3A_474 = arith.mulf %sub3A_473, %sub3A_473 : vector<512x128xf32>
        %add3A_475 = arith.addf %mul3A_466, %mul3A_474 : vector<512x128xf32>
        %add3A_476 = arith.constant 8192 : i32
        %add3A_477 = arith.addi %add3A_476, %min3A_458 : i32
        %get3A_478 = arith.index_cast %add3A_477 : i32 to index
        %get3A_479 = arith.constant 0 : index
        %get3A_480 = vector.load %arg2[%get3A_478, %get3A_479] : memref<16384x128xf32, #tpu.memory_space<vmem>>, vector<512x128xf32>
        %sub3A_481 = vector.broadcast %scan3A_305 : f32 to vector<512x128xf32>
        %sub3A_482 = arith.subf %get3A_480, %sub3A_481 : vector<512x128xf32>
        %mul3A_483 = arith.mulf %sub3A_482, %sub3A_482 : vector<512x128xf32>
        %add3A_484 = arith.addf %add3A_475, %mul3A_483 : vector<512x128xf32>
        %add3A_485 = arith.constant 12288 : i32
        %add3A_486 = arith.addi %add3A_485, %min3A_458 : i32
        %get3A_487 = arith.index_cast %add3A_486 : i32 to index
        %get3A_488 = arith.constant 0 : index
        %get3A_489 = vector.load %arg2[%get3A_487, %get3A_488] : memref<16384x128xf32, #tpu.memory_space<vmem>>, vector<512x128xf32>
        %sub3A_490 = vector.broadcast %scan3A_306 : f32 to vector<512x128xf32>
        %sub3A_491 = arith.subf %get3A_489, %sub3A_490 : vector<512x128xf32>
        %mul3A_492 = arith.mulf %sub3A_491, %sub3A_491 : vector<512x128xf32>
        %add3A_493 = arith.addf %add3A_484, %mul3A_492 : vector<512x128xf32>
        %get3A_494 = arith.index_cast %min3A_458 : i32 to index
        %get3A_495 = arith.constant 0 : index
        %get3A_496 = vector.load %arg5[%get3A_494, %get3A_495] : memref<4096x128xf32, #tpu.memory_space<vmem>>, vector<512x128xf32>
        %min3A_497 = arith.minimumf %get3A_496, %add3A_493 : vector<512x128xf32>
        %swap3A_498 = arith.index_cast %min3A_458 : i32 to index
        %swap3A_499 = arith.constant 0 : index
        %swap3A_500 = vector.load %arg5[%swap3A_498, %swap3A_499] : memref<4096x128xf32, #tpu.memory_space<vmem>>, vector<512x128xf32>
        tpu.vector_store %arg5[%swap3A_498, %swap3A_499], %min3A_497 {strides = array<i32>} : memref<4096x128xf32, #tpu.memory_space<vmem>>, vector<512x128xf32>,
        %reduce_max3A = vector.shape_cast %min3A_497 : vector<512x128xf32> to vector<1x512x128xf32>
        %reduce_max3A_501 = arith.constant dense<0xFF800000> : vector<1xf32>
        %reduce_max3A_502 = vector.multi_reduction <maximumf>, %reduce_max3A, %reduce_max3A_501 [1, 2] : vector<1x512x128xf32> to vector<1xf32>
        %reduce_max3A_503 = vector.shape_cast %reduce_max3A_502 : vector<1xf32> to vector<1x1x1xf32>
        %reduce_max3A_504 = vector.extract %reduce_max3A_503[0, 0, 0] : f32 from vector<1x1x1xf32>
        %gt3A = arith.cmpf ogt, %reduce_max3A_504, %while3A_453 : f32
        %select_n3A_505 = arith.select %gt3A, %reduce_max3A_504, %while3A_453 : f32
        %select_n3A_506 = arith.select %gt3A, %min3A_458, %while3A_454 : i32
        scf.yield %select_n3A_505, %select_n3A_506 : f32, i32
      }
      %get3A_322 = arith.index_cast %while3A_321#1 : i32 to index
      %get3A_323 = arith.constant 0 : index
      %get3A_324 = vector.load %arg5[%get3A_322, %get3A_323] : memref<4096x128xf32, #tpu.memory_space<vmem>>, vector<512x128xf32>
      %eq3A_325 = vector.broadcast %while3A_321#0 : f32 to vector<512x128xf32>
      %eq3A_326 = arith.cmpf oeq, %get3A_324, %eq3A_325 : vector<512x128xf32>
      %mul3A_327 = arith.constant 128 : i32
      %mul3A_328 = arith.muli %while3A_321#1, %mul3A_327 : i32
      %add3A_329 = vector.broadcast %mul3A_328 : i32 to vector<512x128xi32>
      %add3A_330 = arith.addi %add3A_185, %add3A_329 : vector<512x128xi32>
      %broadcast_in_dim3A_331 = vector.broadcast %scan3A_210 : i32 to vector<512x128xi32>
      %select_n3A_332 = arith.select %eq3A_326, %add3A_330, %broadcast_in_dim3A_331 : vector<512x128xi1>, vector<512x128xi32>
      %reduce_min3A = vector.shape_cast %select_n3A_332 : vector<512x128xi32> to vector<1x512x128xi32>
      %reduce_min3A_333 = arith.constant dense<2147483647> : vector<1xi32>
      %reduce_min3A_334 = vector.multi_reduction <minsi>, %reduce_min3A, %reduce_min3A_333 [1, 2] : vector<1x512x128xi32> to vector<1xi32>
      %reduce_min3A_335 = vector.shape_cast %reduce_min3A_334 : vector<1xi32> to vector<1x1x1xi32>
      %reduce_min3A_336 = vector.extract %reduce_min3A_335[0, 0, 0] : i32 from vector<1x1x1xi32>
      %jit3A_337 = arith.constant 128 : i32
      %div3A_338 = arith.divsi %reduce_min3A_336, %jit3A_337 : i32
      %sign3A_339 = arith.constant 0 : i32
      %sign3A_340 = arith.cmpi sgt, %reduce_min3A_336, %sign3A_339 : i32
      %sign3A_341 = arith.extui %sign3A_340 : i1 to i32
      %sign3A_342 = arith.constant 0 : i32
      %sign3A_343 = arith.cmpi slt, %reduce_min3A_336, %sign3A_342 : i32
      %sign3A_344 = arith.extui %sign3A_343 : i1 to i32
      %sign3A_345 = arith.subi %sign3A_341, %sign3A_344 : i32
      %sign3A_346 = arith.constant 0 : i32
      %sign3A_347 = arith.cmpi sgt, %jit3A_337, %sign3A_346 : i32
      %sign3A_348 = arith.extui %sign3A_347 : i1 to i32
      %sign3A_349 = arith.constant 0 : i32
      %sign3A_350 = arith.cmpi slt, %jit3A_337, %sign3A_349 : i32
      %sign3A_351 = arith.extui %sign3A_350 : i1 to i32
      %sign3A_352 = arith.subi %sign3A_348, %sign3A_351 : i32
      %ne3A_353 = arith.cmpi ne, %sign3A_345, %sign3A_352 : i32
      %rem3A_354 = arith.remsi %reduce_min3A_336, %jit3A_337 : i32
      %ne3A_355 = arith.constant 0 : i32
      %ne3A_356 = arith.cmpi ne, %rem3A_354, %ne3A_355 : i32
      %and3A_357 = arith.andi %ne3A_353, %ne3A_356 : i1
      %sub3A_358 = arith.constant 1 : i32
      %sub3A_359 = arith.subi %div3A_338, %sub3A_358 : i32
      %select_n3A_360 = arith.select %and3A_357, %sub3A_359, %div3A_338 : i32
      %jit3A_361 = arith.constant 128 : i32
      %eq3A_362 = arith.constant 0 : i32
      %eq3A_363 = arith.cmpi eq, %jit3A_361, %eq3A_362 : i32
      %jit3A_364 = arith.constant 1 : i32
      %select_n3A_365 = arith.select %eq3A_363, %jit3A_364, %jit3A_361 : i32
      %rem3A_366 = arith.remsi %reduce_min3A_336, %select_n3A_365 : i32
      %ne3A_367 = arith.constant 0 : i32
      %ne3A_368 = arith.cmpi ne, %rem3A_366, %ne3A_367 : i32
      %lt3A_369 = arith.constant 0 : i32
      %lt3A_370 = arith.cmpi slt, %rem3A_366, %lt3A_369 : i32
      %lt3A_371 = arith.constant 0 : i32
      %lt3A_372 = arith.cmpi slt, %select_n3A_365, %lt3A_371 : i32
      %ne3A_373 = arith.xori %lt3A_370, %lt3A_372 : i1
      %and3A_374 = arith.andi %ne3A_373, %ne3A_368 : i1
      %add3A_375 = arith.addi %rem3A_366, %select_n3A_365 : i32
      %select_n3A_376 = arith.select %and3A_374, %add3A_375, %rem3A_366 : i32
      %eq3A_377 = vector.broadcast %select_n3A_376 : i32 to vector<1x128xi32>
      %eq3A_378 = arith.cmpi eq, %iota3A, %eq3A_377 : vector<1x128xi32>
      %add3A_379 = arith.constant 0 : i32
      %add3A_380 = arith.addi %add3A_379, %select_n3A_360 : i32
      %get3A_381 = arith.index_cast %add3A_380 : i32 to index
      %get3A_382 = arith.constant 0 : index
      %get3A_383 = vector.load %arg2[%get3A_381, %get3A_382] : memref<16384x128xf32, #tpu.memory_space<vmem>>, vector<1x128xf32>
      %jit3A_384 = arith.constant 0.000000e+00 : f32
      %broadcast_in_dim3A_385 = vector.broadcast %jit3A_384 : f32 to vector<1x128xf32>
      %select_n3A_386 = arith.select %eq3A_378, %get3A_383, %broadcast_in_dim3A_385 : vector<1x128xi1>, vector<1x128xf32>
      %reduce_sum3A_387 = vector.shape_cast %select_n3A_386 : vector<1x128xf32> to vector<1x1x128xf32>
      %reduce_sum3A_388 = arith.constant dense<0.000000e+00> : vector<1xf32>
      %reduce_sum3A_389 = vector.multi_reduction <add>, %reduce_sum3A_387, %reduce_sum3A_388 [1, 2] : vector<1x1x128xf32> to vector<1xf32>
      %reduce_sum3A_390 = vector.shape_cast %reduce_sum3A_389 : vector<1xf32> to vector<1x1x1xf32>
      %reduce_sum3A_391 = vector.extract %reduce_sum3A_390[0, 0, 0] : f32 from vector<1x1x1xf32>
      %add3A_392 = arith.constant 4096 : i32
      %add3A_393 = arith.addi %add3A_392, %select_n3A_360 : i32
      %get3A_394 = arith.index_cast %add3A_393 : i32 to index
      %get3A_395 = arith.constant 0 : index
      %get3A_396 = vector.load %arg2[%get3A_394, %get3A_395] : memref<16384x128xf32, #tpu.memory_space<vmem>>, vector<1x128xf32>
      %jit3A_397 = arith.constant 0.000000e+00 : f32
      %broadcast_in_dim3A_398 = vector.broadcast %jit3A_397 : f32 to vector<1x128xf32>
      %select_n3A_399 = arith.select %eq3A_378, %get3A_396, %broadcast_in_dim3A_398 : vector<1x128xi1>, vector<1x128xf32>
      %reduce_sum3A_400 = vector.shape_cast %select_n3A_399 : vector<1x128xf32> to vector<1x1x128xf32>
      %reduce_sum3A_401 = arith.constant dense<0.000000e+00> : vector<1xf32>
      %reduce_sum3A_402 = vector.multi_reduction <add>, %reduce_sum3A_400, %reduce_sum3A_401 [1, 2] : vector<1x1x128xf32> to vector<1xf32>
      %reduce_sum3A_403 = vector.shape_cast %reduce_sum3A_402 : vector<1xf32> to vector<1x1x1xf32>
      %reduce_sum3A_404 = vector.extract %reduce_sum3A_403[0, 0, 0] : f32 from vector<1x1x1xf32>
      %add3A_405 = arith.constant 8192 : i32
      %add3A_406 = arith.addi %add3A_405, %select_n3A_360 : i32
      %get3A_407 = arith.index_cast %add3A_406 : i32 to index
      %get3A_408 = arith.constant 0 : index
      %get3A_409 = vector.load %arg2[%get3A_407, %get3A_408] : memref<16384x128xf32, #tpu.memory_space<vmem>>, vector<1x128xf32>
      %jit3A_410 = arith.constant 0.000000e+00 : f32
      %broadcast_in_dim3A_411 = vector.broadcast %jit3A_410 : f32 to vector<1x128xf32>
      %select_n3A_412 = arith.select %eq3A_378, %get3A_409, %broadcast_in_dim3A_411 : vector<1x128xi1>, vector<1x128xf32>
      %reduce_sum3A_413 = vector.shape_cast %select_n3A_412 : vector<1x128xf32> to vector<1x1x128xf32>
      %reduce_sum3A_414 = arith.constant dense<0.000000e+00> : vector<1xf32>
      %reduce_sum3A_415 = vector.multi_reduction <add>, %reduce_sum3A_413, %reduce_sum3A_414 [1, 2] : vector<1x1x128xf32> to vector<1xf32>
      %reduce_sum3A_416 = vector.shape_cast %reduce_sum3A_415 : vector<1xf32> to vector<1x1x1xf32>
      %reduce_sum3A_417 = vector.extract %reduce_sum3A_416[0, 0, 0] : f32 from vector<1x1x1xf32>
      %add3A_418 = arith.constant 12288 : i32
      %add3A_419 = arith.addi %add3A_418, %select_n3A_360 : i32
      %get3A_420 = arith.index_cast %add3A_419 : i32 to index
      %get3A_421 = arith.constant 0 : index
      %get3A_422 = vector.load %arg2[%get3A_420, %get3A_421] : memref<16384x128xf32, #tpu.memory_space<vmem>>, vector<1x128xf32>
      %jit3A_423 = arith.constant 0.000000e+00 : f32
      %broadcast_in_dim3A_424 = vector.broadcast %jit3A_423 : f32 to vector<1x128xf32>
      %select_n3A_425 = arith.select %eq3A_378, %get3A_422, %broadcast_in_dim3A_424 : vector<1x128xi1>, vector<1x128xf32>
      %reduce_sum3A_426 = vector.shape_cast %select_n3A_425 : vector<1x128xf32> to vector<1x1x128xf32>
      %reduce_sum3A_427 = arith.constant dense<0.000000e+00> : vector<1xf32>
      %reduce_sum3A_428 = vector.multi_reduction <add>, %reduce_sum3A_426, %reduce_sum3A_427 [1, 2] : vector<1x1x128xf32> to vector<1xf32>
      %reduce_sum3A_429 = vector.shape_cast %reduce_sum3A_428 : vector<1xf32> to vector<1x1x1xf32>
      %reduce_sum3A_430 = vector.extract %reduce_sum3A_429[0, 0, 0] : f32 from vector<1x1x1xf32>
      %iota3A_431 = tpu.iota {dimensions = array<i32: 0>} : vector<128x4xi32>
      %eq3A_432 = vector.broadcast %scan3A_302 : i32 to vector<128x4xi32>
      %eq3A_433 = arith.cmpi eq, %iota3A_431, %eq3A_432 : vector<128x4xi32>
      %iota3A_434 = tpu.iota {dimensions = array<i32: 1>} : vector<128x4xi32>
      %eq3A_435 = arith.constant 0 : i32
      %eq3A_436 = vector.broadcast %eq3A_435 : i32 to vector<128x4xi32>
      %eq3A_437 = arith.cmpi eq, %iota3A_434, %eq3A_436 : vector<128x4xi32>
      %eq3A_438 = arith.constant 1 : i32
      %eq3A_439 = vector.broadcast %eq3A_438 : i32 to vector<128x4xi32>
      %eq3A_440 = arith.cmpi eq, %iota3A_434, %eq3A_439 : vector<128x4xi32>
      %eq3A_441 = arith.constant 2 : i32
      %eq3A_442 = vector.broadcast %eq3A_441 : i32 to vector<128x4xi32>
      %eq3A_443 = arith.cmpi eq, %iota3A_434, %eq3A_442 : vector<128x4xi32>
      %broadcast_in_dim3A_444 = vector.broadcast %reduce_sum3A_417 : f32 to vector<128x4xf32>
      %broadcast_in_dim3A_445 = vector.broadcast %reduce_sum3A_430 : f32 to vector<128x4xf32>
      %select_n3A_446 = arith.select %eq3A_443, %broadcast_in_dim3A_444, %broadcast_in_dim3A_445 : vector<128x4xi1>, vector<128x4xf32>
      %broadcast_in_dim3A_447 = vector.broadcast %reduce_sum3A_404 : f32 to vector<128x4xf32>
      %select_n3A_448 = arith.select %eq3A_440, %broadcast_in_dim3A_447, %select_n3A_446 : vector<128x4xi1>, vector<128x4xf32>
      %broadcast_in_dim3A_449 = vector.broadcast %reduce_sum3A_391 : f32 to vector<128x4xf32>
      %select_n3A_450 = arith.select %eq3A_437, %broadcast_in_dim3A_449, %select_n3A_448 : vector<128x4xi1>, vector<128x4xf32>
      %select_n3A_451 = arith.select %eq3A_433, %select_n3A_450, %scan3A_307 : vector<128x4xi1>, vector<128x4xf32>
      scf.yield %reduce_sum3A_391, %reduce_sum3A_404, %reduce_sum3A_417, %reduce_sum3A_430, %select_n3A_451 : f32, f32, f32, f32, vector<128x4xf32>
    }
    %scan3A_216 = arith.constant 127 : i32
    %swap3A_217 = arith.constant 0 : index
    %swap3A_218 = arith.constant 0 : index
    %swap3A_219 = arith.constant 0 : index
    %swap3A_220 = vector.load %arg3[%swap3A_217, %swap3A_218, %swap3A_219] : memref<1x128x4xf32, #tpu.memory_space<vmem>>, vector<1x128x4xf32>
    %swap3A_221 = vector.shape_cast %swap3A_220 : vector<1x128x4xf32> to vector<128x4xf32>
    %swap3A_222 = vector.shape_cast %scan3A_215#4 : vector<128x4xf32> to vector<1x128x4xf32>
    tpu.vector_store %arg3[%swap3A_217, %swap3A_218, %swap3A_219], %swap3A_222 {strides = array<i32>} : memref<1x128x4xf32, #tpu.memory_space<vmem>>, vector<1x128x4xf32>,
    %mul3A_223 = arith.mulf %scan3A_215#4, %scan3A_215#4 : vector<128x4xf32>
    %reduce_sum3A_224 = arith.constant dense<0.000000e+00> : vector<128xf32>
    %reduce_sum3A_225 = vector.multi_reduction <add>, %mul3A_223, %reduce_sum3A_224 [1] : vector<128x4xf32> to vector<128xf32>
    %broadcast_in_dim3A_226 = vector.shape_cast %reduce_sum3A_225 : vector<128xf32> to vector<128x1xf32>
    %iota3A_227 = tpu.iota {dimensions = array<i32: 1>} : vector<128x16xi32>
    %jit3A_228 = arith.constant 1024 : i32
    %div3A_229 = arith.divsi %get3A_0, %jit3A_228 : i32
    %sign3A_230 = arith.constant 0 : i32
    %sign3A_231 = arith.cmpi sgt, %get3A_0, %sign3A_230 : i32
    %sign3A_232 = arith.extui %sign3A_231 : i1 to i32
    %sign3A_233 = arith.constant 0 : i32
    %sign3A_234 = arith.cmpi slt, %get3A_0, %sign3A_233 : i32
    %sign3A_235 = arith.extui %sign3A_234 : i1 to i32
    %sign3A_236 = arith.subi %sign3A_232, %sign3A_235 : i32
    %sign3A_237 = arith.constant 0 : i32
    %sign3A_238 = arith.cmpi sgt, %jit3A_228, %sign3A_237 : i32
    %sign3A_239 = arith.extui %sign3A_238 : i1 to i32
    %sign3A_240 = arith.constant 0 : i32
    %sign3A_241 = arith.cmpi slt, %jit3A_228, %sign3A_240 : i32
    %sign3A_242 = arith.extui %sign3A_241 : i1 to i32
    %sign3A_243 = arith.subi %sign3A_239, %sign3A_242 : i32
    %ne3A_244 = arith.cmpi ne, %sign3A_236, %sign3A_243 : i32
    %rem3A_245 = arith.remsi %get3A_0, %jit3A_228 : i32
    %ne3A_246 = arith.constant 0 : i32
    %ne3A_247 = arith.cmpi ne, %rem3A_245, %ne3A_246 : i32
    %and3A_248 = arith.andi %ne3A_244, %ne3A_247 : i1
    %sub3A_249 = arith.constant 1 : i32
    %sub3A_250 = arith.subi %div3A_229, %sub3A_249 : i32
    %select_n3A_251 = arith.select %and3A_248, %sub3A_250, %div3A_229 : i32
    %add3A_252 = arith.constant 1023 : i32
    %add3A_253 = arith.addi %get3A_3, %add3A_252 : i32
    %jit3A_254 = arith.constant 1024 : i32
    %div3A_255 = arith.divsi %add3A_253, %jit3A_254 : i32
    %sign3A_256 = arith.constant 0 : i32
    %sign3A_257 = arith.cmpi sgt, %add3A_253, %sign3A_256 : i32
    %sign3A_258 = arith.extui %sign3A_257 : i1 to i32
    %sign3A_259 = arith.constant 0 : i32
    %sign3A_260 = arith.cmpi slt, %add3A_253, %sign3A_259 : i32
    %sign3A_261 = arith.extui %sign3A_260 : i1 to i32
    %sign3A_262 = arith.subi %sign3A_258, %sign3A_261 : i32
    %sign3A_263 = arith.constant 0 : i32
    %sign3A_264 = arith.cmpi sgt, %jit3A_254, %sign3A_263 : i32
    %sign3A_265 = arith.extui %sign3A_264 : i1 to i32
    %sign3A_266 = arith.constant 0 : i32
    %sign3A_267 = arith.cmpi slt, %jit3A_254, %sign3A_266 : i32
    %sign3A_268 = arith.extui %sign3A_267 : i1 to i32
    %sign3A_269 = arith.subi %sign3A_265, %sign3A_268 : i32
    %ne3A_270 = arith.cmpi ne, %sign3A_262, %sign3A_269 : i32
    %rem3A_271 = arith.remsi %add3A_253, %jit3A_254 : i32
    %ne3A_272 = arith.constant 0 : i32
    %ne3A_273 = arith.cmpi ne, %rem3A_271, %ne3A_272 : i32
    %and3A_274 = arith.andi %ne3A_270, %ne3A_273 : i1
    %sub3A_275 = arith.constant 1 : i32
    %sub3A_276 = arith.subi %div3A_255, %sub3A_275 : i32
    %select_n3A_277 = arith.select %and3A_274, %sub3A_276, %div3A_255 : i32
    %iota3A_278 = tpu.iota {dimensions = array<i32: 1>} : vector<1x1024xi32>
    %broadcast_in_dim3A_279 = arith.constant 0x7F800000 : f32
    %broadcast_in_dim3A_280 = vector.broadcast %broadcast_in_dim3A_279 : f32 to vector<128x16xf32>
    %broadcast_in_dim3A_281 = arith.constant 0 : i32
    %broadcast_in_dim3A_282 = vector.broadcast %broadcast_in_dim3A_281 : i32 to vector<128x16xi32>
    %broadcast_in_dim3A_283 = arith.constant 0x7F800000 : f32
    %broadcast_in_dim3A_284 = vector.broadcast %broadcast_in_dim3A_283 : f32 to vector<128x1xf32>
    %while3A = arith.constant 0x7F800000 : f32
    %while3A_285 = arith.constant 2147483647 : i32
    %while3A_286 = arith.subi %select_n3A_277, %select_n3A_251 : i32
    %while3A_287 = arith.addi %select_n3A_251, %while3A_286 : i32
    %while3A_288 = arith.constant 1 : i32
    %while3A_289 = arith.divsi %while3A_286, %while3A_288 : i32
    %while3A_290 = arith.muli %while3A_289, %while3A_288 : i32
    %while3A_291 = arith.addi %select_n3A_251, %while3A_290 : i32
    %while3A_292 = arith.constant 1 : i32
    %while3A_293:3 = scf.for %while3A_302 = %select_n3A_251 to %while3A_291 step %while3A_292 iter_args(%while3A_303 = %broadcast_in_dim3A_280, %while3A_304 = %broadcast_in_dim3A_282, %while3A_305 = %broadcast_in_dim3A_284) -> (vector<128x16xf32>, vector<128x16xi32>, vector<128x1xf32>)  : i32 {
      %mul3A_306 = arith.constant 8 : i32
      %mul3A_307 = arith.muli %while3A_302, %mul3A_306 : i32
      %add3A_308 = arith.constant 0 : i32
      %add3A_309 = arith.addi %add3A_308, %mul3A_307 : i32
      %add3A_310 = arith.constant 0 : i32
      %add3A_311 = arith.addi %add3A_309, %add3A_310 : i32
      %get3A_312 = arith.index_cast %add3A_311 : i32 to index
      %get3A_313 = arith.constant 0 : index
      %get3A_314 = vector.load %arg2[%get3A_312, %get3A_313] : memref<16384x128xf32, #tpu.memory_space<vmem>>, vector<1x128xf32>
      %add3A_315 = arith.constant 0 : i32
      %add3A_316 = arith.addi %add3A_315, %mul3A_307 : i32
      %add3A_317 = arith.constant 1 : i32
      %add3A_318 = arith.addi %add3A_316, %add3A_317 : i32
      %get3A_319 = arith.index_cast %add3A_318 : i32 to index
      %get3A_320 = arith.constant 0 : index
      %get3A_321 = vector.load %arg2[%get3A_319, %get3A_320] : memref<16384x128xf32, #tpu.memory_space<vmem>>, vector<1x128xf32>
      %add3A_322 = arith.constant 0 : i32
      %add3A_323 = arith.addi %add3A_322, %mul3A_307 : i32
      %add3A_324 = arith.constant 2 : i32
      %add3A_325 = arith.addi %add3A_323, %add3A_324 : i32
      %get3A_326 = arith.index_cast %add3A_325 : i32 to index
      %get3A_327 = arith.constant 0 : index
      %get3A_328 = vector.load %arg2[%get3A_326, %get3A_327] : memref<16384x128xf32, #tpu.memory_space<vmem>>, vector<1x128xf32>
      %add3A_329 = arith.constant 0 : i32
      %add3A_330 = arith.addi %add3A_329, %mul3A_307 : i32
      %add3A_331 = arith.constant 3 : i32
      %add3A_332 = arith.addi %add3A_330, %add3A_331 : i32
      %get3A_333 = arith.index_cast %add3A_332 : i32 to index
      %get3A_334 = arith.constant 0 : index
      %get3A_335 = vector.load %arg2[%get3A_333, %get3A_334] : memref<16384x128xf32, #tpu.memory_space<vmem>>, vector<1x128xf32>
      %add3A_336 = arith.constant 0 : i32
      %add3A_337 = arith.addi %add3A_336, %mul3A_307 : i32
      %add3A_338 = arith.constant 4 : i32
      %add3A_339 = arith.addi %add3A_337, %add3A_338 : i32
      %get3A_340 = arith.index_cast %add3A_339 : i32 to index
      %get3A_341 = arith.constant 0 : index
      %get3A_342 = vector.load %arg2[%get3A_340, %get3A_341] : memref<16384x128xf32, #tpu.memory_space<vmem>>, vector<1x128xf32>
      %add3A_343 = arith.constant 0 : i32
      %add3A_344 = arith.addi %add3A_343, %mul3A_307 : i32
      %add3A_345 = arith.constant 5 : i32
      %add3A_346 = arith.addi %add3A_344, %add3A_345 : i32
      %get3A_347 = arith.index_cast %add3A_346 : i32 to index
      %get3A_348 = arith.constant 0 : index
      %get3A_349 = vector.load %arg2[%get3A_347, %get3A_348] : memref<16384x128xf32, #tpu.memory_space<vmem>>, vector<1x128xf32>
      %add3A_350 = arith.constant 0 : i32
      %add3A_351 = arith.addi %add3A_350, %mul3A_307 : i32
      %add3A_352 = arith.constant 6 : i32
      %add3A_353 = arith.addi %add3A_351, %add3A_352 : i32
      %get3A_354 = arith.index_cast %add3A_353 : i32 to index
      %get3A_355 = arith.constant 0 : index
      %get3A_356 = vector.load %arg2[%get3A_354, %get3A_355] : memref<16384x128xf32, #tpu.memory_space<vmem>>, vector<1x128xf32>
      %add3A_357 = arith.constant 0 : i32
      %add3A_358 = arith.addi %add3A_357, %mul3A_307 : i32
      %add3A_359 = arith.constant 7 : i32
      %add3A_360 = arith.addi %add3A_358, %add3A_359 : i32
      %get3A_361 = arith.index_cast %add3A_360 : i32 to index
      %get3A_362 = arith.constant 0 : index
      %get3A_363 = vector.load %arg2[%get3A_361, %get3A_362] : memref<16384x128xf32, #tpu.memory_space<vmem>>, vector<1x128xf32>
      %add3A_364 = arith.constant 4096 : i32
      %add3A_365 = arith.addi %add3A_364, %mul3A_307 : i32
      %add3A_366 = arith.constant 0 : i32
      %add3A_367 = arith.addi %add3A_365, %add3A_366 : i32
      %get3A_368 = arith.index_cast %add3A_367 : i32 to index
      %get3A_369 = arith.constant 0 : index
      %get3A_370 = vector.load %arg2[%get3A_368, %get3A_369] : memref<16384x128xf32, #tpu.memory_space<vmem>>, vector<1x128xf32>
      %add3A_371 = arith.constant 4096 : i32
      %add3A_372 = arith.addi %add3A_371, %mul3A_307 : i32
      %add3A_373 = arith.constant 1 : i32
      %add3A_374 = arith.addi %add3A_372, %add3A_373 : i32
      %get3A_375 = arith.index_cast %add3A_374 : i32 to index
      %get3A_376 = arith.constant 0 : index
      %get3A_377 = vector.load %arg2[%get3A_375, %get3A_376] : memref<16384x128xf32, #tpu.memory_space<vmem>>, vector<1x128xf32>
      %add3A_378 = arith.constant 4096 : i32
      %add3A_379 = arith.addi %add3A_378, %mul3A_307 : i32
      %add3A_380 = arith.constant 2 : i32
      %add3A_381 = arith.addi %add3A_379, %add3A_380 : i32
      %get3A_382 = arith.index_cast %add3A_381 : i32 to index
      %get3A_383 = arith.constant 0 : index
      %get3A_384 = vector.load %arg2[%get3A_382, %get3A_383] : memref<16384x128xf32, #tpu.memory_space<vmem>>, vector<1x128xf32>
      %add3A_385 = arith.constant 4096 : i32
      %add3A_386 = arith.addi %add3A_385, %mul3A_307 : i32
      %add3A_387 = arith.constant 3 : i32
      %add3A_388 = arith.addi %add3A_386, %add3A_387 : i32
      %get3A_389 = arith.index_cast %add3A_388 : i32 to index
      %get3A_390 = arith.constant 0 : index
      %get3A_391 = vector.load %arg2[%get3A_389, %get3A_390] : memref<16384x128xf32, #tpu.memory_space<vmem>>, vector<1x128xf32>
      %add3A_392 = arith.constant 4096 : i32
      %add3A_393 = arith.addi %add3A_392, %mul3A_307 : i32
      %add3A_394 = arith.constant 4 : i32
      %add3A_395 = arith.addi %add3A_393, %add3A_394 : i32
      %get3A_396 = arith.index_cast %add3A_395 : i32 to index
      %get3A_397 = arith.constant 0 : index
      %get3A_398 = vector.load %arg2[%get3A_396, %get3A_397] : memref<16384x128xf32, #tpu.memory_space<vmem>>, vector<1x128xf32>
      %add3A_399 = arith.constant 4096 : i32
      %add3A_400 = arith.addi %add3A_399, %mul3A_307 : i32
      %add3A_401 = arith.constant 5 : i32
      %add3A_402 = arith.addi %add3A_400, %add3A_401 : i32
      %get3A_403 = arith.index_cast %add3A_402 : i32 to index
      %get3A_404 = arith.constant 0 : index
      %get3A_405 = vector.load %arg2[%get3A_403, %get3A_404] : memref<16384x128xf32, #tpu.memory_space<vmem>>, vector<1x128xf32>
      %add3A_406 = arith.constant 4096 : i32
      %add3A_407 = arith.addi %add3A_406, %mul3A_307 : i32
      %add3A_408 = arith.constant 6 : i32
      %add3A_409 = arith.addi %add3A_407, %add3A_408 : i32
      %get3A_410 = arith.index_cast %add3A_409 : i32 to index
      %get3A_411 = arith.constant 0 : index
      %get3A_412 = vector.load %arg2[%get3A_410, %get3A_411] : memref<16384x128xf32, #tpu.memory_space<vmem>>, vector<1x128xf32>
      %add3A_413 = arith.constant 4096 : i32
      %add3A_414 = arith.addi %add3A_413, %mul3A_307 : i32
      %add3A_415 = arith.constant 7 : i32
      %add3A_416 = arith.addi %add3A_414, %add3A_415 : i32
      %get3A_417 = arith.index_cast %add3A_416 : i32 to index
      %get3A_418 = arith.constant 0 : index
      %get3A_419 = vector.load %arg2[%get3A_417, %get3A_418] : memref<16384x128xf32, #tpu.memory_space<vmem>>, vector<1x128xf32>
      %add3A_420 = arith.constant 8192 : i32
      %add3A_421 = arith.addi %add3A_420, %mul3A_307 : i32
      %add3A_422 = arith.constant 0 : i32
      %add3A_423 = arith.addi %add3A_421, %add3A_422 : i32
      %get3A_424 = arith.index_cast %add3A_423 : i32 to index
      %get3A_425 = arith.constant 0 : index
      %get3A_426 = vector.load %arg2[%get3A_424, %get3A_425] : memref<16384x128xf32, #tpu.memory_space<vmem>>, vector<1x128xf32>
      %add3A_427 = arith.constant 8192 : i32
      %add3A_428 = arith.addi %add3A_427, %mul3A_307 : i32
      %add3A_429 = arith.constant 1 : i32
      %add3A_430 = arith.addi %add3A_428, %add3A_429 : i32
      %get3A_431 = arith.index_cast %add3A_430 : i32 to index
      %get3A_432 = arith.constant 0 : index
      %get3A_433 = vector.load %arg2[%get3A_431, %get3A_432] : memref<16384x128xf32, #tpu.memory_space<vmem>>, vector<1x128xf32>
      %add3A_434 = arith.constant 8192 : i32
      %add3A_435 = arith.addi %add3A_434, %mul3A_307 : i32
      %add3A_436 = arith.constant 2 : i32
      %add3A_437 = arith.addi %add3A_435, %add3A_436 : i32
      %get3A_438 = arith.index_cast %add3A_437 : i32 to index
      %get3A_439 = arith.constant 0 : index
      %get3A_440 = vector.load %arg2[%get3A_438, %get3A_439] : memref<16384x128xf32, #tpu.memory_space<vmem>>, vector<1x128xf32>
      %add3A_441 = arith.constant 8192 : i32
      %add3A_442 = arith.addi %add3A_441, %mul3A_307 : i32
      %add3A_443 = arith.constant 3 : i32
      %add3A_444 = arith.addi %add3A_442, %add3A_443 : i32
      %get3A_445 = arith.index_cast %add3A_444 : i32 to index
      %get3A_446 = arith.constant 0 : index
      %get3A_447 = vector.load %arg2[%get3A_445, %get3A_446] : memref<16384x128xf32, #tpu.memory_space<vmem>>, vector<1x128xf32>
      %add3A_448 = arith.constant 8192 : i32
      %add3A_449 = arith.addi %add3A_448, %mul3A_307 : i32
      %add3A_450 = arith.constant 4 : i32
      %add3A_451 = arith.addi %add3A_449, %add3A_450 : i32
      %get3A_452 = arith.index_cast %add3A_451 : i32 to index
      %get3A_453 = arith.constant 0 : index
      %get3A_454 = vector.load %arg2[%get3A_452, %get3A_453] : memref<16384x128xf32, #tpu.memory_space<vmem>>, vector<1x128xf32>
      %add3A_455 = arith.constant 8192 : i32
      %add3A_456 = arith.addi %add3A_455, %mul3A_307 : i32
      %add3A_457 = arith.constant 5 : i32
      %add3A_458 = arith.addi %add3A_456, %add3A_457 : i32
      %get3A_459 = arith.index_cast %add3A_458 : i32 to index
      %get3A_460 = arith.constant 0 : index
      %get3A_461 = vector.load %arg2[%get3A_459, %get3A_460] : memref<16384x128xf32, #tpu.memory_space<vmem>>, vector<1x128xf32>
      %add3A_462 = arith.constant 8192 : i32
      %add3A_463 = arith.addi %add3A_462, %mul3A_307 : i32
      %add3A_464 = arith.constant 6 : i32
      %add3A_465 = arith.addi %add3A_463, %add3A_464 : i32
      %get3A_466 = arith.index_cast %add3A_465 : i32 to index
      %get3A_467 = arith.constant 0 : index
      %get3A_468 = vector.load %arg2[%get3A_466, %get3A_467] : memref<16384x128xf32, #tpu.memory_space<vmem>>, vector<1x128xf32>
      %add3A_469 = arith.constant 8192 : i32
      %add3A_470 = arith.addi %add3A_469, %mul3A_307 : i32
      %add3A_471 = arith.constant 7 : i32
      %add3A_472 = arith.addi %add3A_470, %add3A_471 : i32
      %get3A_473 = arith.index_cast %add3A_472 : i32 to index
      %get3A_474 = arith.constant 0 : index
      %get3A_475 = vector.load %arg2[%get3A_473, %get3A_474] : memref<16384x128xf32, #tpu.memory_space<vmem>>, vector<1x128xf32>
      %add3A_476 = arith.constant 12288 : i32
      %add3A_477 = arith.addi %add3A_476, %mul3A_307 : i32
      %add3A_478 = arith.constant 0 : i32
      %add3A_479 = arith.addi %add3A_477, %add3A_478 : i32
      %get3A_480 = arith.index_cast %add3A_479 : i32 to index
      %get3A_481 = arith.constant 0 : index
      %get3A_482 = vector.load %arg2[%get3A_480, %get3A_481] : memref<16384x128xf32, #tpu.memory_space<vmem>>, vector<1x128xf32>
      %add3A_483 = arith.constant 12288 : i32
      %add3A_484 = arith.addi %add3A_483, %mul3A_307 : i32
      %add3A_485 = arith.constant 1 : i32
      %add3A_486 = arith.addi %add3A_484, %add3A_485 : i32
      %get3A_487 = arith.index_cast %add3A_486 : i32 to index
      %get3A_488 = arith.constant 0 : index
      %get3A_489 = vector.load %arg2[%get3A_487, %get3A_488] : memref<16384x128xf32, #tpu.memory_space<vmem>>, vector<1x128xf32>
      %add3A_490 = arith.constant 12288 : i32
      %add3A_491 = arith.addi %add3A_490, %mul3A_307 : i32
      %add3A_492 = arith.constant 2 : i32
      %add3A_493 = arith.addi %add3A_491, %add3A_492 : i32
      %get3A_494 = arith.index_cast %add3A_493 : i32 to index
      %get3A_495 = arith.constant 0 : index
      %get3A_496 = vector.load %arg2[%get3A_494, %get3A_495] : memref<16384x128xf32, #tpu.memory_space<vmem>>, vector<1x128xf32>
      %add3A_497 = arith.constant 12288 : i32
      %add3A_498 = arith.addi %add3A_497, %mul3A_307 : i32
      %add3A_499 = arith.constant 3 : i32
      %add3A_500 = arith.addi %add3A_498, %add3A_499 : i32
      %get3A_501 = arith.index_cast %add3A_500 : i32 to index
      %get3A_502 = arith.constant 0 : index
      %get3A_503 = vector.load %arg2[%get3A_501, %get3A_502] : memref<16384x128xf32, #tpu.memory_space<vmem>>, vector<1x128xf32>
      %add3A_504 = arith.constant 12288 : i32
      %add3A_505 = arith.addi %add3A_504, %mul3A_307 : i32
      %add3A_506 = arith.constant 4 : i32
      %add3A_507 = arith.addi %add3A_505, %add3A_506 : i32
      %get3A_508 = arith.index_cast %add3A_507 : i32 to index
      %get3A_509 = arith.constant 0 : index
      %get3A_510 = vector.load %arg2[%get3A_508, %get3A_509] : memref<16384x128xf32, #tpu.memory_space<vmem>>, vector<1x128xf32>
      %add3A_511 = arith.constant 12288 : i32
      %add3A_512 = arith.addi %add3A_511, %mul3A_307 : i32
      %add3A_513 = arith.constant 5 : i32
      %add3A_514 = arith.addi %add3A_512, %add3A_513 : i32
      %get3A_515 = arith.index_cast %add3A_514 : i32 to index
      %get3A_516 = arith.constant 0 : index
      %get3A_517 = vector.load %arg2[%get3A_515, %get3A_516] : memref<16384x128xf32, #tpu.memory_space<vmem>>, vector<1x128xf32>
      %add3A_518 = arith.constant 12288 : i32
      %add3A_519 = arith.addi %add3A_518, %mul3A_307 : i32
      %add3A_520 = arith.constant 6 : i32
      %add3A_521 = arith.addi %add3A_519, %add3A_520 : i32
      %get3A_522 = arith.index_cast %add3A_521 : i32 to index
      %get3A_523 = arith.constant 0 : index
      %get3A_524 = vector.load %arg2[%get3A_522, %get3A_523] : memref<16384x128xf32, #tpu.memory_space<vmem>>, vector<1x128xf32>
      %add3A_525 = arith.constant 12288 : i32
      %add3A_526 = arith.addi %add3A_525, %mul3A_307 : i32
      %add3A_527 = arith.constant 7 : i32
      %add3A_528 = arith.addi %add3A_526, %add3A_527 : i32
      %get3A_529 = arith.index_cast %add3A_528 : i32 to index
      %get3A_530 = arith.constant 0 : index
      %get3A_531 = vector.load %arg2[%get3A_529, %get3A_530] : memref<16384x128xf32, #tpu.memory_space<vmem>>, vector<1x128xf32>
      %mul3A_532 = arith.mulf %get3A_314, %get3A_314 : vector<1x128xf32>
      %mul3A_533 = arith.mulf %get3A_370, %get3A_370 : vector<1x128xf32>
      %add3A_534 = arith.addf %mul3A_532, %mul3A_533 : vector<1x128xf32>
      %mul3A_535 = arith.mulf %get3A_426, %get3A_426 : vector<1x128xf32>
      %add3A_536 = arith.addf %add3A_534, %mul3A_535 : vector<1x128xf32>
      %mul3A_537 = arith.mulf %get3A_482, %get3A_482 : vector<1x128xf32>
      %add3A_538 = arith.addf %add3A_536, %mul3A_537 : vector<1x128xf32>
      %mul3A_539 = arith.mulf %get3A_321, %get3A_321 : vector<1x128xf32>
      %mul3A_540 = arith.mulf %get3A_377, %get3A_377 : vector<1x128xf32>
      %add3A_541 = arith.addf %mul3A_539, %mul3A_540 : vector<1x128xf32>
      %mul3A_542 = arith.mulf %get3A_433, %get3A_433 : vector<1x128xf32>
      %add3A_543 = arith.addf %add3A_541, %mul3A_542 : vector<1x128xf32>
      %mul3A_544 = arith.mulf %get3A_489, %get3A_489 : vector<1x128xf32>
      %add3A_545 = arith.addf %add3A_543, %mul3A_544 : vector<1x128xf32>
      %mul3A_546 = arith.mulf %get3A_328, %get3A_328 : vector<1x128xf32>
      %mul3A_547 = arith.mulf %get3A_384, %get3A_384 : vector<1x128xf32>
      %add3A_548 = arith.addf %mul3A_546, %mul3A_547 : vector<1x128xf32>
      %mul3A_549 = arith.mulf %get3A_440, %get3A_440 : vector<1x128xf32>
      %add3A_550 = arith.addf %add3A_548, %mul3A_549 : vector<1x128xf32>
      %mul3A_551 = arith.mulf %get3A_496, %get3A_496 : vector<1x128xf32>
      %add3A_552 = arith.addf %add3A_550, %mul3A_551 : vector<1x128xf32>
      %mul3A_553 = arith.mulf %get3A_335, %get3A_335 : vector<1x128xf32>
      %mul3A_554 = arith.mulf %get3A_391, %get3A_391 : vector<1x128xf32>
      %add3A_555 = arith.addf %mul3A_553, %mul3A_554 : vector<1x128xf32>
      %mul3A_556 = arith.mulf %get3A_447, %get3A_447 : vector<1x128xf32>
      %add3A_557 = arith.addf %add3A_555, %mul3A_556 : vector<1x128xf32>
      %mul3A_558 = arith.mulf %get3A_503, %get3A_503 : vector<1x128xf32>
      %add3A_559 = arith.addf %add3A_557, %mul3A_558 : vector<1x128xf32>
      %mul3A_560 = arith.mulf %get3A_342, %get3A_342 : vector<1x128xf32>
      %mul3A_561 = arith.mulf %get3A_398, %get3A_398 : vector<1x128xf32>
      %add3A_562 = arith.addf %mul3A_560, %mul3A_561 : vector<1x128xf32>
      %mul3A_563 = arith.mulf %get3A_454, %get3A_454 : vector<1x128xf32>
      %add3A_564 = arith.addf %add3A_562, %mul3A_563 : vector<1x128xf32>
      %mul3A_565 = arith.mulf %get3A_510, %get3A_510 : vector<1x128xf32>
      %add3A_566 = arith.addf %add3A_564, %mul3A_565 : vector<1x128xf32>
      %mul3A_567 = arith.mulf %get3A_349, %get3A_349 : vector<1x128xf32>
      %mul3A_568 = arith.mulf %get3A_405, %get3A_405 : vector<1x128xf32>
      %add3A_569 = arith.addf %mul3A_567, %mul3A_568 : vector<1x128xf32>
      %mul3A_570 = arith.mulf %get3A_461, %get3A_461 : vector<1x128xf32>
      %add3A_571 = arith.addf %add3A_569, %mul3A_570 : vector<1x128xf32>
      %mul3A_572 = arith.mulf %get3A_517, %get3A_517 : vector<1x128xf32>
      %add3A_573 = arith.addf %add3A_571, %mul3A_572 : vector<1x128xf32>
      %mul3A_574 = arith.mulf %get3A_356, %get3A_356 : vector<1x128xf32>
      %mul3A_575 = arith.mulf %get3A_412, %get3A_412 : vector<1x128xf32>
      %add3A_576 = arith.addf %mul3A_574, %mul3A_575 : vector<1x128xf32>
      %mul3A_577 = arith.mulf %get3A_468, %get3A_468 : vector<1x128xf32>
      %add3A_578 = arith.addf %add3A_576, %mul3A_577 : vector<1x128xf32>
      %mul3A_579 = arith.mulf %get3A_524, %get3A_524 : vector<1x128xf32>
      %add3A_580 = arith.addf %add3A_578, %mul3A_579 : vector<1x128xf32>
      %mul3A_581 = arith.mulf %get3A_363, %get3A_363 : vector<1x128xf32>
      %mul3A_582 = arith.mulf %get3A_419, %get3A_419 : vector<1x128xf32>
      %add3A_583 = arith.addf %mul3A_581, %mul3A_582 : vector<1x128xf32>
      %mul3A_584 = arith.mulf %get3A_475, %get3A_475 : vector<1x128xf32>
      %add3A_585 = arith.addf %add3A_583, %mul3A_584 : vector<1x128xf32>
      %mul3A_586 = arith.mulf %get3A_531, %get3A_531 : vector<1x128xf32>
      %add3A_587 = arith.addf %add3A_585, %mul3A_586 : vector<1x128xf32>
      %concatenate3A = tpu.concatenate %add3A_538, %add3A_545, %add3A_552, %add3A_559, %add3A_566, %add3A_573, %add3A_580, %add3A_587 in 1 : vector<1x128xf32>, vector<1x128xf32>, vector<1x128xf32>, vector<1x128xf32>, vector<1x128xf32>, vector<1x128xf32>, vector<1x128xf32>, vector<1x128xf32> -> vector<1x1024xf32>
      %concatenate3A_588 = tpu.concatenate %get3A_314, %get3A_321, %get3A_328, %get3A_335, %get3A_342, %get3A_349, %get3A_356, %get3A_363 in 1 : vector<1x128xf32>, vector<1x128xf32>, vector<1x128xf32>, vector<1x128xf32>, vector<1x128xf32>, vector<1x128xf32>, vector<1x128xf32>, vector<1x128xf32> -> vector<1x1024xf32>
      %concatenate3A_589 = tpu.concatenate %get3A_370, %get3A_377, %get3A_384, %get3A_391, %get3A_398, %get3A_405, %get3A_412, %get3A_419 in 1 : vector<1x128xf32>, vector<1x128xf32>, vector<1x128xf32>, vector<1x128xf32>, vector<1x128xf32>, vector<1x128xf32>, vector<1x128xf32>, vector<1x128xf32> -> vector<1x1024xf32>
      %concatenate3A_590 = tpu.concatenate %get3A_426, %get3A_433, %get3A_440, %get3A_447, %get3A_454, %get3A_461, %get3A_468, %get3A_475 in 1 : vector<1x128xf32>, vector<1x128xf32>, vector<1x128xf32>, vector<1x128xf32>, vector<1x128xf32>, vector<1x128xf32>, vector<1x128xf32>, vector<1x128xf32> -> vector<1x1024xf32>
      %concatenate3A_591 = tpu.concatenate %get3A_482, %get3A_489, %get3A_496, %get3A_503, %get3A_510, %get3A_517, %get3A_524, %get3A_531 in 1 : vector<1x128xf32>, vector<1x128xf32>, vector<1x128xf32>, vector<1x128xf32>, vector<1x128xf32>, vector<1x128xf32>, vector<1x128xf32>, vector<1x128xf32> -> vector<1x1024xf32>
      %concatenate3A_592 = tpu.concatenate %concatenate3A_588, %concatenate3A_589, %concatenate3A_590, %concatenate3A_591 in 0 : vector<1x1024xf32>, vector<1x1024xf32>, vector<1x1024xf32>, vector<1x1024xf32> -> vector<4x1024xf32>
      %dot_general3A = arith.constant dense<0.000000e+00> : vector<128x1024xf32>
      %dot_general3A_593 = tpu.matmul %scan3A_215#4, %concatenate3A_592, %dot_general3A {dimension_numbers = #tpu.dot_dimension_numbers<[1], [0], [0], [1], [0, 0, 1, 1], [], []>, transpose_lhs_hint = false} : vector<128x4xf32>, vector<4x1024xf32>, vector<128x1024xf32> -> vector<128x1024xf32>
      %add3A_594 = vector.broadcast %broadcast_in_dim3A_226 : vector<128x1xf32> to vector<128x1024xf32>
      %add3A_595 = vector.broadcast %concatenate3A : vector<1x1024xf32> to vector<128x1024xf32>
      %add3A_596 = arith.addf %add3A_594, %add3A_595 : vector<128x1024xf32>
      %mul3A_597 = arith.constant 2.000000e+00 : f32
      %mul3A_598 = vector.broadcast %mul3A_597 : f32 to vector<128x1024xf32>
      %mul3A_599 = arith.mulf %mul3A_598, %dot_general3A_593 : vector<128x1024xf32>
      %sub3A_600 = arith.subf %add3A_596, %mul3A_599 : vector<128x1024xf32>
      %mul3A_601 = arith.constant 1024 : i32
      %mul3A_602 = arith.muli %while3A_302, %mul3A_601 : i32
      %add3A_603 = vector.broadcast %mul3A_602 : i32 to vector<1x1024xi32>
      %add3A_604 = arith.addi %iota3A_278, %add3A_603 : vector<1x1024xi32>
      %ge3A_605 = vector.broadcast %get3A_0 : i32 to vector<1x1024xi32>
      %ge3A_606 = arith.cmpi sge, %add3A_604, %ge3A_605 : vector<1x1024xi32>
      %lt3A_607 = vector.broadcast %get3A_3 : i32 to vector<1x1024xi32>
      %lt3A_608 = arith.cmpi slt, %add3A_604, %lt3A_607 : vector<1x1024xi32>
      %and3A_609 = arith.andi %ge3A_606, %lt3A_608 : vector<1x1024xi1>
      %broadcast_in_dim3A_610 = vector.shape_cast %and3A_609 : vector<1x1024xi1> to vector<1x1024xi1>
      %broadcast_in_dim3A_611 = vector.broadcast %broadcast_in_dim3A_610 : vector<1x1024xi1> to vector<128x1024xi1>
      %broadcast_in_dim3A_612 = vector.broadcast %while3A : f32 to vector<128x1024xf32>
      %select_n3A_613 = arith.select %broadcast_in_dim3A_611, %sub3A_600, %broadcast_in_dim3A_612 : vector<128x1024xi1>, vector<128x1024xf32>
      %swap3A_614 = arith.constant 0 : index
      %swap3A_615 = arith.constant 0 : index
      %swap3A_616 = vector.load %arg6[%swap3A_614, %swap3A_615] : memref<128x1024xf32, #tpu.memory_space<vmem>>, vector<128x1024xf32>
      tpu.vector_store %arg6[%swap3A_614, %swap3A_615], %select_n3A_613 {strides = array<i32>} : memref<128x1024xf32, #tpu.memory_space<vmem>>, vector<128x1024xf32>,
      %reduce_min3A = arith.constant dense<0x7F800000> : vector<128xf32>
      %reduce_min3A_617 = vector.multi_reduction <minimumf>, %select_n3A_613, %reduce_min3A [1] : vector<128x1024xf32> to vector<128xf32>
      %broadcast_in_dim3A_618 = vector.shape_cast %reduce_min3A_617 : vector<128xf32> to vector<128x1xf32>
      %lt3A_619 = arith.cmpf olt, %broadcast_in_dim3A_618, %while3A_305 : vector<128x1xf32>
      %reduce_or3A = arith.constant 1.000000e+00 : f32
      %reduce_or3A_620 = arith.constant 0.000000e+00 : f32
      %reduce_or3A_621 = vector.broadcast %reduce_or3A : f32 to vector<128x1xf32>
      %reduce_or3A_622 = vector.broadcast %reduce_or3A_620 : f32 to vector<128x1xf32>
      %reduce_or3A_623 = arith.select %lt3A_619, %reduce_or3A_621, %reduce_or3A_622 : vector<128x1xi1>, vector<128x1xf32>
      %reduce_or3A_624 = vector.shape_cast %reduce_or3A_623 : vector<128x1xf32> to vector<1x128x1xf32>
      %reduce_or3A_625 = arith.constant dense<0xFF800000> : vector<1xf32>
      %reduce_or3A_626 = vector.multi_reduction <maximumf>, %reduce_or3A_624, %reduce_or3A_625 [1, 2] : vector<1x128x1xf32> to vector<1xf32>
      %reduce_or3A_627 = vector.shape_cast %reduce_or3A_626 : vector<1xf32> to vector<1x1x1xf32>
      %reduce_or3A_628 = vector.extract %reduce_or3A_627[0, 0, 0] : f32 from vector<1x1x1xf32>
      %reduce_or3A_629 = arith.constant 0.000000e+00 : f32
      %reduce_or3A_630 = arith.cmpf ogt, %reduce_or3A_628, %reduce_or3A_629 : f32
      %while3A_631:4 = scf.while (%while3A_632 = %reduce_or3A_630, %while3A_633 = %while3A_303, %while3A_634 = %while3A_304, %while3A_635 = %while3A_305) : (i1, vector<128x16xf32>, vector<128x16xi32>, vector<128x1xf32>) -> (i1, vector<128x16xf32>, vector<128x16xi32>, vector<128x1xf32>) {
        scf.condition(%while3A_632) %while3A_632, %while3A_633, %while3A_634, %while3A_635 : i1, vector<128x16xf32>, vector<128x16xi32>, vector<128x1xf32>
      } do {
      ^bb0(%while3A_632: i1, %while3A_633: vector<128x16xf32>, %while3A_634: vector<128x16xi32>, %while3A_635: vector<128x1xf32>):
        %get3A_636 = arith.constant 0 : index
        %get3A_637 = arith.constant 0 : index
        %get3A_638 = vector.load %arg6[%get3A_636, %get3A_637] : memref<128x1024xf32, #tpu.memory_space<vmem>>, vector<128x1024xf32>
        %reduce_min3A_639 = arith.constant dense<0x7F800000> : vector<128xf32>
        %reduce_min3A_640 = vector.multi_reduction <minimumf>, %get3A_638, %reduce_min3A_639 [1] : vector<128x1024xf32> to vector<128xf32>
        %broadcast_in_dim3A_641 = vector.shape_cast %reduce_min3A_640 : vector<128xf32> to vector<128x1xf32>
        %eq3A_642 = vector.broadcast %broadcast_in_dim3A_641 : vector<128x1xf32> to vector<128x1024xf32>
        %eq3A_643 = arith.cmpf oeq, %get3A_638, %eq3A_642 : vector<128x1024xf32>
        %broadcast_in_dim3A_644 = vector.shape_cast %add3A_604 : vector<1x1024xi32> to vector<1x1024xi32>
        %broadcast_in_dim3A_645 = vector.broadcast %broadcast_in_dim3A_644 : vector<1x1024xi32> to vector<128x1024xi32>
        %broadcast_in_dim3A_646 = vector.broadcast %while3A_285 : i32 to vector<128x1024xi32>
        %select_n3A_647 = arith.select %eq3A_643, %broadcast_in_dim3A_645, %broadcast_in_dim3A_646 : vector<128x1024xi1>, vector<128x1024xi32>
        %reduce_min3A_648 = arith.constant dense<2147483647> : vector<128xi32>
        %reduce_min3A_649 = vector.multi_reduction <minsi>, %select_n3A_647, %reduce_min3A_648 [1] : vector<128x1024xi32> to vector<128xi32>
        %broadcast_in_dim3A_650 = vector.shape_cast %reduce_min3A_649 : vector<128xi32> to vector<128x1xi32>
        %lt3A_651 = arith.cmpf olt, %broadcast_in_dim3A_641, %while3A_635 : vector<128x1xf32>
        %eq3A_652 = vector.broadcast %while3A_635 : vector<128x1xf32> to vector<128x16xf32>
        %eq3A_653 = arith.cmpf oeq, %while3A_633, %eq3A_652 : vector<128x16xf32>
        %jit3A_654 = arith.constant -1 : i32
        %broadcast_in_dim3A_655 = vector.broadcast %jit3A_654 : i32 to vector<128x16xi32>
        %select_n3A_656 = arith.select %eq3A_653, %while3A_634, %broadcast_in_dim3A_655 : vector<128x16xi1>, vector<128x16xi32>
        %reduce_max3A = arith.constant dense<-2147483648> : vector<128xi32>
        %reduce_max3A_657 = vector.multi_reduction <maxsi>, %select_n3A_656, %reduce_max3A [1] : vector<128x16xi32> to vector<128xi32>
        %broadcast_in_dim3A_658 = vector.shape_cast %reduce_max3A_657 : vector<128xi32> to vector<128x1xi32>
        %eq3A_659 = vector.broadcast %broadcast_in_dim3A_658 : vector<128x1xi32> to vector<128x16xi32>
        %eq3A_660 = arith.cmpi eq, %while3A_634, %eq3A_659 : vector<128x16xi32>
        %and3A_661 = arith.andi %eq3A_653, %eq3A_660 : vector<128x16xi1>
        %jit3A_662 = arith.constant -1 : i32
        %broadcast_in_dim3A_663 = vector.broadcast %jit3A_662 : i32 to vector<128x16xi32>
        %select_n3A_664 = arith.select %and3A_661, %iota3A_227, %broadcast_in_dim3A_663 : vector<128x16xi1>, vector<128x16xi32>
        %reduce_max3A_665 = arith.constant dense<-2147483648> : vector<128xi32>
        %reduce_max3A_666 = vector.multi_reduction <maxsi>, %select_n3A_664, %reduce_max3A_665 [1] : vector<128x16xi32> to vector<128xi32>
        %broadcast_in_dim3A_667 = vector.shape_cast %reduce_max3A_666 : vector<128xi32> to vector<128x1xi32>
        %eq3A_668 = vector.broadcast %broadcast_in_dim3A_667 : vector<128x1xi32> to vector<128x16xi32>
        %eq3A_669 = arith.cmpi eq, %iota3A_227, %eq3A_668 : vector<128x16xi32>
        %and3A_670 = vector.broadcast %lt3A_651 : vector<128x1xi1> to vector<128x16xi1>
        %and3A_671 = arith.andi %eq3A_669, %and3A_670 : vector<128x16xi1>
        %broadcast_in_dim3A_672 = vector.shape_cast %broadcast_in_dim3A_641 : vector<128x1xf32> to vector<128x1xf32>
        %broadcast_in_dim3A_673 = vector.broadcast %broadcast_in_dim3A_672 : vector<128x1xf32> to vector<128x16xf32>
        %select_n3A_674 = arith.select %and3A_671, %broadcast_in_dim3A_673, %while3A_633 : vector<128x16xi1>, vector<128x16xf32>
        %broadcast_in_dim3A_675 = vector.shape_cast %broadcast_in_dim3A_650 : vector<128x1xi32> to vector<128x1xi32>
        %broadcast_in_dim3A_676 = vector.broadcast %broadcast_in_dim3A_675 : vector<128x1xi32> to vector<128x16xi32>
        %select_n3A_677 = arith.select %and3A_671, %broadcast_in_dim3A_676, %while3A_634 : vector<128x16xi1>, vector<128x16xi32>
        %reduce_max3A_678 = arith.constant dense<0xFF800000> : vector<128xf32>
        %reduce_max3A_679 = vector.multi_reduction <maximumf>, %select_n3A_674, %reduce_max3A_678 [1] : vector<128x16xf32> to vector<128xf32>
        %broadcast_in_dim3A_680 = vector.shape_cast %reduce_max3A_679 : vector<128xf32> to vector<128x1xf32>
        %eq3A_681 = vector.broadcast %add3A_604 : vector<1x1024xi32> to vector<128x1024xi32>
        %eq3A_682 = vector.broadcast %broadcast_in_dim3A_650 : vector<128x1xi32> to vector<128x1024xi32>
        %eq3A_683 = arith.cmpi eq, %eq3A_681, %eq3A_682 : vector<128x1024xi32>
        %and3A_684 = vector.broadcast %lt3A_651 : vector<128x1xi1> to vector<128x1024xi1>
        %and3A_685 = arith.andi %eq3A_683, %and3A_684 : vector<128x1024xi1>
        %broadcast_in_dim3A_686 = vector.broadcast %while3A : f32 to vector<128x1024xf32>
        %select_n3A_687 = arith.select %and3A_685, %broadcast_in_dim3A_686, %get3A_638 : vector<128x1024xi1>, vector<128x1024xf32>
        %swap3A_688 = arith.constant 0 : index
        %swap3A_689 = arith.constant 0 : index
        %swap3A_690 = vector.load %arg6[%swap3A_688, %swap3A_689] : memref<128x1024xf32, #tpu.memory_space<vmem>>, vector<128x1024xf32>
        tpu.vector_store %arg6[%swap3A_688, %swap3A_689], %select_n3A_687 {strides = array<i32>} : memref<128x1024xf32, #tpu.memory_space<vmem>>, vector<128x1024xf32>,
        %reduce_min3A_691 = arith.constant dense<0x7F800000> : vector<128xf32>
        %reduce_min3A_692 = vector.multi_reduction <minimumf>, %select_n3A_687, %reduce_min3A_691 [1] : vector<128x1024xf32> to vector<128xf32>
        %broadcast_in_dim3A_693 = vector.shape_cast %reduce_min3A_692 : vector<128xf32> to vector<128x1xf32>
        %lt3A_694 = arith.cmpf olt, %broadcast_in_dim3A_693, %broadcast_in_dim3A_680 : vector<128x1xf32>
        %reduce_or3A_695 = arith.constant 1.000000e+00 : f32
        %reduce_or3A_696 = arith.constant 0.000000e+00 : f32
        %reduce_or3A_697 = vector.broadcast %reduce_or3A_695 : f32 to vector<128x1xf32>
        %reduce_or3A_698 = vector.broadcast %reduce_or3A_696 : f32 to vector<128x1xf32>
        %reduce_or3A_699 = arith.select %lt3A_694, %reduce_or3A_697, %reduce_or3A_698 : vector<128x1xi1>, vector<128x1xf32>
        %reduce_or3A_700 = vector.shape_cast %reduce_or3A_699 : vector<128x1xf32> to vector<1x128x1xf32>
        %reduce_or3A_701 = arith.constant dense<0xFF800000> : vector<1xf32>
        %reduce_or3A_702 = vector.multi_reduction <maximumf>, %reduce_or3A_700, %reduce_or3A_701 [1, 2] : vector<1x128x1xf32> to vector<1xf32>
        %reduce_or3A_703 = vector.shape_cast %reduce_or3A_702 : vector<1xf32> to vector<1x1x1xf32>
        %reduce_or3A_704 = vector.extract %reduce_or3A_703[0, 0, 0] : f32 from vector<1x1x1xf32>
        %reduce_or3A_705 = arith.constant 0.000000e+00 : f32
        %reduce_or3A_706 = arith.cmpf ogt, %reduce_or3A_704, %reduce_or3A_705 : f32
        scf.yield %reduce_or3A_706, %select_n3A_674, %select_n3A_677, %broadcast_in_dim3A_680 : i1, vector<128x16xf32>, vector<128x16xi32>, vector<128x1xf32>
      }
      scf.yield %while3A_631#1, %while3A_631#2, %while3A_631#3 : vector<128x16xf32>, vector<128x16xi32>, vector<128x1xf32>
    }
    %while3A_294 = arith.constant 1 : i32
    %while3A_295:3 = scf.for %while3A_302 = %while3A_291 to %while3A_287 step %while3A_294 iter_args(%while3A_303 = %while3A_293#0, %while3A_304 = %while3A_293#1, %while3A_305 = %while3A_293#2) -> (vector<128x16xf32>, vector<128x16xi32>, vector<128x1xf32>)  : i32 {
      %mul3A_306 = arith.constant 8 : i32
      %mul3A_307 = arith.muli %while3A_302, %mul3A_306 : i32
      %add3A_308 = arith.constant 0 : i32
      %add3A_309 = arith.addi %add3A_308, %mul3A_307 : i32
      %add3A_310 = arith.constant 0 : i32
      %add3A_311 = arith.addi %add3A_309, %add3A_310 : i32
      %get3A_312 = arith.index_cast %add3A_311 : i32 to index
      %get3A_313 = arith.constant 0 : index
      %get3A_314 = vector.load %arg2[%get3A_312, %get3A_313] : memref<16384x128xf32, #tpu.memory_space<vmem>>, vector<1x128xf32>
      %add3A_315 = arith.constant 0 : i32
      %add3A_316 = arith.addi %add3A_315, %mul3A_307 : i32
      %add3A_317 = arith.constant 1 : i32
      %add3A_318 = arith.addi %add3A_316, %add3A_317 : i32
      %get3A_319 = arith.index_cast %add3A_318 : i32 to index
      %get3A_320 = arith.constant 0 : index
      %get3A_321 = vector.load %arg2[%get3A_319, %get3A_320] : memref<16384x128xf32, #tpu.memory_space<vmem>>, vector<1x128xf32>
      %add3A_322 = arith.constant 0 : i32
      %add3A_323 = arith.addi %add3A_322, %mul3A_307 : i32
      %add3A_324 = arith.constant 2 : i32
      %add3A_325 = arith.addi %add3A_323, %add3A_324 : i32
      %get3A_326 = arith.index_cast %add3A_325 : i32 to index
      %get3A_327 = arith.constant 0 : index
      %get3A_328 = vector.load %arg2[%get3A_326, %get3A_327] : memref<16384x128xf32, #tpu.memory_space<vmem>>, vector<1x128xf32>
      %add3A_329 = arith.constant 0 : i32
      %add3A_330 = arith.addi %add3A_329, %mul3A_307 : i32
      %add3A_331 = arith.constant 3 : i32
      %add3A_332 = arith.addi %add3A_330, %add3A_331 : i32
      %get3A_333 = arith.index_cast %add3A_332 : i32 to index
      %get3A_334 = arith.constant 0 : index
      %get3A_335 = vector.load %arg2[%get3A_333, %get3A_334] : memref<16384x128xf32, #tpu.memory_space<vmem>>, vector<1x128xf32>
      %add3A_336 = arith.constant 0 : i32
      %add3A_337 = arith.addi %add3A_336, %mul3A_307 : i32
      %add3A_338 = arith.constant 4 : i32
      %add3A_339 = arith.addi %add3A_337, %add3A_338 : i32
      %get3A_340 = arith.index_cast %add3A_339 : i32 to index
      %get3A_341 = arith.constant 0 : index
      %get3A_342 = vector.load %arg2[%get3A_340, %get3A_341] : memref<16384x128xf32, #tpu.memory_space<vmem>>, vector<1x128xf32>
      %add3A_343 = arith.constant 0 : i32
      %add3A_344 = arith.addi %add3A_343, %mul3A_307 : i32
      %add3A_345 = arith.constant 5 : i32
      %add3A_346 = arith.addi %add3A_344, %add3A_345 : i32
      %get3A_347 = arith.index_cast %add3A_346 : i32 to index
      %get3A_348 = arith.constant 0 : index
      %get3A_349 = vector.load %arg2[%get3A_347, %get3A_348] : memref<16384x128xf32, #tpu.memory_space<vmem>>, vector<1x128xf32>
      %add3A_350 = arith.constant 0 : i32
      %add3A_351 = arith.addi %add3A_350, %mul3A_307 : i32
      %add3A_352 = arith.constant 6 : i32
      %add3A_353 = arith.addi %add3A_351, %add3A_352 : i32
      %get3A_354 = arith.index_cast %add3A_353 : i32 to index
      %get3A_355 = arith.constant 0 : index
      %get3A_356 = vector.load %arg2[%get3A_354, %get3A_355] : memref<16384x128xf32, #tpu.memory_space<vmem>>, vector<1x128xf32>
      %add3A_357 = arith.constant 0 : i32
      %add3A_358 = arith.addi %add3A_357, %mul3A_307 : i32
      %add3A_359 = arith.constant 7 : i32
      %add3A_360 = arith.addi %add3A_358, %add3A_359 : i32
      %get3A_361 = arith.index_cast %add3A_360 : i32 to index
      %get3A_362 = arith.constant 0 : index
      %get3A_363 = vector.load %arg2[%get3A_361, %get3A_362] : memref<16384x128xf32, #tpu.memory_space<vmem>>, vector<1x128xf32>
      %add3A_364 = arith.constant 4096 : i32
      %add3A_365 = arith.addi %add3A_364, %mul3A_307 : i32
      %add3A_366 = arith.constant 0 : i32
      %add3A_367 = arith.addi %add3A_365, %add3A_366 : i32
      %get3A_368 = arith.index_cast %add3A_367 : i32 to index
      %get3A_369 = arith.constant 0 : index
      %get3A_370 = vector.load %arg2[%get3A_368, %get3A_369] : memref<16384x128xf32, #tpu.memory_space<vmem>>, vector<1x128xf32>
      %add3A_371 = arith.constant 4096 : i32
      %add3A_372 = arith.addi %add3A_371, %mul3A_307 : i32
      %add3A_373 = arith.constant 1 : i32
      %add3A_374 = arith.addi %add3A_372, %add3A_373 : i32
      %get3A_375 = arith.index_cast %add3A_374 : i32 to index
      %get3A_376 = arith.constant 0 : index
      %get3A_377 = vector.load %arg2[%get3A_375, %get3A_376] : memref<16384x128xf32, #tpu.memory_space<vmem>>, vector<1x128xf32>
      %add3A_378 = arith.constant 4096 : i32
      %add3A_379 = arith.addi %add3A_378, %mul3A_307 : i32
      %add3A_380 = arith.constant 2 : i32
      %add3A_381 = arith.addi %add3A_379, %add3A_380 : i32
      %get3A_382 = arith.index_cast %add3A_381 : i32 to index
      %get3A_383 = arith.constant 0 : index
      %get3A_384 = vector.load %arg2[%get3A_382, %get3A_383] : memref<16384x128xf32, #tpu.memory_space<vmem>>, vector<1x128xf32>
      %add3A_385 = arith.constant 4096 : i32
      %add3A_386 = arith.addi %add3A_385, %mul3A_307 : i32
      %add3A_387 = arith.constant 3 : i32
      %add3A_388 = arith.addi %add3A_386, %add3A_387 : i32
      %get3A_389 = arith.index_cast %add3A_388 : i32 to index
      %get3A_390 = arith.constant 0 : index
      %get3A_391 = vector.load %arg2[%get3A_389, %get3A_390] : memref<16384x128xf32, #tpu.memory_space<vmem>>, vector<1x128xf32>
      %add3A_392 = arith.constant 4096 : i32
      %add3A_393 = arith.addi %add3A_392, %mul3A_307 : i32
      %add3A_394 = arith.constant 4 : i32
      %add3A_395 = arith.addi %add3A_393, %add3A_394 : i32
      %get3A_396 = arith.index_cast %add3A_395 : i32 to index
      %get3A_397 = arith.constant 0 : index
      %get3A_398 = vector.load %arg2[%get3A_396, %get3A_397] : memref<16384x128xf32, #tpu.memory_space<vmem>>, vector<1x128xf32>
      %add3A_399 = arith.constant 4096 : i32
      %add3A_400 = arith.addi %add3A_399, %mul3A_307 : i32
      %add3A_401 = arith.constant 5 : i32
      %add3A_402 = arith.addi %add3A_400, %add3A_401 : i32
      %get3A_403 = arith.index_cast %add3A_402 : i32 to index
      %get3A_404 = arith.constant 0 : index
      %get3A_405 = vector.load %arg2[%get3A_403, %get3A_404] : memref<16384x128xf32, #tpu.memory_space<vmem>>, vector<1x128xf32>
      %add3A_406 = arith.constant 4096 : i32
      %add3A_407 = arith.addi %add3A_406, %mul3A_307 : i32
      %add3A_408 = arith.constant 6 : i32
      %add3A_409 = arith.addi %add3A_407, %add3A_408 : i32
      %get3A_410 = arith.index_cast %add3A_409 : i32 to index
      %get3A_411 = arith.constant 0 : index
      %get3A_412 = vector.load %arg2[%get3A_410, %get3A_411] : memref<16384x128xf32, #tpu.memory_space<vmem>>, vector<1x128xf32>
      %add3A_413 = arith.constant 4096 : i32
      %add3A_414 = arith.addi %add3A_413, %mul3A_307 : i32
      %add3A_415 = arith.constant 7 : i32
      %add3A_416 = arith.addi %add3A_414, %add3A_415 : i32
      %get3A_417 = arith.index_cast %add3A_416 : i32 to index
      %get3A_418 = arith.constant 0 : index
      %get3A_419 = vector.load %arg2[%get3A_417, %get3A_418] : memref<16384x128xf32, #tpu.memory_space<vmem>>, vector<1x128xf32>
      %add3A_420 = arith.constant 8192 : i32
      %add3A_421 = arith.addi %add3A_420, %mul3A_307 : i32
      %add3A_422 = arith.constant 0 : i32
      %add3A_423 = arith.addi %add3A_421, %add3A_422 : i32
      %get3A_424 = arith.index_cast %add3A_423 : i32 to index
      %get3A_425 = arith.constant 0 : index
      %get3A_426 = vector.load %arg2[%get3A_424, %get3A_425] : memref<16384x128xf32, #tpu.memory_space<vmem>>, vector<1x128xf32>
      %add3A_427 = arith.constant 8192 : i32
      %add3A_428 = arith.addi %add3A_427, %mul3A_307 : i32
      %add3A_429 = arith.constant 1 : i32
      %add3A_430 = arith.addi %add3A_428, %add3A_429 : i32
      %get3A_431 = arith.index_cast %add3A_430 : i32 to index
      %get3A_432 = arith.constant 0 : index
      %get3A_433 = vector.load %arg2[%get3A_431, %get3A_432] : memref<16384x128xf32, #tpu.memory_space<vmem>>, vector<1x128xf32>
      %add3A_434 = arith.constant 8192 : i32
      %add3A_435 = arith.addi %add3A_434, %mul3A_307 : i32
      %add3A_436 = arith.constant 2 : i32
      %add3A_437 = arith.addi %add3A_435, %add3A_436 : i32
      %get3A_438 = arith.index_cast %add3A_437 : i32 to index
      %get3A_439 = arith.constant 0 : index
      %get3A_440 = vector.load %arg2[%get3A_438, %get3A_439] : memref<16384x128xf32, #tpu.memory_space<vmem>>, vector<1x128xf32>
      %add3A_441 = arith.constant 8192 : i32
      %add3A_442 = arith.addi %add3A_441, %mul3A_307 : i32
      %add3A_443 = arith.constant 3 : i32
      %add3A_444 = arith.addi %add3A_442, %add3A_443 : i32
      %get3A_445 = arith.index_cast %add3A_444 : i32 to index
      %get3A_446 = arith.constant 0 : index
      %get3A_447 = vector.load %arg2[%get3A_445, %get3A_446] : memref<16384x128xf32, #tpu.memory_space<vmem>>, vector<1x128xf32>
      %add3A_448 = arith.constant 8192 : i32
      %add3A_449 = arith.addi %add3A_448, %mul3A_307 : i32
      %add3A_450 = arith.constant 4 : i32
      %add3A_451 = arith.addi %add3A_449, %add3A_450 : i32
      %get3A_452 = arith.index_cast %add3A_451 : i32 to index
      %get3A_453 = arith.constant 0 : index
      %get3A_454 = vector.load %arg2[%get3A_452, %get3A_453] : memref<16384x128xf32, #tpu.memory_space<vmem>>, vector<1x128xf32>
      %add3A_455 = arith.constant 8192 : i32
      %add3A_456 = arith.addi %add3A_455, %mul3A_307 : i32
      %add3A_457 = arith.constant 5 : i32
      %add3A_458 = arith.addi %add3A_456, %add3A_457 : i32
      %get3A_459 = arith.index_cast %add3A_458 : i32 to index
      %get3A_460 = arith.constant 0 : index
      %get3A_461 = vector.load %arg2[%get3A_459, %get3A_460] : memref<16384x128xf32, #tpu.memory_space<vmem>>, vector<1x128xf32>
      %add3A_462 = arith.constant 8192 : i32
      %add3A_463 = arith.addi %add3A_462, %mul3A_307 : i32
      %add3A_464 = arith.constant 6 : i32
      %add3A_465 = arith.addi %add3A_463, %add3A_464 : i32
      %get3A_466 = arith.index_cast %add3A_465 : i32 to index
      %get3A_467 = arith.constant 0 : index
      %get3A_468 = vector.load %arg2[%get3A_466, %get3A_467] : memref<16384x128xf32, #tpu.memory_space<vmem>>, vector<1x128xf32>
      %add3A_469 = arith.constant 8192 : i32
      %add3A_470 = arith.addi %add3A_469, %mul3A_307 : i32
      %add3A_471 = arith.constant 7 : i32
      %add3A_472 = arith.addi %add3A_470, %add3A_471 : i32
      %get3A_473 = arith.index_cast %add3A_472 : i32 to index
      %get3A_474 = arith.constant 0 : index
      %get3A_475 = vector.load %arg2[%get3A_473, %get3A_474] : memref<16384x128xf32, #tpu.memory_space<vmem>>, vector<1x128xf32>
      %add3A_476 = arith.constant 12288 : i32
      %add3A_477 = arith.addi %add3A_476, %mul3A_307 : i32
      %add3A_478 = arith.constant 0 : i32
      %add3A_479 = arith.addi %add3A_477, %add3A_478 : i32
      %get3A_480 = arith.index_cast %add3A_479 : i32 to index
      %get3A_481 = arith.constant 0 : index
      %get3A_482 = vector.load %arg2[%get3A_480, %get3A_481] : memref<16384x128xf32, #tpu.memory_space<vmem>>, vector<1x128xf32>
      %add3A_483 = arith.constant 12288 : i32
      %add3A_484 = arith.addi %add3A_483, %mul3A_307 : i32
      %add3A_485 = arith.constant 1 : i32
      %add3A_486 = arith.addi %add3A_484, %add3A_485 : i32
      %get3A_487 = arith.index_cast %add3A_486 : i32 to index
      %get3A_488 = arith.constant 0 : index
      %get3A_489 = vector.load %arg2[%get3A_487, %get3A_488] : memref<16384x128xf32, #tpu.memory_space<vmem>>, vector<1x128xf32>
      %add3A_490 = arith.constant 12288 : i32
      %add3A_491 = arith.addi %add3A_490, %mul3A_307 : i32
      %add3A_492 = arith.constant 2 : i32
      %add3A_493 = arith.addi %add3A_491, %add3A_492 : i32
      %get3A_494 = arith.index_cast %add3A_493 : i32 to index
      %get3A_495 = arith.constant 0 : index
      %get3A_496 = vector.load %arg2[%get3A_494, %get3A_495] : memref<16384x128xf32, #tpu.memory_space<vmem>>, vector<1x128xf32>
      %add3A_497 = arith.constant 12288 : i32
      %add3A_498 = arith.addi %add3A_497, %mul3A_307 : i32
      %add3A_499 = arith.constant 3 : i32
      %add3A_500 = arith.addi %add3A_498, %add3A_499 : i32
      %get3A_501 = arith.index_cast %add3A_500 : i32 to index
      %get3A_502 = arith.constant 0 : index
      %get3A_503 = vector.load %arg2[%get3A_501, %get3A_502] : memref<16384x128xf32, #tpu.memory_space<vmem>>, vector<1x128xf32>
      %add3A_504 = arith.constant 12288 : i32
      %add3A_505 = arith.addi %add3A_504, %mul3A_307 : i32
      %add3A_506 = arith.constant 4 : i32
      %add3A_507 = arith.addi %add3A_505, %add3A_506 : i32
      %get3A_508 = arith.index_cast %add3A_507 : i32 to index
      %get3A_509 = arith.constant 0 : index
      %get3A_510 = vector.load %arg2[%get3A_508, %get3A_509] : memref<16384x128xf32, #tpu.memory_space<vmem>>, vector<1x128xf32>
      %add3A_511 = arith.constant 12288 : i32
      %add3A_512 = arith.addi %add3A_511, %mul3A_307 : i32
      %add3A_513 = arith.constant 5 : i32
      %add3A_514 = arith.addi %add3A_512, %add3A_513 : i32
      %get3A_515 = arith.index_cast %add3A_514 : i32 to index
      %get3A_516 = arith.constant 0 : index
      %get3A_517 = vector.load %arg2[%get3A_515, %get3A_516] : memref<16384x128xf32, #tpu.memory_space<vmem>>, vector<1x128xf32>
      %add3A_518 = arith.constant 12288 : i32
      %add3A_519 = arith.addi %add3A_518, %mul3A_307 : i32
      %add3A_520 = arith.constant 6 : i32
      %add3A_521 = arith.addi %add3A_519, %add3A_520 : i32
      %get3A_522 = arith.index_cast %add3A_521 : i32 to index
      %get3A_523 = arith.constant 0 : index
      %get3A_524 = vector.load %arg2[%get3A_522, %get3A_523] : memref<16384x128xf32, #tpu.memory_space<vmem>>, vector<1x128xf32>
      %add3A_525 = arith.constant 12288 : i32
      %add3A_526 = arith.addi %add3A_525, %mul3A_307 : i32
      %add3A_527 = arith.constant 7 : i32
      %add3A_528 = arith.addi %add3A_526, %add3A_527 : i32
      %get3A_529 = arith.index_cast %add3A_528 : i32 to index
      %get3A_530 = arith.constant 0 : index
      %get3A_531 = vector.load %arg2[%get3A_529, %get3A_530] : memref<16384x128xf32, #tpu.memory_space<vmem>>, vector<1x128xf32>
      %mul3A_532 = arith.mulf %get3A_314, %get3A_314 : vector<1x128xf32>
      %mul3A_533 = arith.mulf %get3A_370, %get3A_370 : vector<1x128xf32>
      %add3A_534 = arith.addf %mul3A_532, %mul3A_533 : vector<1x128xf32>
      %mul3A_535 = arith.mulf %get3A_426, %get3A_426 : vector<1x128xf32>
      %add3A_536 = arith.addf %add3A_534, %mul3A_535 : vector<1x128xf32>
      %mul3A_537 = arith.mulf %get3A_482, %get3A_482 : vector<1x128xf32>
      %add3A_538 = arith.addf %add3A_536, %mul3A_537 : vector<1x128xf32>
      %mul3A_539 = arith.mulf %get3A_321, %get3A_321 : vector<1x128xf32>
      %mul3A_540 = arith.mulf %get3A_377, %get3A_377 : vector<1x128xf32>
      %add3A_541 = arith.addf %mul3A_539, %mul3A_540 : vector<1x128xf32>
      %mul3A_542 = arith.mulf %get3A_433, %get3A_433 : vector<1x128xf32>
      %add3A_543 = arith.addf %add3A_541, %mul3A_542 : vector<1x128xf32>
      %mul3A_544 = arith.mulf %get3A_489, %get3A_489 : vector<1x128xf32>
      %add3A_545 = arith.addf %add3A_543, %mul3A_544 : vector<1x128xf32>
      %mul3A_546 = arith.mulf %get3A_328, %get3A_328 : vector<1x128xf32>
      %mul3A_547 = arith.mulf %get3A_384, %get3A_384 : vector<1x128xf32>
      %add3A_548 = arith.addf %mul3A_546, %mul3A_547 : vector<1x128xf32>
      %mul3A_549 = arith.mulf %get3A_440, %get3A_440 : vector<1x128xf32>
      %add3A_550 = arith.addf %add3A_548, %mul3A_549 : vector<1x128xf32>
      %mul3A_551 = arith.mulf %get3A_496, %get3A_496 : vector<1x128xf32>
      %add3A_552 = arith.addf %add3A_550, %mul3A_551 : vector<1x128xf32>
      %mul3A_553 = arith.mulf %get3A_335, %get3A_335 : vector<1x128xf32>
      %mul3A_554 = arith.mulf %get3A_391, %get3A_391 : vector<1x128xf32>
      %add3A_555 = arith.addf %mul3A_553, %mul3A_554 : vector<1x128xf32>
      %mul3A_556 = arith.mulf %get3A_447, %get3A_447 : vector<1x128xf32>
      %add3A_557 = arith.addf %add3A_555, %mul3A_556 : vector<1x128xf32>
      %mul3A_558 = arith.mulf %get3A_503, %get3A_503 : vector<1x128xf32>
      %add3A_559 = arith.addf %add3A_557, %mul3A_558 : vector<1x128xf32>
      %mul3A_560 = arith.mulf %get3A_342, %get3A_342 : vector<1x128xf32>
      %mul3A_561 = arith.mulf %get3A_398, %get3A_398 : vector<1x128xf32>
      %add3A_562 = arith.addf %mul3A_560, %mul3A_561 : vector<1x128xf32>
      %mul3A_563 = arith.mulf %get3A_454, %get3A_454 : vector<1x128xf32>
      %add3A_564 = arith.addf %add3A_562, %mul3A_563 : vector<1x128xf32>
      %mul3A_565 = arith.mulf %get3A_510, %get3A_510 : vector<1x128xf32>
      %add3A_566 = arith.addf %add3A_564, %mul3A_565 : vector<1x128xf32>
      %mul3A_567 = arith.mulf %get3A_349, %get3A_349 : vector<1x128xf32>
      %mul3A_568 = arith.mulf %get3A_405, %get3A_405 : vector<1x128xf32>
      %add3A_569 = arith.addf %mul3A_567, %mul3A_568 : vector<1x128xf32>
      %mul3A_570 = arith.mulf %get3A_461, %get3A_461 : vector<1x128xf32>
      %add3A_571 = arith.addf %add3A_569, %mul3A_570 : vector<1x128xf32>
      %mul3A_572 = arith.mulf %get3A_517, %get3A_517 : vector<1x128xf32>
      %add3A_573 = arith.addf %add3A_571, %mul3A_572 : vector<1x128xf32>
      %mul3A_574 = arith.mulf %get3A_356, %get3A_356 : vector<1x128xf32>
      %mul3A_575 = arith.mulf %get3A_412, %get3A_412 : vector<1x128xf32>
      %add3A_576 = arith.addf %mul3A_574, %mul3A_575 : vector<1x128xf32>
      %mul3A_577 = arith.mulf %get3A_468, %get3A_468 : vector<1x128xf32>
      %add3A_578 = arith.addf %add3A_576, %mul3A_577 : vector<1x128xf32>
      %mul3A_579 = arith.mulf %get3A_524, %get3A_524 : vector<1x128xf32>
      %add3A_580 = arith.addf %add3A_578, %mul3A_579 : vector<1x128xf32>
      %mul3A_581 = arith.mulf %get3A_363, %get3A_363 : vector<1x128xf32>
      %mul3A_582 = arith.mulf %get3A_419, %get3A_419 : vector<1x128xf32>
      %add3A_583 = arith.addf %mul3A_581, %mul3A_582 : vector<1x128xf32>
      %mul3A_584 = arith.mulf %get3A_475, %get3A_475 : vector<1x128xf32>
      %add3A_585 = arith.addf %add3A_583, %mul3A_584 : vector<1x128xf32>
      %mul3A_586 = arith.mulf %get3A_531, %get3A_531 : vector<1x128xf32>
      %add3A_587 = arith.addf %add3A_585, %mul3A_586 : vector<1x128xf32>
      %concatenate3A = tpu.concatenate %add3A_538, %add3A_545, %add3A_552, %add3A_559, %add3A_566, %add3A_573, %add3A_580, %add3A_587 in 1 : vector<1x128xf32>, vector<1x128xf32>, vector<1x128xf32>, vector<1x128xf32>, vector<1x128xf32>, vector<1x128xf32>, vector<1x128xf32>, vector<1x128xf32> -> vector<1x1024xf32>
      %concatenate3A_588 = tpu.concatenate %get3A_314, %get3A_321, %get3A_328, %get3A_335, %get3A_342, %get3A_349, %get3A_356, %get3A_363 in 1 : vector<1x128xf32>, vector<1x128xf32>, vector<1x128xf32>, vector<1x128xf32>, vector<1x128xf32>, vector<1x128xf32>, vector<1x128xf32>, vector<1x128xf32> -> vector<1x1024xf32>
      %concatenate3A_589 = tpu.concatenate %get3A_370, %get3A_377, %get3A_384, %get3A_391, %get3A_398, %get3A_405, %get3A_412, %get3A_419 in 1 : vector<1x128xf32>, vector<1x128xf32>, vector<1x128xf32>, vector<1x128xf32>, vector<1x128xf32>, vector<1x128xf32>, vector<1x128xf32>, vector<1x128xf32> -> vector<1x1024xf32>
      %concatenate3A_590 = tpu.concatenate %get3A_426, %get3A_433, %get3A_440, %get3A_447, %get3A_454, %get3A_461, %get3A_468, %get3A_475 in 1 : vector<1x128xf32>, vector<1x128xf32>, vector<1x128xf32>, vector<1x128xf32>, vector<1x128xf32>, vector<1x128xf32>, vector<1x128xf32>, vector<1x128xf32> -> vector<1x1024xf32>
      %concatenate3A_591 = tpu.concatenate %get3A_482, %get3A_489, %get3A_496, %get3A_503, %get3A_510, %get3A_517, %get3A_524, %get3A_531 in 1 : vector<1x128xf32>, vector<1x128xf32>, vector<1x128xf32>, vector<1x128xf32>, vector<1x128xf32>, vector<1x128xf32>, vector<1x128xf32>, vector<1x128xf32> -> vector<1x1024xf32>
      %concatenate3A_592 = tpu.concatenate %concatenate3A_588, %concatenate3A_589, %concatenate3A_590, %concatenate3A_591 in 0 : vector<1x1024xf32>, vector<1x1024xf32>, vector<1x1024xf32>, vector<1x1024xf32> -> vector<4x1024xf32>
      %dot_general3A = arith.constant dense<0.000000e+00> : vector<128x1024xf32>
      %dot_general3A_593 = tpu.matmul %scan3A_215#4, %concatenate3A_592, %dot_general3A {dimension_numbers = #tpu.dot_dimension_numbers<[1], [0], [0], [1], [0, 0, 1, 1], [], []>, transpose_lhs_hint = false} : vector<128x4xf32>, vector<4x1024xf32>, vector<128x1024xf32> -> vector<128x1024xf32>
      %add3A_594 = vector.broadcast %broadcast_in_dim3A_226 : vector<128x1xf32> to vector<128x1024xf32>
      %add3A_595 = vector.broadcast %concatenate3A : vector<1x1024xf32> to vector<128x1024xf32>
      %add3A_596 = arith.addf %add3A_594, %add3A_595 : vector<128x1024xf32>
      %mul3A_597 = arith.constant 2.000000e+00 : f32
      %mul3A_598 = vector.broadcast %mul3A_597 : f32 to vector<128x1024xf32>
      %mul3A_599 = arith.mulf %mul3A_598, %dot_general3A_593 : vector<128x1024xf32>
      %sub3A_600 = arith.subf %add3A_596, %mul3A_599 : vector<128x1024xf32>
      %mul3A_601 = arith.constant 1024 : i32
      %mul3A_602 = arith.muli %while3A_302, %mul3A_601 : i32
      %add3A_603 = vector.broadcast %mul3A_602 : i32 to vector<1x1024xi32>
      %add3A_604 = arith.addi %iota3A_278, %add3A_603 : vector<1x1024xi32>
      %ge3A_605 = vector.broadcast %get3A_0 : i32 to vector<1x1024xi32>
      %ge3A_606 = arith.cmpi sge, %add3A_604, %ge3A_605 : vector<1x1024xi32>
      %lt3A_607 = vector.broadcast %get3A_3 : i32 to vector<1x1024xi32>
      %lt3A_608 = arith.cmpi slt, %add3A_604, %lt3A_607 : vector<1x1024xi32>
      %and3A_609 = arith.andi %ge3A_606, %lt3A_608 : vector<1x1024xi1>
      %broadcast_in_dim3A_610 = vector.shape_cast %and3A_609 : vector<1x1024xi1> to vector<1x1024xi1>
      %broadcast_in_dim3A_611 = vector.broadcast %broadcast_in_dim3A_610 : vector<1x1024xi1> to vector<128x1024xi1>
      %broadcast_in_dim3A_612 = vector.broadcast %while3A : f32 to vector<128x1024xf32>
      %select_n3A_613 = arith.select %broadcast_in_dim3A_611, %sub3A_600, %broadcast_in_dim3A_612 : vector<128x1024xi1>, vector<128x1024xf32>
      %swap3A_614 = arith.constant 0 : index
      %swap3A_615 = arith.constant 0 : index
      %swap3A_616 = vector.load %arg6[%swap3A_614, %swap3A_615] : memref<128x1024xf32, #tpu.memory_space<vmem>>, vector<128x1024xf32>
      tpu.vector_store %arg6[%swap3A_614, %swap3A_615], %select_n3A_613 {strides = array<i32>} : memref<128x1024xf32, #tpu.memory_space<vmem>>, vector<128x1024xf32>,
      %reduce_min3A = arith.constant dense<0x7F800000> : vector<128xf32>
      %reduce_min3A_617 = vector.multi_reduction <minimumf>, %select_n3A_613, %reduce_min3A [1] : vector<128x1024xf32> to vector<128xf32>
      %broadcast_in_dim3A_618 = vector.shape_cast %reduce_min3A_617 : vector<128xf32> to vector<128x1xf32>
      %lt3A_619 = arith.cmpf olt, %broadcast_in_dim3A_618, %while3A_305 : vector<128x1xf32>
      %reduce_or3A = arith.constant 1.000000e+00 : f32
      %reduce_or3A_620 = arith.constant 0.000000e+00 : f32
      %reduce_or3A_621 = vector.broadcast %reduce_or3A : f32 to vector<128x1xf32>
      %reduce_or3A_622 = vector.broadcast %reduce_or3A_620 : f32 to vector<128x1xf32>
      %reduce_or3A_623 = arith.select %lt3A_619, %reduce_or3A_621, %reduce_or3A_622 : vector<128x1xi1>, vector<128x1xf32>
      %reduce_or3A_624 = vector.shape_cast %reduce_or3A_623 : vector<128x1xf32> to vector<1x128x1xf32>
      %reduce_or3A_625 = arith.constant dense<0xFF800000> : vector<1xf32>
      %reduce_or3A_626 = vector.multi_reduction <maximumf>, %reduce_or3A_624, %reduce_or3A_625 [1, 2] : vector<1x128x1xf32> to vector<1xf32>
      %reduce_or3A_627 = vector.shape_cast %reduce_or3A_626 : vector<1xf32> to vector<1x1x1xf32>
      %reduce_or3A_628 = vector.extract %reduce_or3A_627[0, 0, 0] : f32 from vector<1x1x1xf32>
      %reduce_or3A_629 = arith.constant 0.000000e+00 : f32
      %reduce_or3A_630 = arith.cmpf ogt, %reduce_or3A_628, %reduce_or3A_629 : f32
      %while3A_631:4 = scf.while (%while3A_632 = %reduce_or3A_630, %while3A_633 = %while3A_303, %while3A_634 = %while3A_304, %while3A_635 = %while3A_305) : (i1, vector<128x16xf32>, vector<128x16xi32>, vector<128x1xf32>) -> (i1, vector<128x16xf32>, vector<128x16xi32>, vector<128x1xf32>) {
        scf.condition(%while3A_632) %while3A_632, %while3A_633, %while3A_634, %while3A_635 : i1, vector<128x16xf32>, vector<128x16xi32>, vector<128x1xf32>
      } do {
      ^bb0(%while3A_632: i1, %while3A_633: vector<128x16xf32>, %while3A_634: vector<128x16xi32>, %while3A_635: vector<128x1xf32>):
        %get3A_636 = arith.constant 0 : index
        %get3A_637 = arith.constant 0 : index
        %get3A_638 = vector.load %arg6[%get3A_636, %get3A_637] : memref<128x1024xf32, #tpu.memory_space<vmem>>, vector<128x1024xf32>
        %reduce_min3A_639 = arith.constant dense<0x7F800000> : vector<128xf32>
        %reduce_min3A_640 = vector.multi_reduction <minimumf>, %get3A_638, %reduce_min3A_639 [1] : vector<128x1024xf32> to vector<128xf32>
        %broadcast_in_dim3A_641 = vector.shape_cast %reduce_min3A_640 : vector<128xf32> to vector<128x1xf32>
        %eq3A_642 = vector.broadcast %broadcast_in_dim3A_641 : vector<128x1xf32> to vector<128x1024xf32>
        %eq3A_643 = arith.cmpf oeq, %get3A_638, %eq3A_642 : vector<128x1024xf32>
        %broadcast_in_dim3A_644 = vector.shape_cast %add3A_604 : vector<1x1024xi32> to vector<1x1024xi32>
        %broadcast_in_dim3A_645 = vector.broadcast %broadcast_in_dim3A_644 : vector<1x1024xi32> to vector<128x1024xi32>
        %broadcast_in_dim3A_646 = vector.broadcast %while3A_285 : i32 to vector<128x1024xi32>
        %select_n3A_647 = arith.select %eq3A_643, %broadcast_in_dim3A_645, %broadcast_in_dim3A_646 : vector<128x1024xi1>, vector<128x1024xi32>
        %reduce_min3A_648 = arith.constant dense<2147483647> : vector<128xi32>
        %reduce_min3A_649 = vector.multi_reduction <minsi>, %select_n3A_647, %reduce_min3A_648 [1] : vector<128x1024xi32> to vector<128xi32>
        %broadcast_in_dim3A_650 = vector.shape_cast %reduce_min3A_649 : vector<128xi32> to vector<128x1xi32>
        %lt3A_651 = arith.cmpf olt, %broadcast_in_dim3A_641, %while3A_635 : vector<128x1xf32>
        %eq3A_652 = vector.broadcast %while3A_635 : vector<128x1xf32> to vector<128x16xf32>
        %eq3A_653 = arith.cmpf oeq, %while3A_633, %eq3A_652 : vector<128x16xf32>
        %jit3A_654 = arith.constant -1 : i32
        %broadcast_in_dim3A_655 = vector.broadcast %jit3A_654 : i32 to vector<128x16xi32>
        %select_n3A_656 = arith.select %eq3A_653, %while3A_634, %broadcast_in_dim3A_655 : vector<128x16xi1>, vector<128x16xi32>
        %reduce_max3A = arith.constant dense<-2147483648> : vector<128xi32>
        %reduce_max3A_657 = vector.multi_reduction <maxsi>, %select_n3A_656, %reduce_max3A [1] : vector<128x16xi32> to vector<128xi32>
        %broadcast_in_dim3A_658 = vector.shape_cast %reduce_max3A_657 : vector<128xi32> to vector<128x1xi32>
        %eq3A_659 = vector.broadcast %broadcast_in_dim3A_658 : vector<128x1xi32> to vector<128x16xi32>
        %eq3A_660 = arith.cmpi eq, %while3A_634, %eq3A_659 : vector<128x16xi32>
        %and3A_661 = arith.andi %eq3A_653, %eq3A_660 : vector<128x16xi1>
        %jit3A_662 = arith.constant -1 : i32
        %broadcast_in_dim3A_663 = vector.broadcast %jit3A_662 : i32 to vector<128x16xi32>
        %select_n3A_664 = arith.select %and3A_661, %iota3A_227, %broadcast_in_dim3A_663 : vector<128x16xi1>, vector<128x16xi32>
        %reduce_max3A_665 = arith.constant dense<-2147483648> : vector<128xi32>
        %reduce_max3A_666 = vector.multi_reduction <maxsi>, %select_n3A_664, %reduce_max3A_665 [1] : vector<128x16xi32> to vector<128xi32>
        %broadcast_in_dim3A_667 = vector.shape_cast %reduce_max3A_666 : vector<128xi32> to vector<128x1xi32>
        %eq3A_668 = vector.broadcast %broadcast_in_dim3A_667 : vector<128x1xi32> to vector<128x16xi32>
        %eq3A_669 = arith.cmpi eq, %iota3A_227, %eq3A_668 : vector<128x16xi32>
        %and3A_670 = vector.broadcast %lt3A_651 : vector<128x1xi1> to vector<128x16xi1>
        %and3A_671 = arith.andi %eq3A_669, %and3A_670 : vector<128x16xi1>
        %broadcast_in_dim3A_672 = vector.shape_cast %broadcast_in_dim3A_641 : vector<128x1xf32> to vector<128x1xf32>
        %broadcast_in_dim3A_673 = vector.broadcast %broadcast_in_dim3A_672 : vector<128x1xf32> to vector<128x16xf32>
        %select_n3A_674 = arith.select %and3A_671, %broadcast_in_dim3A_673, %while3A_633 : vector<128x16xi1>, vector<128x16xf32>
        %broadcast_in_dim3A_675 = vector.shape_cast %broadcast_in_dim3A_650 : vector<128x1xi32> to vector<128x1xi32>
        %broadcast_in_dim3A_676 = vector.broadcast %broadcast_in_dim3A_675 : vector<128x1xi32> to vector<128x16xi32>
        %select_n3A_677 = arith.select %and3A_671, %broadcast_in_dim3A_676, %while3A_634 : vector<128x16xi1>, vector<128x16xi32>
        %reduce_max3A_678 = arith.constant dense<0xFF800000> : vector<128xf32>
        %reduce_max3A_679 = vector.multi_reduction <maximumf>, %select_n3A_674, %reduce_max3A_678 [1] : vector<128x16xf32> to vector<128xf32>
        %broadcast_in_dim3A_680 = vector.shape_cast %reduce_max3A_679 : vector<128xf32> to vector<128x1xf32>
        %eq3A_681 = vector.broadcast %add3A_604 : vector<1x1024xi32> to vector<128x1024xi32>
        %eq3A_682 = vector.broadcast %broadcast_in_dim3A_650 : vector<128x1xi32> to vector<128x1024xi32>
        %eq3A_683 = arith.cmpi eq, %eq3A_681, %eq3A_682 : vector<128x1024xi32>
        %and3A_684 = vector.broadcast %lt3A_651 : vector<128x1xi1> to vector<128x1024xi1>
        %and3A_685 = arith.andi %eq3A_683, %and3A_684 : vector<128x1024xi1>
        %broadcast_in_dim3A_686 = vector.broadcast %while3A : f32 to vector<128x1024xf32>
        %select_n3A_687 = arith.select %and3A_685, %broadcast_in_dim3A_686, %get3A_638 : vector<128x1024xi1>, vector<128x1024xf32>
        %swap3A_688 = arith.constant 0 : index
        %swap3A_689 = arith.constant 0 : index
        %swap3A_690 = vector.load %arg6[%swap3A_688, %swap3A_689] : memref<128x1024xf32, #tpu.memory_space<vmem>>, vector<128x1024xf32>
        tpu.vector_store %arg6[%swap3A_688, %swap3A_689], %select_n3A_687 {strides = array<i32>} : memref<128x1024xf32, #tpu.memory_space<vmem>>, vector<128x1024xf32>,
        %reduce_min3A_691 = arith.constant dense<0x7F800000> : vector<128xf32>
        %reduce_min3A_692 = vector.multi_reduction <minimumf>, %select_n3A_687, %reduce_min3A_691 [1] : vector<128x1024xf32> to vector<128xf32>
        %broadcast_in_dim3A_693 = vector.shape_cast %reduce_min3A_692 : vector<128xf32> to vector<128x1xf32>
        %lt3A_694 = arith.cmpf olt, %broadcast_in_dim3A_693, %broadcast_in_dim3A_680 : vector<128x1xf32>
        %reduce_or3A_695 = arith.constant 1.000000e+00 : f32
        %reduce_or3A_696 = arith.constant 0.000000e+00 : f32
        %reduce_or3A_697 = vector.broadcast %reduce_or3A_695 : f32 to vector<128x1xf32>
        %reduce_or3A_698 = vector.broadcast %reduce_or3A_696 : f32 to vector<128x1xf32>
        %reduce_or3A_699 = arith.select %lt3A_694, %reduce_or3A_697, %reduce_or3A_698 : vector<128x1xi1>, vector<128x1xf32>
        %reduce_or3A_700 = vector.shape_cast %reduce_or3A_699 : vector<128x1xf32> to vector<1x128x1xf32>
        %reduce_or3A_701 = arith.constant dense<0xFF800000> : vector<1xf32>
        %reduce_or3A_702 = vector.multi_reduction <maximumf>, %reduce_or3A_700, %reduce_or3A_701 [1, 2] : vector<1x128x1xf32> to vector<1xf32>
        %reduce_or3A_703 = vector.shape_cast %reduce_or3A_702 : vector<1xf32> to vector<1x1x1xf32>
        %reduce_or3A_704 = vector.extract %reduce_or3A_703[0, 0, 0] : f32 from vector<1x1x1xf32>
        %reduce_or3A_705 = arith.constant 0.000000e+00 : f32
        %reduce_or3A_706 = arith.cmpf ogt, %reduce_or3A_704, %reduce_or3A_705 : f32
        scf.yield %reduce_or3A_706, %select_n3A_674, %select_n3A_677, %broadcast_in_dim3A_680 : i1, vector<128x16xf32>, vector<128x16xi32>, vector<128x1xf32>
      }
      scf.yield %while3A_631#1, %while3A_631#2, %while3A_631#3 : vector<128x16xf32>, vector<128x16xi32>, vector<128x1xf32>
    }
    %swap3A_296 = arith.constant 0 : index
    %swap3A_297 = arith.constant 0 : index
    %swap3A_298 = arith.constant 0 : index
    %swap3A_299 = vector.load %arg4[%swap3A_296, %swap3A_297, %swap3A_298] : memref<1x128x16xi32, #tpu.memory_space<vmem>>, vector<1x128x16xi32>
    %swap3A_300 = vector.shape_cast %swap3A_299 : vector<1x128x16xi32> to vector<128x16xi32>
    %swap3A_301 = vector.shape_cast %while3A_295#1 : vector<128x16xi32> to vector<1x128x16xi32>
    tpu.vector_store %arg4[%swap3A_296, %swap3A_297, %swap3A_298], %swap3A_301 {strides = array<i32>} : memref<1x128x16xi32, #tpu.memory_space<vmem>>, vector<1x128x16xi32>,
    return
  }
  func.func @transform_0(%arg0: i32, %arg1: memref<5xi32, #tpu.memory_space<smem>>) -> (i32, i32) {
    %c0_i32 = arith.constant 0 : i32
    %c0_i32_0 = arith.constant 0 : i32
    %c0_i32_1 = arith.constant 0 : i32
    return %c0_i32, %c0_i32_0 : i32, i32
  }
  func.func @transform_1(%arg0: i32, %arg1: memref<5xi32, #tpu.memory_space<smem>>) -> (i32, i32, i32) {
    %c0_i32 = arith.constant 0 : i32
    %c0_i32_0 = arith.constant 0 : i32
    %c0_i32_1 = arith.constant 0 : i32
    return %arg0, %c0_i32, %c0_i32_0 : i32, i32, i32
  }
  func.func @transform_2(%arg0: i32, %arg1: memref<5xi32, #tpu.memory_space<smem>>) -> (i32, i32, i32) {
    %c0_i32 = arith.constant 0 : i32
    %c0_i32_0 = arith.constant 0 : i32
    %c0_i32_1 = arith.constant 0 : i32
    return %arg0, %c0_i32, %c0_i32_0 : i32, i32, i32
  }
}

module attributes {stable_mosaic.version = 14 : i64} {
  func.func @_finish_body(%arg0: memref<8192x128xf32, #tpu.memory_space<vmem>>, %arg1: memref<8192x1xi32, #tpu.memory_space<vmem>>, %arg2: memref<4x128x4xf32, #tpu.memory_space<vmem>>, %arg3: memref<16x64xf32, #tpu.memory_space<vmem>>, %arg4: memref<1x64xf32, #tpu.memory_space<vmem>>, %arg5: memref<64x128xf32, #tpu.memory_space<vmem>>, %arg6: memref<1x128xf32, #tpu.memory_space<vmem>>, %arg7: memref<128x128xf32, #tpu.memory_space<vmem>>, %arg8: memref<1x128xf32, #tpu.memory_space<vmem>>, %arg9: memref<128x128xf32, #tpu.memory_space<vmem>>, %arg10: memref<1x128xf32, #tpu.memory_space<vmem>>, %arg11: memref<128x128xf32, #tpu.memory_space<vmem>>, %arg12: memref<1x128xf32, #tpu.memory_space<vmem>>, %arg13: memref<4x128x128xf32, #tpu.memory_space<vmem>>, %arg14: memref<4x128x4xf32, #tpu.memory_space<vmem>>) attributes {dimension_semantics = [], scalar_prefetch = 0 : i64, scratch_operands = 0 : i64, tpu.core_type = #tpu.core_type<tc>} {
    %get3A = arith.constant 0 : index
    %get3A_0 = arith.constant 0 : index
    %get3A_1 = vector.load %arg3[%get3A, %get3A_0] : memref<16x64xf32, #tpu.memory_space<vmem>>, vector<16x64xf32>
    %get3A_2 = arith.constant 0 : index
    %get3A_3 = arith.constant 0 : index
    %get3A_4 = vector.load %arg4[%get3A_2, %get3A_3] : memref<1x64xf32, #tpu.memory_space<vmem>>, vector<1x64xf32>
    %get3A_5 = arith.constant 0 : index
    %get3A_6 = arith.constant 0 : index
    %get3A_7 = vector.load %arg5[%get3A_5, %get3A_6] : memref<64x128xf32, #tpu.memory_space<vmem>>, vector<64x128xf32>
    %get3A_8 = arith.constant 0 : index
    %get3A_9 = arith.constant 0 : index
    %get3A_10 = vector.load %arg6[%get3A_8, %get3A_9] : memref<1x128xf32, #tpu.memory_space<vmem>>, vector<1x128xf32>
    %get3A_11 = arith.constant 0 : index
    %get3A_12 = arith.constant 0 : index
    %get3A_13 = vector.load %arg7[%get3A_11, %get3A_12] : memref<128x128xf32, #tpu.memory_space<vmem>>, vector<128x128xf32>
    %get3A_14 = arith.constant 0 : index
    %get3A_15 = arith.constant 0 : index
    %get3A_16 = vector.load %arg8[%get3A_14, %get3A_15] : memref<1x128xf32, #tpu.memory_space<vmem>>, vector<1x128xf32>
    %get3A_17 = arith.constant 0 : index
    %get3A_18 = arith.constant 0 : index
    %get3A_19 = vector.load %arg0[%get3A_17, %get3A_18] : memref<8192x128xf32, #tpu.memory_space<vmem>>, vector<512x128xf32>
    %get3A_20 = arith.constant 0 : index
    %get3A_21 = arith.constant 0 : index
    %get3A_22 = vector.load %arg1[%get3A_20, %get3A_21] : memref<8192x1xi32, #tpu.memory_space<vmem>>, vector<512x1xi32>
    %slice3A = vector.extract_strided_slice %get3A_19 {offsets = [0, 112], sizes = [512, 16], strides = [1, 1]} : vector<512x128xf32> to vector<512x16xf32>
    %eq3A = arith.constant 6 : i32
    %eq3A_23 = vector.broadcast %eq3A : i32 to vector<512x1xi32>
    %eq3A_24 = arith.cmpi eq, %get3A_22, %eq3A_23 : vector<512x1xi32>
    %slice3A_25 = vector.extract_strided_slice %get3A_19 {offsets = [0, 96], sizes = [512, 16], strides = [1, 1]} : vector<512x128xf32> to vector<512x16xf32>
    %broadcast_in_dim3A = vector.shape_cast %eq3A_24 : vector<512x1xi1> to vector<512x1xi1>
    %broadcast_in_dim3A_26 = vector.broadcast %broadcast_in_dim3A : vector<512x1xi1> to vector<512x16xi1>
    %select_n3A = arith.select %broadcast_in_dim3A_26, %slice3A_25, %slice3A : vector<512x16xi1>, vector<512x16xf32>
    %eq3A_27 = arith.constant 5 : i32
    %eq3A_28 = vector.broadcast %eq3A_27 : i32 to vector<512x1xi32>
    %eq3A_29 = arith.cmpi eq, %get3A_22, %eq3A_28 : vector<512x1xi32>
    %slice3A_30 = vector.extract_strided_slice %get3A_19 {offsets = [0, 80], sizes = [512, 16], strides = [1, 1]} : vector<512x128xf32> to vector<512x16xf32>
    %broadcast_in_dim3A_31 = vector.shape_cast %eq3A_29 : vector<512x1xi1> to vector<512x1xi1>
    %broadcast_in_dim3A_32 = vector.broadcast %broadcast_in_dim3A_31 : vector<512x1xi1> to vector<512x16xi1>
    %select_n3A_33 = arith.select %broadcast_in_dim3A_32, %slice3A_30, %select_n3A : vector<512x16xi1>, vector<512x16xf32>
    %eq3A_34 = arith.constant 4 : i32
    %eq3A_35 = vector.broadcast %eq3A_34 : i32 to vector<512x1xi32>
    %eq3A_36 = arith.cmpi eq, %get3A_22, %eq3A_35 : vector<512x1xi32>
    %slice3A_37 = vector.extract_strided_slice %get3A_19 {offsets = [0, 64], sizes = [512, 16], strides = [1, 1]} : vector<512x128xf32> to vector<512x16xf32>
    %broadcast_in_dim3A_38 = vector.shape_cast %eq3A_36 : vector<512x1xi1> to vector<512x1xi1>
    %broadcast_in_dim3A_39 = vector.broadcast %broadcast_in_dim3A_38 : vector<512x1xi1> to vector<512x16xi1>
    %select_n3A_40 = arith.select %broadcast_in_dim3A_39, %slice3A_37, %select_n3A_33 : vector<512x16xi1>, vector<512x16xf32>
    %eq3A_41 = arith.constant 3 : i32
    %eq3A_42 = vector.broadcast %eq3A_41 : i32 to vector<512x1xi32>
    %eq3A_43 = arith.cmpi eq, %get3A_22, %eq3A_42 : vector<512x1xi32>
    %slice3A_44 = vector.extract_strided_slice %get3A_19 {offsets = [0, 48], sizes = [512, 16], strides = [1, 1]} : vector<512x128xf32> to vector<512x16xf32>
    %broadcast_in_dim3A_45 = vector.shape_cast %eq3A_43 : vector<512x1xi1> to vector<512x1xi1>
    %broadcast_in_dim3A_46 = vector.broadcast %broadcast_in_dim3A_45 : vector<512x1xi1> to vector<512x16xi1>
    %select_n3A_47 = arith.select %broadcast_in_dim3A_46, %slice3A_44, %select_n3A_40 : vector<512x16xi1>, vector<512x16xf32>
    %eq3A_48 = arith.constant 2 : i32
    %eq3A_49 = vector.broadcast %eq3A_48 : i32 to vector<512x1xi32>
    %eq3A_50 = arith.cmpi eq, %get3A_22, %eq3A_49 : vector<512x1xi32>
    %slice3A_51 = vector.extract_strided_slice %get3A_19 {offsets = [0, 32], sizes = [512, 16], strides = [1, 1]} : vector<512x128xf32> to vector<512x16xf32>
    %broadcast_in_dim3A_52 = vector.shape_cast %eq3A_50 : vector<512x1xi1> to vector<512x1xi1>
    %broadcast_in_dim3A_53 = vector.broadcast %broadcast_in_dim3A_52 : vector<512x1xi1> to vector<512x16xi1>
    %select_n3A_54 = arith.select %broadcast_in_dim3A_53, %slice3A_51, %select_n3A_47 : vector<512x16xi1>, vector<512x16xf32>
    %eq3A_55 = arith.constant 1 : i32
    %eq3A_56 = vector.broadcast %eq3A_55 : i32 to vector<512x1xi32>
    %eq3A_57 = arith.cmpi eq, %get3A_22, %eq3A_56 : vector<512x1xi32>
    %slice3A_58 = vector.extract_strided_slice %get3A_19 {offsets = [0, 16], sizes = [512, 16], strides = [1, 1]} : vector<512x128xf32> to vector<512x16xf32>
    %broadcast_in_dim3A_59 = vector.shape_cast %eq3A_57 : vector<512x1xi1> to vector<512x1xi1>
    %broadcast_in_dim3A_60 = vector.broadcast %broadcast_in_dim3A_59 : vector<512x1xi1> to vector<512x16xi1>
    %select_n3A_61 = arith.select %broadcast_in_dim3A_60, %slice3A_58, %select_n3A_54 : vector<512x16xi1>, vector<512x16xf32>
    %eq3A_62 = arith.constant 0 : i32
    %eq3A_63 = vector.broadcast %eq3A_62 : i32 to vector<512x1xi32>
    %eq3A_64 = arith.cmpi eq, %get3A_22, %eq3A_63 : vector<512x1xi32>
    %slice3A_65 = vector.extract_strided_slice %get3A_19 {offsets = [0, 0], sizes = [512, 16], strides = [1, 1]} : vector<512x128xf32> to vector<512x16xf32>
    %broadcast_in_dim3A_66 = vector.shape_cast %eq3A_64 : vector<512x1xi1> to vector<512x1xi1>
    %broadcast_in_dim3A_67 = vector.broadcast %broadcast_in_dim3A_66 : vector<512x1xi1> to vector<512x16xi1>
    %select_n3A_68 = arith.select %broadcast_in_dim3A_67, %slice3A_65, %select_n3A_61 : vector<512x16xi1>, vector<512x16xf32>
    %dot_general3A = arith.constant dense<0.000000e+00> : vector<512x64xf32>
    %dot_general3A_69 = tpu.matmul %select_n3A_68, %get3A_1, %dot_general3A {dimension_numbers = #tpu.dot_dimension_numbers<[1], [0], [0], [1], [0, 0, 1, 1], [], []>, transpose_lhs_hint = false} : vector<512x16xf32>, vector<16x64xf32>, vector<512x64xf32> -> vector<512x64xf32>
    %add3A = vector.broadcast %get3A_4 : vector<1x64xf32> to vector<512x64xf32>
    %add3A_70 = arith.addf %dot_general3A_69, %add3A : vector<512x64xf32>
    %max3A = arith.constant 0.000000e+00 : f32
    %max3A_71 = vector.broadcast %max3A : f32 to vector<512x64xf32>
    %max3A_72 = arith.maximumf %add3A_70, %max3A_71 : vector<512x64xf32>
    %dot_general3A_73 = arith.constant dense<0.000000e+00> : vector<512x128xf32>
    %dot_general3A_74 = tpu.matmul %max3A_72, %get3A_7, %dot_general3A_73 {dimension_numbers = #tpu.dot_dimension_numbers<[1], [0], [0], [1], [0, 0, 1, 1], [], []>, transpose_lhs_hint = false} : vector<512x64xf32>, vector<64x128xf32>, vector<512x128xf32> -> vector<512x128xf32>
    %add3A_75 = vector.broadcast %get3A_10 : vector<1x128xf32> to vector<512x128xf32>
    %add3A_76 = arith.addf %dot_general3A_74, %add3A_75 : vector<512x128xf32>
    %max3A_77 = arith.constant 0.000000e+00 : f32
    %max3A_78 = vector.broadcast %max3A_77 : f32 to vector<512x128xf32>
    %max3A_79 = arith.maximumf %add3A_76, %max3A_78 : vector<512x128xf32>
    %dot_general3A_80 = arith.constant dense<0.000000e+00> : vector<512x128xf32>
    %dot_general3A_81 = tpu.matmul %max3A_79, %get3A_13, %dot_general3A_80 {dimension_numbers = #tpu.dot_dimension_numbers<[1], [0], [0], [1], [0, 0, 1, 1], [], []>, transpose_lhs_hint = false} : vector<512x128xf32>, vector<128x128xf32>, vector<512x128xf32> -> vector<512x128xf32>
    %add3A_82 = vector.broadcast %get3A_16 : vector<1x128xf32> to vector<512x128xf32>
    %add3A_83 = arith.addf %dot_general3A_81, %add3A_82 : vector<512x128xf32>
    %get3A_84 = arith.constant 512 : index
    %get3A_85 = arith.constant 0 : index
    %get3A_86 = vector.load %arg0[%get3A_84, %get3A_85] : memref<8192x128xf32, #tpu.memory_space<vmem>>, vector<512x128xf32>
    %get3A_87 = arith.constant 512 : index
    %get3A_88 = arith.constant 0 : index
    %get3A_89 = vector.load %arg1[%get3A_87, %get3A_88] : memref<8192x1xi32, #tpu.memory_space<vmem>>, vector<512x1xi32>
    %slice3A_90 = vector.extract_strided_slice %get3A_86 {offsets = [0, 112], sizes = [512, 16], strides = [1, 1]} : vector<512x128xf32> to vector<512x16xf32>
    %eq3A_91 = arith.constant 6 : i32
    %eq3A_92 = vector.broadcast %eq3A_91 : i32 to vector<512x1xi32>
    %eq3A_93 = arith.cmpi eq, %get3A_89, %eq3A_92 : vector<512x1xi32>
    %slice3A_94 = vector.extract_strided_slice %get3A_86 {offsets = [0, 96], sizes = [512, 16], strides = [1, 1]} : vector<512x128xf32> to vector<512x16xf32>
    %broadcast_in_dim3A_95 = vector.shape_cast %eq3A_93 : vector<512x1xi1> to vector<512x1xi1>
    %broadcast_in_dim3A_96 = vector.broadcast %broadcast_in_dim3A_95 : vector<512x1xi1> to vector<512x16xi1>
    %select_n3A_97 = arith.select %broadcast_in_dim3A_96, %slice3A_94, %slice3A_90 : vector<512x16xi1>, vector<512x16xf32>
    %eq3A_98 = arith.constant 5 : i32
    %eq3A_99 = vector.broadcast %eq3A_98 : i32 to vector<512x1xi32>
    %eq3A_100 = arith.cmpi eq, %get3A_89, %eq3A_99 : vector<512x1xi32>
    %slice3A_101 = vector.extract_strided_slice %get3A_86 {offsets = [0, 80], sizes = [512, 16], strides = [1, 1]} : vector<512x128xf32> to vector<512x16xf32>
    %broadcast_in_dim3A_102 = vector.shape_cast %eq3A_100 : vector<512x1xi1> to vector<512x1xi1>
    %broadcast_in_dim3A_103 = vector.broadcast %broadcast_in_dim3A_102 : vector<512x1xi1> to vector<512x16xi1>
    %select_n3A_104 = arith.select %broadcast_in_dim3A_103, %slice3A_101, %select_n3A_97 : vector<512x16xi1>, vector<512x16xf32>
    %eq3A_105 = arith.constant 4 : i32
    %eq3A_106 = vector.broadcast %eq3A_105 : i32 to vector<512x1xi32>
    %eq3A_107 = arith.cmpi eq, %get3A_89, %eq3A_106 : vector<512x1xi32>
    %slice3A_108 = vector.extract_strided_slice %get3A_86 {offsets = [0, 64], sizes = [512, 16], strides = [1, 1]} : vector<512x128xf32> to vector<512x16xf32>
    %broadcast_in_dim3A_109 = vector.shape_cast %eq3A_107 : vector<512x1xi1> to vector<512x1xi1>
    %broadcast_in_dim3A_110 = vector.broadcast %broadcast_in_dim3A_109 : vector<512x1xi1> to vector<512x16xi1>
    %select_n3A_111 = arith.select %broadcast_in_dim3A_110, %slice3A_108, %select_n3A_104 : vector<512x16xi1>, vector<512x16xf32>
    %eq3A_112 = arith.constant 3 : i32
    %eq3A_113 = vector.broadcast %eq3A_112 : i32 to vector<512x1xi32>
    %eq3A_114 = arith.cmpi eq, %get3A_89, %eq3A_113 : vector<512x1xi32>
    %slice3A_115 = vector.extract_strided_slice %get3A_86 {offsets = [0, 48], sizes = [512, 16], strides = [1, 1]} : vector<512x128xf32> to vector<512x16xf32>
    %broadcast_in_dim3A_116 = vector.shape_cast %eq3A_114 : vector<512x1xi1> to vector<512x1xi1>
    %broadcast_in_dim3A_117 = vector.broadcast %broadcast_in_dim3A_116 : vector<512x1xi1> to vector<512x16xi1>
    %select_n3A_118 = arith.select %broadcast_in_dim3A_117, %slice3A_115, %select_n3A_111 : vector<512x16xi1>, vector<512x16xf32>
    %eq3A_119 = arith.constant 2 : i32
    %eq3A_120 = vector.broadcast %eq3A_119 : i32 to vector<512x1xi32>
    %eq3A_121 = arith.cmpi eq, %get3A_89, %eq3A_120 : vector<512x1xi32>
    %slice3A_122 = vector.extract_strided_slice %get3A_86 {offsets = [0, 32], sizes = [512, 16], strides = [1, 1]} : vector<512x128xf32> to vector<512x16xf32>
    %broadcast_in_dim3A_123 = vector.shape_cast %eq3A_121 : vector<512x1xi1> to vector<512x1xi1>
    %broadcast_in_dim3A_124 = vector.broadcast %broadcast_in_dim3A_123 : vector<512x1xi1> to vector<512x16xi1>
    %select_n3A_125 = arith.select %broadcast_in_dim3A_124, %slice3A_122, %select_n3A_118 : vector<512x16xi1>, vector<512x16xf32>
    %eq3A_126 = arith.constant 1 : i32
    %eq3A_127 = vector.broadcast %eq3A_126 : i32 to vector<512x1xi32>
    %eq3A_128 = arith.cmpi eq, %get3A_89, %eq3A_127 : vector<512x1xi32>
    %slice3A_129 = vector.extract_strided_slice %get3A_86 {offsets = [0, 16], sizes = [512, 16], strides = [1, 1]} : vector<512x128xf32> to vector<512x16xf32>
    %broadcast_in_dim3A_130 = vector.shape_cast %eq3A_128 : vector<512x1xi1> to vector<512x1xi1>
    %broadcast_in_dim3A_131 = vector.broadcast %broadcast_in_dim3A_130 : vector<512x1xi1> to vector<512x16xi1>
    %select_n3A_132 = arith.select %broadcast_in_dim3A_131, %slice3A_129, %select_n3A_125 : vector<512x16xi1>, vector<512x16xf32>
    %eq3A_133 = arith.constant 0 : i32
    %eq3A_134 = vector.broadcast %eq3A_133 : i32 to vector<512x1xi32>
    %eq3A_135 = arith.cmpi eq, %get3A_89, %eq3A_134 : vector<512x1xi32>
    %slice3A_136 = vector.extract_strided_slice %get3A_86 {offsets = [0, 0], sizes = [512, 16], strides = [1, 1]} : vector<512x128xf32> to vector<512x16xf32>
    %broadcast_in_dim3A_137 = vector.shape_cast %eq3A_135 : vector<512x1xi1> to vector<512x1xi1>
    %broadcast_in_dim3A_138 = vector.broadcast %broadcast_in_dim3A_137 : vector<512x1xi1> to vector<512x16xi1>
    %select_n3A_139 = arith.select %broadcast_in_dim3A_138, %slice3A_136, %select_n3A_132 : vector<512x16xi1>, vector<512x16xf32>
    %dot_general3A_140 = arith.constant dense<0.000000e+00> : vector<512x64xf32>
    %dot_general3A_141 = tpu.matmul %select_n3A_139, %get3A_1, %dot_general3A_140 {dimension_numbers = #tpu.dot_dimension_numbers<[1], [0], [0], [1], [0, 0, 1, 1], [], []>, transpose_lhs_hint = false} : vector<512x16xf32>, vector<16x64xf32>, vector<512x64xf32> -> vector<512x64xf32>
    %add3A_142 = vector.broadcast %get3A_4 : vector<1x64xf32> to vector<512x64xf32>
    %add3A_143 = arith.addf %dot_general3A_141, %add3A_142 : vector<512x64xf32>
    %max3A_144 = arith.constant 0.000000e+00 : f32
    %max3A_145 = vector.broadcast %max3A_144 : f32 to vector<512x64xf32>
    %max3A_146 = arith.maximumf %add3A_143, %max3A_145 : vector<512x64xf32>
    %dot_general3A_147 = arith.constant dense<0.000000e+00> : vector<512x128xf32>
    %dot_general3A_148 = tpu.matmul %max3A_146, %get3A_7, %dot_general3A_147 {dimension_numbers = #tpu.dot_dimension_numbers<[1], [0], [0], [1], [0, 0, 1, 1], [], []>, transpose_lhs_hint = false} : vector<512x64xf32>, vector<64x128xf32>, vector<512x128xf32> -> vector<512x128xf32>
    %add3A_149 = vector.broadcast %get3A_10 : vector<1x128xf32> to vector<512x128xf32>
    %add3A_150 = arith.addf %dot_general3A_148, %add3A_149 : vector<512x128xf32>
    %max3A_151 = arith.constant 0.000000e+00 : f32
    %max3A_152 = vector.broadcast %max3A_151 : f32 to vector<512x128xf32>
    %max3A_153 = arith.maximumf %add3A_150, %max3A_152 : vector<512x128xf32>
    %dot_general3A_154 = arith.constant dense<0.000000e+00> : vector<512x128xf32>
    %dot_general3A_155 = tpu.matmul %max3A_153, %get3A_13, %dot_general3A_154 {dimension_numbers = #tpu.dot_dimension_numbers<[1], [0], [0], [1], [0, 0, 1, 1], [], []>, transpose_lhs_hint = false} : vector<512x128xf32>, vector<128x128xf32>, vector<512x128xf32> -> vector<512x128xf32>
    %add3A_156 = vector.broadcast %get3A_16 : vector<1x128xf32> to vector<512x128xf32>
    %add3A_157 = arith.addf %dot_general3A_155, %add3A_156 : vector<512x128xf32>
    %max3A_158 = arith.maximumf %add3A_83, %add3A_157 : vector<512x128xf32>
    %get3A_159 = arith.constant 1024 : index
    %get3A_160 = arith.constant 0 : index
    %get3A_161 = vector.load %arg0[%get3A_159, %get3A_160] : memref<8192x128xf32, #tpu.memory_space<vmem>>, vector<512x128xf32>
    %get3A_162 = arith.constant 1024 : index
    %get3A_163 = arith.constant 0 : index
    %get3A_164 = vector.load %arg1[%get3A_162, %get3A_163] : memref<8192x1xi32, #tpu.memory_space<vmem>>, vector<512x1xi32>
    %slice3A_165 = vector.extract_strided_slice %get3A_161 {offsets = [0, 112], sizes = [512, 16], strides = [1, 1]} : vector<512x128xf32> to vector<512x16xf32>
    %eq3A_166 = arith.constant 6 : i32
    %eq3A_167 = vector.broadcast %eq3A_166 : i32 to vector<512x1xi32>
    %eq3A_168 = arith.cmpi eq, %get3A_164, %eq3A_167 : vector<512x1xi32>
    %slice3A_169 = vector.extract_strided_slice %get3A_161 {offsets = [0, 96], sizes = [512, 16], strides = [1, 1]} : vector<512x128xf32> to vector<512x16xf32>
    %broadcast_in_dim3A_170 = vector.shape_cast %eq3A_168 : vector<512x1xi1> to vector<512x1xi1>
    %broadcast_in_dim3A_171 = vector.broadcast %broadcast_in_dim3A_170 : vector<512x1xi1> to vector<512x16xi1>
    %select_n3A_172 = arith.select %broadcast_in_dim3A_171, %slice3A_169, %slice3A_165 : vector<512x16xi1>, vector<512x16xf32>
    %eq3A_173 = arith.constant 5 : i32
    %eq3A_174 = vector.broadcast %eq3A_173 : i32 to vector<512x1xi32>
    %eq3A_175 = arith.cmpi eq, %get3A_164, %eq3A_174 : vector<512x1xi32>
    %slice3A_176 = vector.extract_strided_slice %get3A_161 {offsets = [0, 80], sizes = [512, 16], strides = [1, 1]} : vector<512x128xf32> to vector<512x16xf32>
    %broadcast_in_dim3A_177 = vector.shape_cast %eq3A_175 : vector<512x1xi1> to vector<512x1xi1>
    %broadcast_in_dim3A_178 = vector.broadcast %broadcast_in_dim3A_177 : vector<512x1xi1> to vector<512x16xi1>
    %select_n3A_179 = arith.select %broadcast_in_dim3A_178, %slice3A_176, %select_n3A_172 : vector<512x16xi1>, vector<512x16xf32>
    %eq3A_180 = arith.constant 4 : i32
    %eq3A_181 = vector.broadcast %eq3A_180 : i32 to vector<512x1xi32>
    %eq3A_182 = arith.cmpi eq, %get3A_164, %eq3A_181 : vector<512x1xi32>
    %slice3A_183 = vector.extract_strided_slice %get3A_161 {offsets = [0, 64], sizes = [512, 16], strides = [1, 1]} : vector<512x128xf32> to vector<512x16xf32>
    %broadcast_in_dim3A_184 = vector.shape_cast %eq3A_182 : vector<512x1xi1> to vector<512x1xi1>
    %broadcast_in_dim3A_185 = vector.broadcast %broadcast_in_dim3A_184 : vector<512x1xi1> to vector<512x16xi1>
    %select_n3A_186 = arith.select %broadcast_in_dim3A_185, %slice3A_183, %select_n3A_179 : vector<512x16xi1>, vector<512x16xf32>
    %eq3A_187 = arith.constant 3 : i32
    %eq3A_188 = vector.broadcast %eq3A_187 : i32 to vector<512x1xi32>
    %eq3A_189 = arith.cmpi eq, %get3A_164, %eq3A_188 : vector<512x1xi32>
    %slice3A_190 = vector.extract_strided_slice %get3A_161 {offsets = [0, 48], sizes = [512, 16], strides = [1, 1]} : vector<512x128xf32> to vector<512x16xf32>
    %broadcast_in_dim3A_191 = vector.shape_cast %eq3A_189 : vector<512x1xi1> to vector<512x1xi1>
    %broadcast_in_dim3A_192 = vector.broadcast %broadcast_in_dim3A_191 : vector<512x1xi1> to vector<512x16xi1>
    %select_n3A_193 = arith.select %broadcast_in_dim3A_192, %slice3A_190, %select_n3A_186 : vector<512x16xi1>, vector<512x16xf32>
    %eq3A_194 = arith.constant 2 : i32
    %eq3A_195 = vector.broadcast %eq3A_194 : i32 to vector<512x1xi32>
    %eq3A_196 = arith.cmpi eq, %get3A_164, %eq3A_195 : vector<512x1xi32>
    %slice3A_197 = vector.extract_strided_slice %get3A_161 {offsets = [0, 32], sizes = [512, 16], strides = [1, 1]} : vector<512x128xf32> to vector<512x16xf32>
    %broadcast_in_dim3A_198 = vector.shape_cast %eq3A_196 : vector<512x1xi1> to vector<512x1xi1>
    %broadcast_in_dim3A_199 = vector.broadcast %broadcast_in_dim3A_198 : vector<512x1xi1> to vector<512x16xi1>
    %select_n3A_200 = arith.select %broadcast_in_dim3A_199, %slice3A_197, %select_n3A_193 : vector<512x16xi1>, vector<512x16xf32>
    %eq3A_201 = arith.constant 1 : i32
    %eq3A_202 = vector.broadcast %eq3A_201 : i32 to vector<512x1xi32>
    %eq3A_203 = arith.cmpi eq, %get3A_164, %eq3A_202 : vector<512x1xi32>
    %slice3A_204 = vector.extract_strided_slice %get3A_161 {offsets = [0, 16], sizes = [512, 16], strides = [1, 1]} : vector<512x128xf32> to vector<512x16xf32>
    %broadcast_in_dim3A_205 = vector.shape_cast %eq3A_203 : vector<512x1xi1> to vector<512x1xi1>
    %broadcast_in_dim3A_206 = vector.broadcast %broadcast_in_dim3A_205 : vector<512x1xi1> to vector<512x16xi1>
    %select_n3A_207 = arith.select %broadcast_in_dim3A_206, %slice3A_204, %select_n3A_200 : vector<512x16xi1>, vector<512x16xf32>
    %eq3A_208 = arith.constant 0 : i32
    %eq3A_209 = vector.broadcast %eq3A_208 : i32 to vector<512x1xi32>
    %eq3A_210 = arith.cmpi eq, %get3A_164, %eq3A_209 : vector<512x1xi32>
    %slice3A_211 = vector.extract_strided_slice %get3A_161 {offsets = [0, 0], sizes = [512, 16], strides = [1, 1]} : vector<512x128xf32> to vector<512x16xf32>
    %broadcast_in_dim3A_212 = vector.shape_cast %eq3A_210 : vector<512x1xi1> to vector<512x1xi1>
    %broadcast_in_dim3A_213 = vector.broadcast %broadcast_in_dim3A_212 : vector<512x1xi1> to vector<512x16xi1>
    %select_n3A_214 = arith.select %broadcast_in_dim3A_213, %slice3A_211, %select_n3A_207 : vector<512x16xi1>, vector<512x16xf32>
    %dot_general3A_215 = arith.constant dense<0.000000e+00> : vector<512x64xf32>
    %dot_general3A_216 = tpu.matmul %select_n3A_214, %get3A_1, %dot_general3A_215 {dimension_numbers = #tpu.dot_dimension_numbers<[1], [0], [0], [1], [0, 0, 1, 1], [], []>, transpose_lhs_hint = false} : vector<512x16xf32>, vector<16x64xf32>, vector<512x64xf32> -> vector<512x64xf32>
    %add3A_217 = vector.broadcast %get3A_4 : vector<1x64xf32> to vector<512x64xf32>
    %add3A_218 = arith.addf %dot_general3A_216, %add3A_217 : vector<512x64xf32>
    %max3A_219 = arith.constant 0.000000e+00 : f32
    %max3A_220 = vector.broadcast %max3A_219 : f32 to vector<512x64xf32>
    %max3A_221 = arith.maximumf %add3A_218, %max3A_220 : vector<512x64xf32>
    %dot_general3A_222 = arith.constant dense<0.000000e+00> : vector<512x128xf32>
    %dot_general3A_223 = tpu.matmul %max3A_221, %get3A_7, %dot_general3A_222 {dimension_numbers = #tpu.dot_dimension_numbers<[1], [0], [0], [1], [0, 0, 1, 1], [], []>, transpose_lhs_hint = false} : vector<512x64xf32>, vector<64x128xf32>, vector<512x128xf32> -> vector<512x128xf32>
    %add3A_224 = vector.broadcast %get3A_10 : vector<1x128xf32> to vector<512x128xf32>
    %add3A_225 = arith.addf %dot_general3A_223, %add3A_224 : vector<512x128xf32>
    %max3A_226 = arith.constant 0.000000e+00 : f32
    %max3A_227 = vector.broadcast %max3A_226 : f32 to vector<512x128xf32>
    %max3A_228 = arith.maximumf %add3A_225, %max3A_227 : vector<512x128xf32>
    %dot_general3A_229 = arith.constant dense<0.000000e+00> : vector<512x128xf32>
    %dot_general3A_230 = tpu.matmul %max3A_228, %get3A_13, %dot_general3A_229 {dimension_numbers = #tpu.dot_dimension_numbers<[1], [0], [0], [1], [0, 0, 1, 1], [], []>, transpose_lhs_hint = false} : vector<512x128xf32>, vector<128x128xf32>, vector<512x128xf32> -> vector<512x128xf32>
    %add3A_231 = vector.broadcast %get3A_16 : vector<1x128xf32> to vector<512x128xf32>
    %add3A_232 = arith.addf %dot_general3A_230, %add3A_231 : vector<512x128xf32>
    %max3A_233 = arith.maximumf %max3A_158, %add3A_232 : vector<512x128xf32>
    %get3A_234 = arith.constant 1536 : index
    %get3A_235 = arith.constant 0 : index
    %get3A_236 = vector.load %arg0[%get3A_234, %get3A_235] : memref<8192x128xf32, #tpu.memory_space<vmem>>, vector<512x128xf32>
    %get3A_237 = arith.constant 1536 : index
    %get3A_238 = arith.constant 0 : index
    %get3A_239 = vector.load %arg1[%get3A_237, %get3A_238] : memref<8192x1xi32, #tpu.memory_space<vmem>>, vector<512x1xi32>
    %slice3A_240 = vector.extract_strided_slice %get3A_236 {offsets = [0, 112], sizes = [512, 16], strides = [1, 1]} : vector<512x128xf32> to vector<512x16xf32>
    %eq3A_241 = arith.constant 6 : i32
    %eq3A_242 = vector.broadcast %eq3A_241 : i32 to vector<512x1xi32>
    %eq3A_243 = arith.cmpi eq, %get3A_239, %eq3A_242 : vector<512x1xi32>
    %slice3A_244 = vector.extract_strided_slice %get3A_236 {offsets = [0, 96], sizes = [512, 16], strides = [1, 1]} : vector<512x128xf32> to vector<512x16xf32>
    %broadcast_in_dim3A_245 = vector.shape_cast %eq3A_243 : vector<512x1xi1> to vector<512x1xi1>
    %broadcast_in_dim3A_246 = vector.broadcast %broadcast_in_dim3A_245 : vector<512x1xi1> to vector<512x16xi1>
    %select_n3A_247 = arith.select %broadcast_in_dim3A_246, %slice3A_244, %slice3A_240 : vector<512x16xi1>, vector<512x16xf32>
    %eq3A_248 = arith.constant 5 : i32
    %eq3A_249 = vector.broadcast %eq3A_248 : i32 to vector<512x1xi32>
    %eq3A_250 = arith.cmpi eq, %get3A_239, %eq3A_249 : vector<512x1xi32>
    %slice3A_251 = vector.extract_strided_slice %get3A_236 {offsets = [0, 80], sizes = [512, 16], strides = [1, 1]} : vector<512x128xf32> to vector<512x16xf32>
    %broadcast_in_dim3A_252 = vector.shape_cast %eq3A_250 : vector<512x1xi1> to vector<512x1xi1>
    %broadcast_in_dim3A_253 = vector.broadcast %broadcast_in_dim3A_252 : vector<512x1xi1> to vector<512x16xi1>
    %select_n3A_254 = arith.select %broadcast_in_dim3A_253, %slice3A_251, %select_n3A_247 : vector<512x16xi1>, vector<512x16xf32>
    %eq3A_255 = arith.constant 4 : i32
    %eq3A_256 = vector.broadcast %eq3A_255 : i32 to vector<512x1xi32>
    %eq3A_257 = arith.cmpi eq, %get3A_239, %eq3A_256 : vector<512x1xi32>
    %slice3A_258 = vector.extract_strided_slice %get3A_236 {offsets = [0, 64], sizes = [512, 16], strides = [1, 1]} : vector<512x128xf32> to vector<512x16xf32>
    %broadcast_in_dim3A_259 = vector.shape_cast %eq3A_257 : vector<512x1xi1> to vector<512x1xi1>
    %broadcast_in_dim3A_260 = vector.broadcast %broadcast_in_dim3A_259 : vector<512x1xi1> to vector<512x16xi1>
    %select_n3A_261 = arith.select %broadcast_in_dim3A_260, %slice3A_258, %select_n3A_254 : vector<512x16xi1>, vector<512x16xf32>
    %eq3A_262 = arith.constant 3 : i32
    %eq3A_263 = vector.broadcast %eq3A_262 : i32 to vector<512x1xi32>
    %eq3A_264 = arith.cmpi eq, %get3A_239, %eq3A_263 : vector<512x1xi32>
    %slice3A_265 = vector.extract_strided_slice %get3A_236 {offsets = [0, 48], sizes = [512, 16], strides = [1, 1]} : vector<512x128xf32> to vector<512x16xf32>
    %broadcast_in_dim3A_266 = vector.shape_cast %eq3A_264 : vector<512x1xi1> to vector<512x1xi1>
    %broadcast_in_dim3A_267 = vector.broadcast %broadcast_in_dim3A_266 : vector<512x1xi1> to vector<512x16xi1>
    %select_n3A_268 = arith.select %broadcast_in_dim3A_267, %slice3A_265, %select_n3A_261 : vector<512x16xi1>, vector<512x16xf32>
    %eq3A_269 = arith.constant 2 : i32
    %eq3A_270 = vector.broadcast %eq3A_269 : i32 to vector<512x1xi32>
    %eq3A_271 = arith.cmpi eq, %get3A_239, %eq3A_270 : vector<512x1xi32>
    %slice3A_272 = vector.extract_strided_slice %get3A_236 {offsets = [0, 32], sizes = [512, 16], strides = [1, 1]} : vector<512x128xf32> to vector<512x16xf32>
    %broadcast_in_dim3A_273 = vector.shape_cast %eq3A_271 : vector<512x1xi1> to vector<512x1xi1>
    %broadcast_in_dim3A_274 = vector.broadcast %broadcast_in_dim3A_273 : vector<512x1xi1> to vector<512x16xi1>
    %select_n3A_275 = arith.select %broadcast_in_dim3A_274, %slice3A_272, %select_n3A_268 : vector<512x16xi1>, vector<512x16xf32>
    %eq3A_276 = arith.constant 1 : i32
    %eq3A_277 = vector.broadcast %eq3A_276 : i32 to vector<512x1xi32>
    %eq3A_278 = arith.cmpi eq, %get3A_239, %eq3A_277 : vector<512x1xi32>
    %slice3A_279 = vector.extract_strided_slice %get3A_236 {offsets = [0, 16], sizes = [512, 16], strides = [1, 1]} : vector<512x128xf32> to vector<512x16xf32>
    %broadcast_in_dim3A_280 = vector.shape_cast %eq3A_278 : vector<512x1xi1> to vector<512x1xi1>
    %broadcast_in_dim3A_281 = vector.broadcast %broadcast_in_dim3A_280 : vector<512x1xi1> to vector<512x16xi1>
    %select_n3A_282 = arith.select %broadcast_in_dim3A_281, %slice3A_279, %select_n3A_275 : vector<512x16xi1>, vector<512x16xf32>
    %eq3A_283 = arith.constant 0 : i32
    %eq3A_284 = vector.broadcast %eq3A_283 : i32 to vector<512x1xi32>
    %eq3A_285 = arith.cmpi eq, %get3A_239, %eq3A_284 : vector<512x1xi32>
    %slice3A_286 = vector.extract_strided_slice %get3A_236 {offsets = [0, 0], sizes = [512, 16], strides = [1, 1]} : vector<512x128xf32> to vector<512x16xf32>
    %broadcast_in_dim3A_287 = vector.shape_cast %eq3A_285 : vector<512x1xi1> to vector<512x1xi1>
    %broadcast_in_dim3A_288 = vector.broadcast %broadcast_in_dim3A_287 : vector<512x1xi1> to vector<512x16xi1>
    %select_n3A_289 = arith.select %broadcast_in_dim3A_288, %slice3A_286, %select_n3A_282 : vector<512x16xi1>, vector<512x16xf32>
    %dot_general3A_290 = arith.constant dense<0.000000e+00> : vector<512x64xf32>
    %dot_general3A_291 = tpu.matmul %select_n3A_289, %get3A_1, %dot_general3A_290 {dimension_numbers = #tpu.dot_dimension_numbers<[1], [0], [0], [1], [0, 0, 1, 1], [], []>, transpose_lhs_hint = false} : vector<512x16xf32>, vector<16x64xf32>, vector<512x64xf32> -> vector<512x64xf32>
    %add3A_292 = vector.broadcast %get3A_4 : vector<1x64xf32> to vector<512x64xf32>
    %add3A_293 = arith.addf %dot_general3A_291, %add3A_292 : vector<512x64xf32>
    %max3A_294 = arith.constant 0.000000e+00 : f32
    %max3A_295 = vector.broadcast %max3A_294 : f32 to vector<512x64xf32>
    %max3A_296 = arith.maximumf %add3A_293, %max3A_295 : vector<512x64xf32>
    %dot_general3A_297 = arith.constant dense<0.000000e+00> : vector<512x128xf32>
    %dot_general3A_298 = tpu.matmul %max3A_296, %get3A_7, %dot_general3A_297 {dimension_numbers = #tpu.dot_dimension_numbers<[1], [0], [0], [1], [0, 0, 1, 1], [], []>, transpose_lhs_hint = false} : vector<512x64xf32>, vector<64x128xf32>, vector<512x128xf32> -> vector<512x128xf32>
    %add3A_299 = vector.broadcast %get3A_10 : vector<1x128xf32> to vector<512x128xf32>
    %add3A_300 = arith.addf %dot_general3A_298, %add3A_299 : vector<512x128xf32>
    %max3A_301 = arith.constant 0.000000e+00 : f32
    %max3A_302 = vector.broadcast %max3A_301 : f32 to vector<512x128xf32>
    %max3A_303 = arith.maximumf %add3A_300, %max3A_302 : vector<512x128xf32>
    %dot_general3A_304 = arith.constant dense<0.000000e+00> : vector<512x128xf32>
    %dot_general3A_305 = tpu.matmul %max3A_303, %get3A_13, %dot_general3A_304 {dimension_numbers = #tpu.dot_dimension_numbers<[1], [0], [0], [1], [0, 0, 1, 1], [], []>, transpose_lhs_hint = false} : vector<512x128xf32>, vector<128x128xf32>, vector<512x128xf32> -> vector<512x128xf32>
    %add3A_306 = vector.broadcast %get3A_16 : vector<1x128xf32> to vector<512x128xf32>
    %add3A_307 = arith.addf %dot_general3A_305, %add3A_306 : vector<512x128xf32>
    %max3A_308 = arith.maximumf %max3A_233, %add3A_307 : vector<512x128xf32>
    %get3A_309 = arith.constant 2048 : index
    %get3A_310 = arith.constant 0 : index
    %get3A_311 = vector.load %arg0[%get3A_309, %get3A_310] : memref<8192x128xf32, #tpu.memory_space<vmem>>, vector<512x128xf32>
    %get3A_312 = arith.constant 2048 : index
    %get3A_313 = arith.constant 0 : index
    %get3A_314 = vector.load %arg1[%get3A_312, %get3A_313] : memref<8192x1xi32, #tpu.memory_space<vmem>>, vector<512x1xi32>
    %slice3A_315 = vector.extract_strided_slice %get3A_311 {offsets = [0, 112], sizes = [512, 16], strides = [1, 1]} : vector<512x128xf32> to vector<512x16xf32>
    %eq3A_316 = arith.constant 6 : i32
    %eq3A_317 = vector.broadcast %eq3A_316 : i32 to vector<512x1xi32>
    %eq3A_318 = arith.cmpi eq, %get3A_314, %eq3A_317 : vector<512x1xi32>
    %slice3A_319 = vector.extract_strided_slice %get3A_311 {offsets = [0, 96], sizes = [512, 16], strides = [1, 1]} : vector<512x128xf32> to vector<512x16xf32>
    %broadcast_in_dim3A_320 = vector.shape_cast %eq3A_318 : vector<512x1xi1> to vector<512x1xi1>
    %broadcast_in_dim3A_321 = vector.broadcast %broadcast_in_dim3A_320 : vector<512x1xi1> to vector<512x16xi1>
    %select_n3A_322 = arith.select %broadcast_in_dim3A_321, %slice3A_319, %slice3A_315 : vector<512x16xi1>, vector<512x16xf32>
    %eq3A_323 = arith.constant 5 : i32
    %eq3A_324 = vector.broadcast %eq3A_323 : i32 to vector<512x1xi32>
    %eq3A_325 = arith.cmpi eq, %get3A_314, %eq3A_324 : vector<512x1xi32>
    %slice3A_326 = vector.extract_strided_slice %get3A_311 {offsets = [0, 80], sizes = [512, 16], strides = [1, 1]} : vector<512x128xf32> to vector<512x16xf32>
    %broadcast_in_dim3A_327 = vector.shape_cast %eq3A_325 : vector<512x1xi1> to vector<512x1xi1>
    %broadcast_in_dim3A_328 = vector.broadcast %broadcast_in_dim3A_327 : vector<512x1xi1> to vector<512x16xi1>
    %select_n3A_329 = arith.select %broadcast_in_dim3A_328, %slice3A_326, %select_n3A_322 : vector<512x16xi1>, vector<512x16xf32>
    %eq3A_330 = arith.constant 4 : i32
    %eq3A_331 = vector.broadcast %eq3A_330 : i32 to vector<512x1xi32>
    %eq3A_332 = arith.cmpi eq, %get3A_314, %eq3A_331 : vector<512x1xi32>
    %slice3A_333 = vector.extract_strided_slice %get3A_311 {offsets = [0, 64], sizes = [512, 16], strides = [1, 1]} : vector<512x128xf32> to vector<512x16xf32>
    %broadcast_in_dim3A_334 = vector.shape_cast %eq3A_332 : vector<512x1xi1> to vector<512x1xi1>
    %broadcast_in_dim3A_335 = vector.broadcast %broadcast_in_dim3A_334 : vector<512x1xi1> to vector<512x16xi1>
    %select_n3A_336 = arith.select %broadcast_in_dim3A_335, %slice3A_333, %select_n3A_329 : vector<512x16xi1>, vector<512x16xf32>
    %eq3A_337 = arith.constant 3 : i32
    %eq3A_338 = vector.broadcast %eq3A_337 : i32 to vector<512x1xi32>
    %eq3A_339 = arith.cmpi eq, %get3A_314, %eq3A_338 : vector<512x1xi32>
    %slice3A_340 = vector.extract_strided_slice %get3A_311 {offsets = [0, 48], sizes = [512, 16], strides = [1, 1]} : vector<512x128xf32> to vector<512x16xf32>
    %broadcast_in_dim3A_341 = vector.shape_cast %eq3A_339 : vector<512x1xi1> to vector<512x1xi1>
    %broadcast_in_dim3A_342 = vector.broadcast %broadcast_in_dim3A_341 : vector<512x1xi1> to vector<512x16xi1>
    %select_n3A_343 = arith.select %broadcast_in_dim3A_342, %slice3A_340, %select_n3A_336 : vector<512x16xi1>, vector<512x16xf32>
    %eq3A_344 = arith.constant 2 : i32
    %eq3A_345 = vector.broadcast %eq3A_344 : i32 to vector<512x1xi32>
    %eq3A_346 = arith.cmpi eq, %get3A_314, %eq3A_345 : vector<512x1xi32>
    %slice3A_347 = vector.extract_strided_slice %get3A_311 {offsets = [0, 32], sizes = [512, 16], strides = [1, 1]} : vector<512x128xf32> to vector<512x16xf32>
    %broadcast_in_dim3A_348 = vector.shape_cast %eq3A_346 : vector<512x1xi1> to vector<512x1xi1>
    %broadcast_in_dim3A_349 = vector.broadcast %broadcast_in_dim3A_348 : vector<512x1xi1> to vector<512x16xi1>
    %select_n3A_350 = arith.select %broadcast_in_dim3A_349, %slice3A_347, %select_n3A_343 : vector<512x16xi1>, vector<512x16xf32>
    %eq3A_351 = arith.constant 1 : i32
    %eq3A_352 = vector.broadcast %eq3A_351 : i32 to vector<512x1xi32>
    %eq3A_353 = arith.cmpi eq, %get3A_314, %eq3A_352 : vector<512x1xi32>
    %slice3A_354 = vector.extract_strided_slice %get3A_311 {offsets = [0, 16], sizes = [512, 16], strides = [1, 1]} : vector<512x128xf32> to vector<512x16xf32>
    %broadcast_in_dim3A_355 = vector.shape_cast %eq3A_353 : vector<512x1xi1> to vector<512x1xi1>
    %broadcast_in_dim3A_356 = vector.broadcast %broadcast_in_dim3A_355 : vector<512x1xi1> to vector<512x16xi1>
    %select_n3A_357 = arith.select %broadcast_in_dim3A_356, %slice3A_354, %select_n3A_350 : vector<512x16xi1>, vector<512x16xf32>
    %eq3A_358 = arith.constant 0 : i32
    %eq3A_359 = vector.broadcast %eq3A_358 : i32 to vector<512x1xi32>
    %eq3A_360 = arith.cmpi eq, %get3A_314, %eq3A_359 : vector<512x1xi32>
    %slice3A_361 = vector.extract_strided_slice %get3A_311 {offsets = [0, 0], sizes = [512, 16], strides = [1, 1]} : vector<512x128xf32> to vector<512x16xf32>
    %broadcast_in_dim3A_362 = vector.shape_cast %eq3A_360 : vector<512x1xi1> to vector<512x1xi1>
    %broadcast_in_dim3A_363 = vector.broadcast %broadcast_in_dim3A_362 : vector<512x1xi1> to vector<512x16xi1>
    %select_n3A_364 = arith.select %broadcast_in_dim3A_363, %slice3A_361, %select_n3A_357 : vector<512x16xi1>, vector<512x16xf32>
    %dot_general3A_365 = arith.constant dense<0.000000e+00> : vector<512x64xf32>
    %dot_general3A_366 = tpu.matmul %select_n3A_364, %get3A_1, %dot_general3A_365 {dimension_numbers = #tpu.dot_dimension_numbers<[1], [0], [0], [1], [0, 0, 1, 1], [], []>, transpose_lhs_hint = false} : vector<512x16xf32>, vector<16x64xf32>, vector<512x64xf32> -> vector<512x64xf32>
    %add3A_367 = vector.broadcast %get3A_4 : vector<1x64xf32> to vector<512x64xf32>
    %add3A_368 = arith.addf %dot_general3A_366, %add3A_367 : vector<512x64xf32>
    %max3A_369 = arith.constant 0.000000e+00 : f32
    %max3A_370 = vector.broadcast %max3A_369 : f32 to vector<512x64xf32>
    %max3A_371 = arith.maximumf %add3A_368, %max3A_370 : vector<512x64xf32>
    %dot_general3A_372 = arith.constant dense<0.000000e+00> : vector<512x128xf32>
    %dot_general3A_373 = tpu.matmul %max3A_371, %get3A_7, %dot_general3A_372 {dimension_numbers = #tpu.dot_dimension_numbers<[1], [0], [0], [1], [0, 0, 1, 1], [], []>, transpose_lhs_hint = false} : vector<512x64xf32>, vector<64x128xf32>, vector<512x128xf32> -> vector<512x128xf32>
    %add3A_374 = vector.broadcast %get3A_10 : vector<1x128xf32> to vector<512x128xf32>
    %add3A_375 = arith.addf %dot_general3A_373, %add3A_374 : vector<512x128xf32>
    %max3A_376 = arith.constant 0.000000e+00 : f32
    %max3A_377 = vector.broadcast %max3A_376 : f32 to vector<512x128xf32>
    %max3A_378 = arith.maximumf %add3A_375, %max3A_377 : vector<512x128xf32>
    %dot_general3A_379 = arith.constant dense<0.000000e+00> : vector<512x128xf32>
    %dot_general3A_380 = tpu.matmul %max3A_378, %get3A_13, %dot_general3A_379 {dimension_numbers = #tpu.dot_dimension_numbers<[1], [0], [0], [1], [0, 0, 1, 1], [], []>, transpose_lhs_hint = false} : vector<512x128xf32>, vector<128x128xf32>, vector<512x128xf32> -> vector<512x128xf32>
    %add3A_381 = vector.broadcast %get3A_16 : vector<1x128xf32> to vector<512x128xf32>
    %add3A_382 = arith.addf %dot_general3A_380, %add3A_381 : vector<512x128xf32>
    %max3A_383 = arith.maximumf %max3A_308, %add3A_382 : vector<512x128xf32>
    %get3A_384 = arith.constant 2560 : index
    %get3A_385 = arith.constant 0 : index
    %get3A_386 = vector.load %arg0[%get3A_384, %get3A_385] : memref<8192x128xf32, #tpu.memory_space<vmem>>, vector<512x128xf32>
    %get3A_387 = arith.constant 2560 : index
    %get3A_388 = arith.constant 0 : index
    %get3A_389 = vector.load %arg1[%get3A_387, %get3A_388] : memref<8192x1xi32, #tpu.memory_space<vmem>>, vector<512x1xi32>
    %slice3A_390 = vector.extract_strided_slice %get3A_386 {offsets = [0, 112], sizes = [512, 16], strides = [1, 1]} : vector<512x128xf32> to vector<512x16xf32>
    %eq3A_391 = arith.constant 6 : i32
    %eq3A_392 = vector.broadcast %eq3A_391 : i32 to vector<512x1xi32>
    %eq3A_393 = arith.cmpi eq, %get3A_389, %eq3A_392 : vector<512x1xi32>
    %slice3A_394 = vector.extract_strided_slice %get3A_386 {offsets = [0, 96], sizes = [512, 16], strides = [1, 1]} : vector<512x128xf32> to vector<512x16xf32>
    %broadcast_in_dim3A_395 = vector.shape_cast %eq3A_393 : vector<512x1xi1> to vector<512x1xi1>
    %broadcast_in_dim3A_396 = vector.broadcast %broadcast_in_dim3A_395 : vector<512x1xi1> to vector<512x16xi1>
    %select_n3A_397 = arith.select %broadcast_in_dim3A_396, %slice3A_394, %slice3A_390 : vector<512x16xi1>, vector<512x16xf32>
    %eq3A_398 = arith.constant 5 : i32
    %eq3A_399 = vector.broadcast %eq3A_398 : i32 to vector<512x1xi32>
    %eq3A_400 = arith.cmpi eq, %get3A_389, %eq3A_399 : vector<512x1xi32>
    %slice3A_401 = vector.extract_strided_slice %get3A_386 {offsets = [0, 80], sizes = [512, 16], strides = [1, 1]} : vector<512x128xf32> to vector<512x16xf32>
    %broadcast_in_dim3A_402 = vector.shape_cast %eq3A_400 : vector<512x1xi1> to vector<512x1xi1>
    %broadcast_in_dim3A_403 = vector.broadcast %broadcast_in_dim3A_402 : vector<512x1xi1> to vector<512x16xi1>
    %select_n3A_404 = arith.select %broadcast_in_dim3A_403, %slice3A_401, %select_n3A_397 : vector<512x16xi1>, vector<512x16xf32>
    %eq3A_405 = arith.constant 4 : i32
    %eq3A_406 = vector.broadcast %eq3A_405 : i32 to vector<512x1xi32>
    %eq3A_407 = arith.cmpi eq, %get3A_389, %eq3A_406 : vector<512x1xi32>
    %slice3A_408 = vector.extract_strided_slice %get3A_386 {offsets = [0, 64], sizes = [512, 16], strides = [1, 1]} : vector<512x128xf32> to vector<512x16xf32>
    %broadcast_in_dim3A_409 = vector.shape_cast %eq3A_407 : vector<512x1xi1> to vector<512x1xi1>
    %broadcast_in_dim3A_410 = vector.broadcast %broadcast_in_dim3A_409 : vector<512x1xi1> to vector<512x16xi1>
    %select_n3A_411 = arith.select %broadcast_in_dim3A_410, %slice3A_408, %select_n3A_404 : vector<512x16xi1>, vector<512x16xf32>
    %eq3A_412 = arith.constant 3 : i32
    %eq3A_413 = vector.broadcast %eq3A_412 : i32 to vector<512x1xi32>
    %eq3A_414 = arith.cmpi eq, %get3A_389, %eq3A_413 : vector<512x1xi32>
    %slice3A_415 = vector.extract_strided_slice %get3A_386 {offsets = [0, 48], sizes = [512, 16], strides = [1, 1]} : vector<512x128xf32> to vector<512x16xf32>
    %broadcast_in_dim3A_416 = vector.shape_cast %eq3A_414 : vector<512x1xi1> to vector<512x1xi1>
    %broadcast_in_dim3A_417 = vector.broadcast %broadcast_in_dim3A_416 : vector<512x1xi1> to vector<512x16xi1>
    %select_n3A_418 = arith.select %broadcast_in_dim3A_417, %slice3A_415, %select_n3A_411 : vector<512x16xi1>, vector<512x16xf32>
    %eq3A_419 = arith.constant 2 : i32
    %eq3A_420 = vector.broadcast %eq3A_419 : i32 to vector<512x1xi32>
    %eq3A_421 = arith.cmpi eq, %get3A_389, %eq3A_420 : vector<512x1xi32>
    %slice3A_422 = vector.extract_strided_slice %get3A_386 {offsets = [0, 32], sizes = [512, 16], strides = [1, 1]} : vector<512x128xf32> to vector<512x16xf32>
    %broadcast_in_dim3A_423 = vector.shape_cast %eq3A_421 : vector<512x1xi1> to vector<512x1xi1>
    %broadcast_in_dim3A_424 = vector.broadcast %broadcast_in_dim3A_423 : vector<512x1xi1> to vector<512x16xi1>
    %select_n3A_425 = arith.select %broadcast_in_dim3A_424, %slice3A_422, %select_n3A_418 : vector<512x16xi1>, vector<512x16xf32>
    %eq3A_426 = arith.constant 1 : i32
    %eq3A_427 = vector.broadcast %eq3A_426 : i32 to vector<512x1xi32>
    %eq3A_428 = arith.cmpi eq, %get3A_389, %eq3A_427 : vector<512x1xi32>
    %slice3A_429 = vector.extract_strided_slice %get3A_386 {offsets = [0, 16], sizes = [512, 16], strides = [1, 1]} : vector<512x128xf32> to vector<512x16xf32>
    %broadcast_in_dim3A_430 = vector.shape_cast %eq3A_428 : vector<512x1xi1> to vector<512x1xi1>
    %broadcast_in_dim3A_431 = vector.broadcast %broadcast_in_dim3A_430 : vector<512x1xi1> to vector<512x16xi1>
    %select_n3A_432 = arith.select %broadcast_in_dim3A_431, %slice3A_429, %select_n3A_425 : vector<512x16xi1>, vector<512x16xf32>
    %eq3A_433 = arith.constant 0 : i32
    %eq3A_434 = vector.broadcast %eq3A_433 : i32 to vector<512x1xi32>
    %eq3A_435 = arith.cmpi eq, %get3A_389, %eq3A_434 : vector<512x1xi32>
    %slice3A_436 = vector.extract_strided_slice %get3A_386 {offsets = [0, 0], sizes = [512, 16], strides = [1, 1]} : vector<512x128xf32> to vector<512x16xf32>
    %broadcast_in_dim3A_437 = vector.shape_cast %eq3A_435 : vector<512x1xi1> to vector<512x1xi1>
    %broadcast_in_dim3A_438 = vector.broadcast %broadcast_in_dim3A_437 : vector<512x1xi1> to vector<512x16xi1>
    %select_n3A_439 = arith.select %broadcast_in_dim3A_438, %slice3A_436, %select_n3A_432 : vector<512x16xi1>, vector<512x16xf32>
    %dot_general3A_440 = arith.constant dense<0.000000e+00> : vector<512x64xf32>
    %dot_general3A_441 = tpu.matmul %select_n3A_439, %get3A_1, %dot_general3A_440 {dimension_numbers = #tpu.dot_dimension_numbers<[1], [0], [0], [1], [0, 0, 1, 1], [], []>, transpose_lhs_hint = false} : vector<512x16xf32>, vector<16x64xf32>, vector<512x64xf32> -> vector<512x64xf32>
    %add3A_442 = vector.broadcast %get3A_4 : vector<1x64xf32> to vector<512x64xf32>
    %add3A_443 = arith.addf %dot_general3A_441, %add3A_442 : vector<512x64xf32>
    %max3A_444 = arith.constant 0.000000e+00 : f32
    %max3A_445 = vector.broadcast %max3A_444 : f32 to vector<512x64xf32>
    %max3A_446 = arith.maximumf %add3A_443, %max3A_445 : vector<512x64xf32>
    %dot_general3A_447 = arith.constant dense<0.000000e+00> : vector<512x128xf32>
    %dot_general3A_448 = tpu.matmul %max3A_446, %get3A_7, %dot_general3A_447 {dimension_numbers = #tpu.dot_dimension_numbers<[1], [0], [0], [1], [0, 0, 1, 1], [], []>, transpose_lhs_hint = false} : vector<512x64xf32>, vector<64x128xf32>, vector<512x128xf32> -> vector<512x128xf32>
    %add3A_449 = vector.broadcast %get3A_10 : vector<1x128xf32> to vector<512x128xf32>
    %add3A_450 = arith.addf %dot_general3A_448, %add3A_449 : vector<512x128xf32>
    %max3A_451 = arith.constant 0.000000e+00 : f32
    %max3A_452 = vector.broadcast %max3A_451 : f32 to vector<512x128xf32>
    %max3A_453 = arith.maximumf %add3A_450, %max3A_452 : vector<512x128xf32>
    %dot_general3A_454 = arith.constant dense<0.000000e+00> : vector<512x128xf32>
    %dot_general3A_455 = tpu.matmul %max3A_453, %get3A_13, %dot_general3A_454 {dimension_numbers = #tpu.dot_dimension_numbers<[1], [0], [0], [1], [0, 0, 1, 1], [], []>, transpose_lhs_hint = false} : vector<512x128xf32>, vector<128x128xf32>, vector<512x128xf32> -> vector<512x128xf32>
    %add3A_456 = vector.broadcast %get3A_16 : vector<1x128xf32> to vector<512x128xf32>
    %add3A_457 = arith.addf %dot_general3A_455, %add3A_456 : vector<512x128xf32>
    %max3A_458 = arith.maximumf %max3A_383, %add3A_457 : vector<512x128xf32>
    %get3A_459 = arith.constant 3072 : index
    %get3A_460 = arith.constant 0 : index
    %get3A_461 = vector.load %arg0[%get3A_459, %get3A_460] : memref<8192x128xf32, #tpu.memory_space<vmem>>, vector<512x128xf32>
    %get3A_462 = arith.constant 3072 : index
    %get3A_463 = arith.constant 0 : index
    %get3A_464 = vector.load %arg1[%get3A_462, %get3A_463] : memref<8192x1xi32, #tpu.memory_space<vmem>>, vector<512x1xi32>
    %slice3A_465 = vector.extract_strided_slice %get3A_461 {offsets = [0, 112], sizes = [512, 16], strides = [1, 1]} : vector<512x128xf32> to vector<512x16xf32>
    %eq3A_466 = arith.constant 6 : i32
    %eq3A_467 = vector.broadcast %eq3A_466 : i32 to vector<512x1xi32>
    %eq3A_468 = arith.cmpi eq, %get3A_464, %eq3A_467 : vector<512x1xi32>
    %slice3A_469 = vector.extract_strided_slice %get3A_461 {offsets = [0, 96], sizes = [512, 16], strides = [1, 1]} : vector<512x128xf32> to vector<512x16xf32>
    %broadcast_in_dim3A_470 = vector.shape_cast %eq3A_468 : vector<512x1xi1> to vector<512x1xi1>
    %broadcast_in_dim3A_471 = vector.broadcast %broadcast_in_dim3A_470 : vector<512x1xi1> to vector<512x16xi1>
    %select_n3A_472 = arith.select %broadcast_in_dim3A_471, %slice3A_469, %slice3A_465 : vector<512x16xi1>, vector<512x16xf32>
    %eq3A_473 = arith.constant 5 : i32
    %eq3A_474 = vector.broadcast %eq3A_473 : i32 to vector<512x1xi32>
    %eq3A_475 = arith.cmpi eq, %get3A_464, %eq3A_474 : vector<512x1xi32>
    %slice3A_476 = vector.extract_strided_slice %get3A_461 {offsets = [0, 80], sizes = [512, 16], strides = [1, 1]} : vector<512x128xf32> to vector<512x16xf32>
    %broadcast_in_dim3A_477 = vector.shape_cast %eq3A_475 : vector<512x1xi1> to vector<512x1xi1>
    %broadcast_in_dim3A_478 = vector.broadcast %broadcast_in_dim3A_477 : vector<512x1xi1> to vector<512x16xi1>
    %select_n3A_479 = arith.select %broadcast_in_dim3A_478, %slice3A_476, %select_n3A_472 : vector<512x16xi1>, vector<512x16xf32>
    %eq3A_480 = arith.constant 4 : i32
    %eq3A_481 = vector.broadcast %eq3A_480 : i32 to vector<512x1xi32>
    %eq3A_482 = arith.cmpi eq, %get3A_464, %eq3A_481 : vector<512x1xi32>
    %slice3A_483 = vector.extract_strided_slice %get3A_461 {offsets = [0, 64], sizes = [512, 16], strides = [1, 1]} : vector<512x128xf32> to vector<512x16xf32>
    %broadcast_in_dim3A_484 = vector.shape_cast %eq3A_482 : vector<512x1xi1> to vector<512x1xi1>
    %broadcast_in_dim3A_485 = vector.broadcast %broadcast_in_dim3A_484 : vector<512x1xi1> to vector<512x16xi1>
    %select_n3A_486 = arith.select %broadcast_in_dim3A_485, %slice3A_483, %select_n3A_479 : vector<512x16xi1>, vector<512x16xf32>
    %eq3A_487 = arith.constant 3 : i32
    %eq3A_488 = vector.broadcast %eq3A_487 : i32 to vector<512x1xi32>
    %eq3A_489 = arith.cmpi eq, %get3A_464, %eq3A_488 : vector<512x1xi32>
    %slice3A_490 = vector.extract_strided_slice %get3A_461 {offsets = [0, 48], sizes = [512, 16], strides = [1, 1]} : vector<512x128xf32> to vector<512x16xf32>
    %broadcast_in_dim3A_491 = vector.shape_cast %eq3A_489 : vector<512x1xi1> to vector<512x1xi1>
    %broadcast_in_dim3A_492 = vector.broadcast %broadcast_in_dim3A_491 : vector<512x1xi1> to vector<512x16xi1>
    %select_n3A_493 = arith.select %broadcast_in_dim3A_492, %slice3A_490, %select_n3A_486 : vector<512x16xi1>, vector<512x16xf32>
    %eq3A_494 = arith.constant 2 : i32
    %eq3A_495 = vector.broadcast %eq3A_494 : i32 to vector<512x1xi32>
    %eq3A_496 = arith.cmpi eq, %get3A_464, %eq3A_495 : vector<512x1xi32>
    %slice3A_497 = vector.extract_strided_slice %get3A_461 {offsets = [0, 32], sizes = [512, 16], strides = [1, 1]} : vector<512x128xf32> to vector<512x16xf32>
    %broadcast_in_dim3A_498 = vector.shape_cast %eq3A_496 : vector<512x1xi1> to vector<512x1xi1>
    %broadcast_in_dim3A_499 = vector.broadcast %broadcast_in_dim3A_498 : vector<512x1xi1> to vector<512x16xi1>
    %select_n3A_500 = arith.select %broadcast_in_dim3A_499, %slice3A_497, %select_n3A_493 : vector<512x16xi1>, vector<512x16xf32>
    %eq3A_501 = arith.constant 1 : i32
    %eq3A_502 = vector.broadcast %eq3A_501 : i32 to vector<512x1xi32>
    %eq3A_503 = arith.cmpi eq, %get3A_464, %eq3A_502 : vector<512x1xi32>
    %slice3A_504 = vector.extract_strided_slice %get3A_461 {offsets = [0, 16], sizes = [512, 16], strides = [1, 1]} : vector<512x128xf32> to vector<512x16xf32>
    %broadcast_in_dim3A_505 = vector.shape_cast %eq3A_503 : vector<512x1xi1> to vector<512x1xi1>
    %broadcast_in_dim3A_506 = vector.broadcast %broadcast_in_dim3A_505 : vector<512x1xi1> to vector<512x16xi1>
    %select_n3A_507 = arith.select %broadcast_in_dim3A_506, %slice3A_504, %select_n3A_500 : vector<512x16xi1>, vector<512x16xf32>
    %eq3A_508 = arith.constant 0 : i32
    %eq3A_509 = vector.broadcast %eq3A_508 : i32 to vector<512x1xi32>
    %eq3A_510 = arith.cmpi eq, %get3A_464, %eq3A_509 : vector<512x1xi32>
    %slice3A_511 = vector.extract_strided_slice %get3A_461 {offsets = [0, 0], sizes = [512, 16], strides = [1, 1]} : vector<512x128xf32> to vector<512x16xf32>
    %broadcast_in_dim3A_512 = vector.shape_cast %eq3A_510 : vector<512x1xi1> to vector<512x1xi1>
    %broadcast_in_dim3A_513 = vector.broadcast %broadcast_in_dim3A_512 : vector<512x1xi1> to vector<512x16xi1>
    %select_n3A_514 = arith.select %broadcast_in_dim3A_513, %slice3A_511, %select_n3A_507 : vector<512x16xi1>, vector<512x16xf32>
    %dot_general3A_515 = arith.constant dense<0.000000e+00> : vector<512x64xf32>
    %dot_general3A_516 = tpu.matmul %select_n3A_514, %get3A_1, %dot_general3A_515 {dimension_numbers = #tpu.dot_dimension_numbers<[1], [0], [0], [1], [0, 0, 1, 1], [], []>, transpose_lhs_hint = false} : vector<512x16xf32>, vector<16x64xf32>, vector<512x64xf32> -> vector<512x64xf32>
    %add3A_517 = vector.broadcast %get3A_4 : vector<1x64xf32> to vector<512x64xf32>
    %add3A_518 = arith.addf %dot_general3A_516, %add3A_517 : vector<512x64xf32>
    %max3A_519 = arith.constant 0.000000e+00 : f32
    %max3A_520 = vector.broadcast %max3A_519 : f32 to vector<512x64xf32>
    %max3A_521 = arith.maximumf %add3A_518, %max3A_520 : vector<512x64xf32>
    %dot_general3A_522 = arith.constant dense<0.000000e+00> : vector<512x128xf32>
    %dot_general3A_523 = tpu.matmul %max3A_521, %get3A_7, %dot_general3A_522 {dimension_numbers = #tpu.dot_dimension_numbers<[1], [0], [0], [1], [0, 0, 1, 1], [], []>, transpose_lhs_hint = false} : vector<512x64xf32>, vector<64x128xf32>, vector<512x128xf32> -> vector<512x128xf32>
    %add3A_524 = vector.broadcast %get3A_10 : vector<1x128xf32> to vector<512x128xf32>
    %add3A_525 = arith.addf %dot_general3A_523, %add3A_524 : vector<512x128xf32>
    %max3A_526 = arith.constant 0.000000e+00 : f32
    %max3A_527 = vector.broadcast %max3A_526 : f32 to vector<512x128xf32>
    %max3A_528 = arith.maximumf %add3A_525, %max3A_527 : vector<512x128xf32>
    %dot_general3A_529 = arith.constant dense<0.000000e+00> : vector<512x128xf32>
    %dot_general3A_530 = tpu.matmul %max3A_528, %get3A_13, %dot_general3A_529 {dimension_numbers = #tpu.dot_dimension_numbers<[1], [0], [0], [1], [0, 0, 1, 1], [], []>, transpose_lhs_hint = false} : vector<512x128xf32>, vector<128x128xf32>, vector<512x128xf32> -> vector<512x128xf32>
    %add3A_531 = vector.broadcast %get3A_16 : vector<1x128xf32> to vector<512x128xf32>
    %add3A_532 = arith.addf %dot_general3A_530, %add3A_531 : vector<512x128xf32>
    %max3A_533 = arith.maximumf %max3A_458, %add3A_532 : vector<512x128xf32>
    %get3A_534 = arith.constant 3584 : index
    %get3A_535 = arith.constant 0 : index
    %get3A_536 = vector.load %arg0[%get3A_534, %get3A_535] : memref<8192x128xf32, #tpu.memory_space<vmem>>, vector<512x128xf32>
    %get3A_537 = arith.constant 3584 : index
    %get3A_538 = arith.constant 0 : index
    %get3A_539 = vector.load %arg1[%get3A_537, %get3A_538] : memref<8192x1xi32, #tpu.memory_space<vmem>>, vector<512x1xi32>
    %slice3A_540 = vector.extract_strided_slice %get3A_536 {offsets = [0, 112], sizes = [512, 16], strides = [1, 1]} : vector<512x128xf32> to vector<512x16xf32>
    %eq3A_541 = arith.constant 6 : i32
    %eq3A_542 = vector.broadcast %eq3A_541 : i32 to vector<512x1xi32>
    %eq3A_543 = arith.cmpi eq, %get3A_539, %eq3A_542 : vector<512x1xi32>
    %slice3A_544 = vector.extract_strided_slice %get3A_536 {offsets = [0, 96], sizes = [512, 16], strides = [1, 1]} : vector<512x128xf32> to vector<512x16xf32>
    %broadcast_in_dim3A_545 = vector.shape_cast %eq3A_543 : vector<512x1xi1> to vector<512x1xi1>
    %broadcast_in_dim3A_546 = vector.broadcast %broadcast_in_dim3A_545 : vector<512x1xi1> to vector<512x16xi1>
    %select_n3A_547 = arith.select %broadcast_in_dim3A_546, %slice3A_544, %slice3A_540 : vector<512x16xi1>, vector<512x16xf32>
    %eq3A_548 = arith.constant 5 : i32
    %eq3A_549 = vector.broadcast %eq3A_548 : i32 to vector<512x1xi32>
    %eq3A_550 = arith.cmpi eq, %get3A_539, %eq3A_549 : vector<512x1xi32>
    %slice3A_551 = vector.extract_strided_slice %get3A_536 {offsets = [0, 80], sizes = [512, 16], strides = [1, 1]} : vector<512x128xf32> to vector<512x16xf32>
    %broadcast_in_dim3A_552 = vector.shape_cast %eq3A_550 : vector<512x1xi1> to vector<512x1xi1>
    %broadcast_in_dim3A_553 = vector.broadcast %broadcast_in_dim3A_552 : vector<512x1xi1> to vector<512x16xi1>
    %select_n3A_554 = arith.select %broadcast_in_dim3A_553, %slice3A_551, %select_n3A_547 : vector<512x16xi1>, vector<512x16xf32>
    %eq3A_555 = arith.constant 4 : i32
    %eq3A_556 = vector.broadcast %eq3A_555 : i32 to vector<512x1xi32>
    %eq3A_557 = arith.cmpi eq, %get3A_539, %eq3A_556 : vector<512x1xi32>
    %slice3A_558 = vector.extract_strided_slice %get3A_536 {offsets = [0, 64], sizes = [512, 16], strides = [1, 1]} : vector<512x128xf32> to vector<512x16xf32>
    %broadcast_in_dim3A_559 = vector.shape_cast %eq3A_557 : vector<512x1xi1> to vector<512x1xi1>
    %broadcast_in_dim3A_560 = vector.broadcast %broadcast_in_dim3A_559 : vector<512x1xi1> to vector<512x16xi1>
    %select_n3A_561 = arith.select %broadcast_in_dim3A_560, %slice3A_558, %select_n3A_554 : vector<512x16xi1>, vector<512x16xf32>
    %eq3A_562 = arith.constant 3 : i32
    %eq3A_563 = vector.broadcast %eq3A_562 : i32 to vector<512x1xi32>
    %eq3A_564 = arith.cmpi eq, %get3A_539, %eq3A_563 : vector<512x1xi32>
    %slice3A_565 = vector.extract_strided_slice %get3A_536 {offsets = [0, 48], sizes = [512, 16], strides = [1, 1]} : vector<512x128xf32> to vector<512x16xf32>
    %broadcast_in_dim3A_566 = vector.shape_cast %eq3A_564 : vector<512x1xi1> to vector<512x1xi1>
    %broadcast_in_dim3A_567 = vector.broadcast %broadcast_in_dim3A_566 : vector<512x1xi1> to vector<512x16xi1>
    %select_n3A_568 = arith.select %broadcast_in_dim3A_567, %slice3A_565, %select_n3A_561 : vector<512x16xi1>, vector<512x16xf32>
    %eq3A_569 = arith.constant 2 : i32
    %eq3A_570 = vector.broadcast %eq3A_569 : i32 to vector<512x1xi32>
    %eq3A_571 = arith.cmpi eq, %get3A_539, %eq3A_570 : vector<512x1xi32>
    %slice3A_572 = vector.extract_strided_slice %get3A_536 {offsets = [0, 32], sizes = [512, 16], strides = [1, 1]} : vector<512x128xf32> to vector<512x16xf32>
    %broadcast_in_dim3A_573 = vector.shape_cast %eq3A_571 : vector<512x1xi1> to vector<512x1xi1>
    %broadcast_in_dim3A_574 = vector.broadcast %broadcast_in_dim3A_573 : vector<512x1xi1> to vector<512x16xi1>
    %select_n3A_575 = arith.select %broadcast_in_dim3A_574, %slice3A_572, %select_n3A_568 : vector<512x16xi1>, vector<512x16xf32>
    %eq3A_576 = arith.constant 1 : i32
    %eq3A_577 = vector.broadcast %eq3A_576 : i32 to vector<512x1xi32>
    %eq3A_578 = arith.cmpi eq, %get3A_539, %eq3A_577 : vector<512x1xi32>
    %slice3A_579 = vector.extract_strided_slice %get3A_536 {offsets = [0, 16], sizes = [512, 16], strides = [1, 1]} : vector<512x128xf32> to vector<512x16xf32>
    %broadcast_in_dim3A_580 = vector.shape_cast %eq3A_578 : vector<512x1xi1> to vector<512x1xi1>
    %broadcast_in_dim3A_581 = vector.broadcast %broadcast_in_dim3A_580 : vector<512x1xi1> to vector<512x16xi1>
    %select_n3A_582 = arith.select %broadcast_in_dim3A_581, %slice3A_579, %select_n3A_575 : vector<512x16xi1>, vector<512x16xf32>
    %eq3A_583 = arith.constant 0 : i32
    %eq3A_584 = vector.broadcast %eq3A_583 : i32 to vector<512x1xi32>
    %eq3A_585 = arith.cmpi eq, %get3A_539, %eq3A_584 : vector<512x1xi32>
    %slice3A_586 = vector.extract_strided_slice %get3A_536 {offsets = [0, 0], sizes = [512, 16], strides = [1, 1]} : vector<512x128xf32> to vector<512x16xf32>
    %broadcast_in_dim3A_587 = vector.shape_cast %eq3A_585 : vector<512x1xi1> to vector<512x1xi1>
    %broadcast_in_dim3A_588 = vector.broadcast %broadcast_in_dim3A_587 : vector<512x1xi1> to vector<512x16xi1>
    %select_n3A_589 = arith.select %broadcast_in_dim3A_588, %slice3A_586, %select_n3A_582 : vector<512x16xi1>, vector<512x16xf32>
    %dot_general3A_590 = arith.constant dense<0.000000e+00> : vector<512x64xf32>
    %dot_general3A_591 = tpu.matmul %select_n3A_589, %get3A_1, %dot_general3A_590 {dimension_numbers = #tpu.dot_dimension_numbers<[1], [0], [0], [1], [0, 0, 1, 1], [], []>, transpose_lhs_hint = false} : vector<512x16xf32>, vector<16x64xf32>, vector<512x64xf32> -> vector<512x64xf32>
    %add3A_592 = vector.broadcast %get3A_4 : vector<1x64xf32> to vector<512x64xf32>
    %add3A_593 = arith.addf %dot_general3A_591, %add3A_592 : vector<512x64xf32>
    %max3A_594 = arith.constant 0.000000e+00 : f32
    %max3A_595 = vector.broadcast %max3A_594 : f32 to vector<512x64xf32>
    %max3A_596 = arith.maximumf %add3A_593, %max3A_595 : vector<512x64xf32>
    %dot_general3A_597 = arith.constant dense<0.000000e+00> : vector<512x128xf32>
    %dot_general3A_598 = tpu.matmul %max3A_596, %get3A_7, %dot_general3A_597 {dimension_numbers = #tpu.dot_dimension_numbers<[1], [0], [0], [1], [0, 0, 1, 1], [], []>, transpose_lhs_hint = false} : vector<512x64xf32>, vector<64x128xf32>, vector<512x128xf32> -> vector<512x128xf32>
    %add3A_599 = vector.broadcast %get3A_10 : vector<1x128xf32> to vector<512x128xf32>
    %add3A_600 = arith.addf %dot_general3A_598, %add3A_599 : vector<512x128xf32>
    %max3A_601 = arith.constant 0.000000e+00 : f32
    %max3A_602 = vector.broadcast %max3A_601 : f32 to vector<512x128xf32>
    %max3A_603 = arith.maximumf %add3A_600, %max3A_602 : vector<512x128xf32>
    %dot_general3A_604 = arith.constant dense<0.000000e+00> : vector<512x128xf32>
    %dot_general3A_605 = tpu.matmul %max3A_603, %get3A_13, %dot_general3A_604 {dimension_numbers = #tpu.dot_dimension_numbers<[1], [0], [0], [1], [0, 0, 1, 1], [], []>, transpose_lhs_hint = false} : vector<512x128xf32>, vector<128x128xf32>, vector<512x128xf32> -> vector<512x128xf32>
    %add3A_606 = vector.broadcast %get3A_16 : vector<1x128xf32> to vector<512x128xf32>
    %add3A_607 = arith.addf %dot_general3A_605, %add3A_606 : vector<512x128xf32>
    %max3A_608 = arith.maximumf %max3A_533, %add3A_607 : vector<512x128xf32>
    %get3A_609 = arith.constant 4096 : index
    %get3A_610 = arith.constant 0 : index
    %get3A_611 = vector.load %arg0[%get3A_609, %get3A_610] : memref<8192x128xf32, #tpu.memory_space<vmem>>, vector<512x128xf32>
    %get3A_612 = arith.constant 4096 : index
    %get3A_613 = arith.constant 0 : index
    %get3A_614 = vector.load %arg1[%get3A_612, %get3A_613] : memref<8192x1xi32, #tpu.memory_space<vmem>>, vector<512x1xi32>
    %slice3A_615 = vector.extract_strided_slice %get3A_611 {offsets = [0, 112], sizes = [512, 16], strides = [1, 1]} : vector<512x128xf32> to vector<512x16xf32>
    %eq3A_616 = arith.constant 6 : i32
    %eq3A_617 = vector.broadcast %eq3A_616 : i32 to vector<512x1xi32>
    %eq3A_618 = arith.cmpi eq, %get3A_614, %eq3A_617 : vector<512x1xi32>
    %slice3A_619 = vector.extract_strided_slice %get3A_611 {offsets = [0, 96], sizes = [512, 16], strides = [1, 1]} : vector<512x128xf32> to vector<512x16xf32>
    %broadcast_in_dim3A_620 = vector.shape_cast %eq3A_618 : vector<512x1xi1> to vector<512x1xi1>
    %broadcast_in_dim3A_621 = vector.broadcast %broadcast_in_dim3A_620 : vector<512x1xi1> to vector<512x16xi1>
    %select_n3A_622 = arith.select %broadcast_in_dim3A_621, %slice3A_619, %slice3A_615 : vector<512x16xi1>, vector<512x16xf32>
    %eq3A_623 = arith.constant 5 : i32
    %eq3A_624 = vector.broadcast %eq3A_623 : i32 to vector<512x1xi32>
    %eq3A_625 = arith.cmpi eq, %get3A_614, %eq3A_624 : vector<512x1xi32>
    %slice3A_626 = vector.extract_strided_slice %get3A_611 {offsets = [0, 80], sizes = [512, 16], strides = [1, 1]} : vector<512x128xf32> to vector<512x16xf32>
    %broadcast_in_dim3A_627 = vector.shape_cast %eq3A_625 : vector<512x1xi1> to vector<512x1xi1>
    %broadcast_in_dim3A_628 = vector.broadcast %broadcast_in_dim3A_627 : vector<512x1xi1> to vector<512x16xi1>
    %select_n3A_629 = arith.select %broadcast_in_dim3A_628, %slice3A_626, %select_n3A_622 : vector<512x16xi1>, vector<512x16xf32>
    %eq3A_630 = arith.constant 4 : i32
    %eq3A_631 = vector.broadcast %eq3A_630 : i32 to vector<512x1xi32>
    %eq3A_632 = arith.cmpi eq, %get3A_614, %eq3A_631 : vector<512x1xi32>
    %slice3A_633 = vector.extract_strided_slice %get3A_611 {offsets = [0, 64], sizes = [512, 16], strides = [1, 1]} : vector<512x128xf32> to vector<512x16xf32>
    %broadcast_in_dim3A_634 = vector.shape_cast %eq3A_632 : vector<512x1xi1> to vector<512x1xi1>
    %broadcast_in_dim3A_635 = vector.broadcast %broadcast_in_dim3A_634 : vector<512x1xi1> to vector<512x16xi1>
    %select_n3A_636 = arith.select %broadcast_in_dim3A_635, %slice3A_633, %select_n3A_629 : vector<512x16xi1>, vector<512x16xf32>
    %eq3A_637 = arith.constant 3 : i32
    %eq3A_638 = vector.broadcast %eq3A_637 : i32 to vector<512x1xi32>
    %eq3A_639 = arith.cmpi eq, %get3A_614, %eq3A_638 : vector<512x1xi32>
    %slice3A_640 = vector.extract_strided_slice %get3A_611 {offsets = [0, 48], sizes = [512, 16], strides = [1, 1]} : vector<512x128xf32> to vector<512x16xf32>
    %broadcast_in_dim3A_641 = vector.shape_cast %eq3A_639 : vector<512x1xi1> to vector<512x1xi1>
    %broadcast_in_dim3A_642 = vector.broadcast %broadcast_in_dim3A_641 : vector<512x1xi1> to vector<512x16xi1>
    %select_n3A_643 = arith.select %broadcast_in_dim3A_642, %slice3A_640, %select_n3A_636 : vector<512x16xi1>, vector<512x16xf32>
    %eq3A_644 = arith.constant 2 : i32
    %eq3A_645 = vector.broadcast %eq3A_644 : i32 to vector<512x1xi32>
    %eq3A_646 = arith.cmpi eq, %get3A_614, %eq3A_645 : vector<512x1xi32>
    %slice3A_647 = vector.extract_strided_slice %get3A_611 {offsets = [0, 32], sizes = [512, 16], strides = [1, 1]} : vector<512x128xf32> to vector<512x16xf32>
    %broadcast_in_dim3A_648 = vector.shape_cast %eq3A_646 : vector<512x1xi1> to vector<512x1xi1>
    %broadcast_in_dim3A_649 = vector.broadcast %broadcast_in_dim3A_648 : vector<512x1xi1> to vector<512x16xi1>
    %select_n3A_650 = arith.select %broadcast_in_dim3A_649, %slice3A_647, %select_n3A_643 : vector<512x16xi1>, vector<512x16xf32>
    %eq3A_651 = arith.constant 1 : i32
    %eq3A_652 = vector.broadcast %eq3A_651 : i32 to vector<512x1xi32>
    %eq3A_653 = arith.cmpi eq, %get3A_614, %eq3A_652 : vector<512x1xi32>
    %slice3A_654 = vector.extract_strided_slice %get3A_611 {offsets = [0, 16], sizes = [512, 16], strides = [1, 1]} : vector<512x128xf32> to vector<512x16xf32>
    %broadcast_in_dim3A_655 = vector.shape_cast %eq3A_653 : vector<512x1xi1> to vector<512x1xi1>
    %broadcast_in_dim3A_656 = vector.broadcast %broadcast_in_dim3A_655 : vector<512x1xi1> to vector<512x16xi1>
    %select_n3A_657 = arith.select %broadcast_in_dim3A_656, %slice3A_654, %select_n3A_650 : vector<512x16xi1>, vector<512x16xf32>
    %eq3A_658 = arith.constant 0 : i32
    %eq3A_659 = vector.broadcast %eq3A_658 : i32 to vector<512x1xi32>
    %eq3A_660 = arith.cmpi eq, %get3A_614, %eq3A_659 : vector<512x1xi32>
    %slice3A_661 = vector.extract_strided_slice %get3A_611 {offsets = [0, 0], sizes = [512, 16], strides = [1, 1]} : vector<512x128xf32> to vector<512x16xf32>
    %broadcast_in_dim3A_662 = vector.shape_cast %eq3A_660 : vector<512x1xi1> to vector<512x1xi1>
    %broadcast_in_dim3A_663 = vector.broadcast %broadcast_in_dim3A_662 : vector<512x1xi1> to vector<512x16xi1>
    %select_n3A_664 = arith.select %broadcast_in_dim3A_663, %slice3A_661, %select_n3A_657 : vector<512x16xi1>, vector<512x16xf32>
    %dot_general3A_665 = arith.constant dense<0.000000e+00> : vector<512x64xf32>
    %dot_general3A_666 = tpu.matmul %select_n3A_664, %get3A_1, %dot_general3A_665 {dimension_numbers = #tpu.dot_dimension_numbers<[1], [0], [0], [1], [0, 0, 1, 1], [], []>, transpose_lhs_hint = false} : vector<512x16xf32>, vector<16x64xf32>, vector<512x64xf32> -> vector<512x64xf32>
    %add3A_667 = vector.broadcast %get3A_4 : vector<1x64xf32> to vector<512x64xf32>
    %add3A_668 = arith.addf %dot_general3A_666, %add3A_667 : vector<512x64xf32>
    %max3A_669 = arith.constant 0.000000e+00 : f32
    %max3A_670 = vector.broadcast %max3A_669 : f32 to vector<512x64xf32>
    %max3A_671 = arith.maximumf %add3A_668, %max3A_670 : vector<512x64xf32>
    %dot_general3A_672 = arith.constant dense<0.000000e+00> : vector<512x128xf32>
    %dot_general3A_673 = tpu.matmul %max3A_671, %get3A_7, %dot_general3A_672 {dimension_numbers = #tpu.dot_dimension_numbers<[1], [0], [0], [1], [0, 0, 1, 1], [], []>, transpose_lhs_hint = false} : vector<512x64xf32>, vector<64x128xf32>, vector<512x128xf32> -> vector<512x128xf32>
    %add3A_674 = vector.broadcast %get3A_10 : vector<1x128xf32> to vector<512x128xf32>
    %add3A_675 = arith.addf %dot_general3A_673, %add3A_674 : vector<512x128xf32>
    %max3A_676 = arith.constant 0.000000e+00 : f32
    %max3A_677 = vector.broadcast %max3A_676 : f32 to vector<512x128xf32>
    %max3A_678 = arith.maximumf %add3A_675, %max3A_677 : vector<512x128xf32>
    %dot_general3A_679 = arith.constant dense<0.000000e+00> : vector<512x128xf32>
    %dot_general3A_680 = tpu.matmul %max3A_678, %get3A_13, %dot_general3A_679 {dimension_numbers = #tpu.dot_dimension_numbers<[1], [0], [0], [1], [0, 0, 1, 1], [], []>, transpose_lhs_hint = false} : vector<512x128xf32>, vector<128x128xf32>, vector<512x128xf32> -> vector<512x128xf32>
    %add3A_681 = vector.broadcast %get3A_16 : vector<1x128xf32> to vector<512x128xf32>
    %add3A_682 = arith.addf %dot_general3A_680, %add3A_681 : vector<512x128xf32>
    %max3A_683 = arith.maximumf %max3A_608, %add3A_682 : vector<512x128xf32>
    %get3A_684 = arith.constant 4608 : index
    %get3A_685 = arith.constant 0 : index
    %get3A_686 = vector.load %arg0[%get3A_684, %get3A_685] : memref<8192x128xf32, #tpu.memory_space<vmem>>, vector<512x128xf32>
    %get3A_687 = arith.constant 4608 : index
    %get3A_688 = arith.constant 0 : index
    %get3A_689 = vector.load %arg1[%get3A_687, %get3A_688] : memref<8192x1xi32, #tpu.memory_space<vmem>>, vector<512x1xi32>
    %slice3A_690 = vector.extract_strided_slice %get3A_686 {offsets = [0, 112], sizes = [512, 16], strides = [1, 1]} : vector<512x128xf32> to vector<512x16xf32>
    %eq3A_691 = arith.constant 6 : i32
    %eq3A_692 = vector.broadcast %eq3A_691 : i32 to vector<512x1xi32>
    %eq3A_693 = arith.cmpi eq, %get3A_689, %eq3A_692 : vector<512x1xi32>
    %slice3A_694 = vector.extract_strided_slice %get3A_686 {offsets = [0, 96], sizes = [512, 16], strides = [1, 1]} : vector<512x128xf32> to vector<512x16xf32>
    %broadcast_in_dim3A_695 = vector.shape_cast %eq3A_693 : vector<512x1xi1> to vector<512x1xi1>
    %broadcast_in_dim3A_696 = vector.broadcast %broadcast_in_dim3A_695 : vector<512x1xi1> to vector<512x16xi1>
    %select_n3A_697 = arith.select %broadcast_in_dim3A_696, %slice3A_694, %slice3A_690 : vector<512x16xi1>, vector<512x16xf32>
    %eq3A_698 = arith.constant 5 : i32
    %eq3A_699 = vector.broadcast %eq3A_698 : i32 to vector<512x1xi32>
    %eq3A_700 = arith.cmpi eq, %get3A_689, %eq3A_699 : vector<512x1xi32>
    %slice3A_701 = vector.extract_strided_slice %get3A_686 {offsets = [0, 80], sizes = [512, 16], strides = [1, 1]} : vector<512x128xf32> to vector<512x16xf32>
    %broadcast_in_dim3A_702 = vector.shape_cast %eq3A_700 : vector<512x1xi1> to vector<512x1xi1>
    %broadcast_in_dim3A_703 = vector.broadcast %broadcast_in_dim3A_702 : vector<512x1xi1> to vector<512x16xi1>
    %select_n3A_704 = arith.select %broadcast_in_dim3A_703, %slice3A_701, %select_n3A_697 : vector<512x16xi1>, vector<512x16xf32>
    %eq3A_705 = arith.constant 4 : i32
    %eq3A_706 = vector.broadcast %eq3A_705 : i32 to vector<512x1xi32>
    %eq3A_707 = arith.cmpi eq, %get3A_689, %eq3A_706 : vector<512x1xi32>
    %slice3A_708 = vector.extract_strided_slice %get3A_686 {offsets = [0, 64], sizes = [512, 16], strides = [1, 1]} : vector<512x128xf32> to vector<512x16xf32>
    %broadcast_in_dim3A_709 = vector.shape_cast %eq3A_707 : vector<512x1xi1> to vector<512x1xi1>
    %broadcast_in_dim3A_710 = vector.broadcast %broadcast_in_dim3A_709 : vector<512x1xi1> to vector<512x16xi1>
    %select_n3A_711 = arith.select %broadcast_in_dim3A_710, %slice3A_708, %select_n3A_704 : vector<512x16xi1>, vector<512x16xf32>
    %eq3A_712 = arith.constant 3 : i32
    %eq3A_713 = vector.broadcast %eq3A_712 : i32 to vector<512x1xi32>
    %eq3A_714 = arith.cmpi eq, %get3A_689, %eq3A_713 : vector<512x1xi32>
    %slice3A_715 = vector.extract_strided_slice %get3A_686 {offsets = [0, 48], sizes = [512, 16], strides = [1, 1]} : vector<512x128xf32> to vector<512x16xf32>
    %broadcast_in_dim3A_716 = vector.shape_cast %eq3A_714 : vector<512x1xi1> to vector<512x1xi1>
    %broadcast_in_dim3A_717 = vector.broadcast %broadcast_in_dim3A_716 : vector<512x1xi1> to vector<512x16xi1>
    %select_n3A_718 = arith.select %broadcast_in_dim3A_717, %slice3A_715, %select_n3A_711 : vector<512x16xi1>, vector<512x16xf32>
    %eq3A_719 = arith.constant 2 : i32
    %eq3A_720 = vector.broadcast %eq3A_719 : i32 to vector<512x1xi32>
    %eq3A_721 = arith.cmpi eq, %get3A_689, %eq3A_720 : vector<512x1xi32>
    %slice3A_722 = vector.extract_strided_slice %get3A_686 {offsets = [0, 32], sizes = [512, 16], strides = [1, 1]} : vector<512x128xf32> to vector<512x16xf32>
    %broadcast_in_dim3A_723 = vector.shape_cast %eq3A_721 : vector<512x1xi1> to vector<512x1xi1>
    %broadcast_in_dim3A_724 = vector.broadcast %broadcast_in_dim3A_723 : vector<512x1xi1> to vector<512x16xi1>
    %select_n3A_725 = arith.select %broadcast_in_dim3A_724, %slice3A_722, %select_n3A_718 : vector<512x16xi1>, vector<512x16xf32>
    %eq3A_726 = arith.constant 1 : i32
    %eq3A_727 = vector.broadcast %eq3A_726 : i32 to vector<512x1xi32>
    %eq3A_728 = arith.cmpi eq, %get3A_689, %eq3A_727 : vector<512x1xi32>
    %slice3A_729 = vector.extract_strided_slice %get3A_686 {offsets = [0, 16], sizes = [512, 16], strides = [1, 1]} : vector<512x128xf32> to vector<512x16xf32>
    %broadcast_in_dim3A_730 = vector.shape_cast %eq3A_728 : vector<512x1xi1> to vector<512x1xi1>
    %broadcast_in_dim3A_731 = vector.broadcast %broadcast_in_dim3A_730 : vector<512x1xi1> to vector<512x16xi1>
    %select_n3A_732 = arith.select %broadcast_in_dim3A_731, %slice3A_729, %select_n3A_725 : vector<512x16xi1>, vector<512x16xf32>
    %eq3A_733 = arith.constant 0 : i32
    %eq3A_734 = vector.broadcast %eq3A_733 : i32 to vector<512x1xi32>
    %eq3A_735 = arith.cmpi eq, %get3A_689, %eq3A_734 : vector<512x1xi32>
    %slice3A_736 = vector.extract_strided_slice %get3A_686 {offsets = [0, 0], sizes = [512, 16], strides = [1, 1]} : vector<512x128xf32> to vector<512x16xf32>
    %broadcast_in_dim3A_737 = vector.shape_cast %eq3A_735 : vector<512x1xi1> to vector<512x1xi1>
    %broadcast_in_dim3A_738 = vector.broadcast %broadcast_in_dim3A_737 : vector<512x1xi1> to vector<512x16xi1>
    %select_n3A_739 = arith.select %broadcast_in_dim3A_738, %slice3A_736, %select_n3A_732 : vector<512x16xi1>, vector<512x16xf32>
    %dot_general3A_740 = arith.constant dense<0.000000e+00> : vector<512x64xf32>
    %dot_general3A_741 = tpu.matmul %select_n3A_739, %get3A_1, %dot_general3A_740 {dimension_numbers = #tpu.dot_dimension_numbers<[1], [0], [0], [1], [0, 0, 1, 1], [], []>, transpose_lhs_hint = false} : vector<512x16xf32>, vector<16x64xf32>, vector<512x64xf32> -> vector<512x64xf32>
    %add3A_742 = vector.broadcast %get3A_4 : vector<1x64xf32> to vector<512x64xf32>
    %add3A_743 = arith.addf %dot_general3A_741, %add3A_742 : vector<512x64xf32>
    %max3A_744 = arith.constant 0.000000e+00 : f32
    %max3A_745 = vector.broadcast %max3A_744 : f32 to vector<512x64xf32>
    %max3A_746 = arith.maximumf %add3A_743, %max3A_745 : vector<512x64xf32>
    %dot_general3A_747 = arith.constant dense<0.000000e+00> : vector<512x128xf32>
    %dot_general3A_748 = tpu.matmul %max3A_746, %get3A_7, %dot_general3A_747 {dimension_numbers = #tpu.dot_dimension_numbers<[1], [0], [0], [1], [0, 0, 1, 1], [], []>, transpose_lhs_hint = false} : vector<512x64xf32>, vector<64x128xf32>, vector<512x128xf32> -> vector<512x128xf32>
    %add3A_749 = vector.broadcast %get3A_10 : vector<1x128xf32> to vector<512x128xf32>
    %add3A_750 = arith.addf %dot_general3A_748, %add3A_749 : vector<512x128xf32>
    %max3A_751 = arith.constant 0.000000e+00 : f32
    %max3A_752 = vector.broadcast %max3A_751 : f32 to vector<512x128xf32>
    %max3A_753 = arith.maximumf %add3A_750, %max3A_752 : vector<512x128xf32>
    %dot_general3A_754 = arith.constant dense<0.000000e+00> : vector<512x128xf32>
    %dot_general3A_755 = tpu.matmul %max3A_753, %get3A_13, %dot_general3A_754 {dimension_numbers = #tpu.dot_dimension_numbers<[1], [0], [0], [1], [0, 0, 1, 1], [], []>, transpose_lhs_hint = false} : vector<512x128xf32>, vector<128x128xf32>, vector<512x128xf32> -> vector<512x128xf32>
    %add3A_756 = vector.broadcast %get3A_16 : vector<1x128xf32> to vector<512x128xf32>
    %add3A_757 = arith.addf %dot_general3A_755, %add3A_756 : vector<512x128xf32>
    %max3A_758 = arith.maximumf %max3A_683, %add3A_757 : vector<512x128xf32>
    %get3A_759 = arith.constant 5120 : index
    %get3A_760 = arith.constant 0 : index
    %get3A_761 = vector.load %arg0[%get3A_759, %get3A_760] : memref<8192x128xf32, #tpu.memory_space<vmem>>, vector<512x128xf32>
    %get3A_762 = arith.constant 5120 : index
    %get3A_763 = arith.constant 0 : index
    %get3A_764 = vector.load %arg1[%get3A_762, %get3A_763] : memref<8192x1xi32, #tpu.memory_space<vmem>>, vector<512x1xi32>
    %slice3A_765 = vector.extract_strided_slice %get3A_761 {offsets = [0, 112], sizes = [512, 16], strides = [1, 1]} : vector<512x128xf32> to vector<512x16xf32>
    %eq3A_766 = arith.constant 6 : i32
    %eq3A_767 = vector.broadcast %eq3A_766 : i32 to vector<512x1xi32>
    %eq3A_768 = arith.cmpi eq, %get3A_764, %eq3A_767 : vector<512x1xi32>
    %slice3A_769 = vector.extract_strided_slice %get3A_761 {offsets = [0, 96], sizes = [512, 16], strides = [1, 1]} : vector<512x128xf32> to vector<512x16xf32>
    %broadcast_in_dim3A_770 = vector.shape_cast %eq3A_768 : vector<512x1xi1> to vector<512x1xi1>
    %broadcast_in_dim3A_771 = vector.broadcast %broadcast_in_dim3A_770 : vector<512x1xi1> to vector<512x16xi1>
    %select_n3A_772 = arith.select %broadcast_in_dim3A_771, %slice3A_769, %slice3A_765 : vector<512x16xi1>, vector<512x16xf32>
    %eq3A_773 = arith.constant 5 : i32
    %eq3A_774 = vector.broadcast %eq3A_773 : i32 to vector<512x1xi32>
    %eq3A_775 = arith.cmpi eq, %get3A_764, %eq3A_774 : vector<512x1xi32>
    %slice3A_776 = vector.extract_strided_slice %get3A_761 {offsets = [0, 80], sizes = [512, 16], strides = [1, 1]} : vector<512x128xf32> to vector<512x16xf32>
    %broadcast_in_dim3A_777 = vector.shape_cast %eq3A_775 : vector<512x1xi1> to vector<512x1xi1>
    %broadcast_in_dim3A_778 = vector.broadcast %broadcast_in_dim3A_777 : vector<512x1xi1> to vector<512x16xi1>
    %select_n3A_779 = arith.select %broadcast_in_dim3A_778, %slice3A_776, %select_n3A_772 : vector<512x16xi1>, vector<512x16xf32>
    %eq3A_780 = arith.constant 4 : i32
    %eq3A_781 = vector.broadcast %eq3A_780 : i32 to vector<512x1xi32>
    %eq3A_782 = arith.cmpi eq, %get3A_764, %eq3A_781 : vector<512x1xi32>
    %slice3A_783 = vector.extract_strided_slice %get3A_761 {offsets = [0, 64], sizes = [512, 16], strides = [1, 1]} : vector<512x128xf32> to vector<512x16xf32>
    %broadcast_in_dim3A_784 = vector.shape_cast %eq3A_782 : vector<512x1xi1> to vector<512x1xi1>
    %broadcast_in_dim3A_785 = vector.broadcast %broadcast_in_dim3A_784 : vector<512x1xi1> to vector<512x16xi1>
    %select_n3A_786 = arith.select %broadcast_in_dim3A_785, %slice3A_783, %select_n3A_779 : vector<512x16xi1>, vector<512x16xf32>
    %eq3A_787 = arith.constant 3 : i32
    %eq3A_788 = vector.broadcast %eq3A_787 : i32 to vector<512x1xi32>
    %eq3A_789 = arith.cmpi eq, %get3A_764, %eq3A_788 : vector<512x1xi32>
    %slice3A_790 = vector.extract_strided_slice %get3A_761 {offsets = [0, 48], sizes = [512, 16], strides = [1, 1]} : vector<512x128xf32> to vector<512x16xf32>
    %broadcast_in_dim3A_791 = vector.shape_cast %eq3A_789 : vector<512x1xi1> to vector<512x1xi1>
    %broadcast_in_dim3A_792 = vector.broadcast %broadcast_in_dim3A_791 : vector<512x1xi1> to vector<512x16xi1>
    %select_n3A_793 = arith.select %broadcast_in_dim3A_792, %slice3A_790, %select_n3A_786 : vector<512x16xi1>, vector<512x16xf32>
    %eq3A_794 = arith.constant 2 : i32
    %eq3A_795 = vector.broadcast %eq3A_794 : i32 to vector<512x1xi32>
    %eq3A_796 = arith.cmpi eq, %get3A_764, %eq3A_795 : vector<512x1xi32>
    %slice3A_797 = vector.extract_strided_slice %get3A_761 {offsets = [0, 32], sizes = [512, 16], strides = [1, 1]} : vector<512x128xf32> to vector<512x16xf32>
    %broadcast_in_dim3A_798 = vector.shape_cast %eq3A_796 : vector<512x1xi1> to vector<512x1xi1>
    %broadcast_in_dim3A_799 = vector.broadcast %broadcast_in_dim3A_798 : vector<512x1xi1> to vector<512x16xi1>
    %select_n3A_800 = arith.select %broadcast_in_dim3A_799, %slice3A_797, %select_n3A_793 : vector<512x16xi1>, vector<512x16xf32>
    %eq3A_801 = arith.constant 1 : i32
    %eq3A_802 = vector.broadcast %eq3A_801 : i32 to vector<512x1xi32>
    %eq3A_803 = arith.cmpi eq, %get3A_764, %eq3A_802 : vector<512x1xi32>
    %slice3A_804 = vector.extract_strided_slice %get3A_761 {offsets = [0, 16], sizes = [512, 16], strides = [1, 1]} : vector<512x128xf32> to vector<512x16xf32>
    %broadcast_in_dim3A_805 = vector.shape_cast %eq3A_803 : vector<512x1xi1> to vector<512x1xi1>
    %broadcast_in_dim3A_806 = vector.broadcast %broadcast_in_dim3A_805 : vector<512x1xi1> to vector<512x16xi1>
    %select_n3A_807 = arith.select %broadcast_in_dim3A_806, %slice3A_804, %select_n3A_800 : vector<512x16xi1>, vector<512x16xf32>
    %eq3A_808 = arith.constant 0 : i32
    %eq3A_809 = vector.broadcast %eq3A_808 : i32 to vector<512x1xi32>
    %eq3A_810 = arith.cmpi eq, %get3A_764, %eq3A_809 : vector<512x1xi32>
    %slice3A_811 = vector.extract_strided_slice %get3A_761 {offsets = [0, 0], sizes = [512, 16], strides = [1, 1]} : vector<512x128xf32> to vector<512x16xf32>
    %broadcast_in_dim3A_812 = vector.shape_cast %eq3A_810 : vector<512x1xi1> to vector<512x1xi1>
    %broadcast_in_dim3A_813 = vector.broadcast %broadcast_in_dim3A_812 : vector<512x1xi1> to vector<512x16xi1>
    %select_n3A_814 = arith.select %broadcast_in_dim3A_813, %slice3A_811, %select_n3A_807 : vector<512x16xi1>, vector<512x16xf32>
    %dot_general3A_815 = arith.constant dense<0.000000e+00> : vector<512x64xf32>
    %dot_general3A_816 = tpu.matmul %select_n3A_814, %get3A_1, %dot_general3A_815 {dimension_numbers = #tpu.dot_dimension_numbers<[1], [0], [0], [1], [0, 0, 1, 1], [], []>, transpose_lhs_hint = false} : vector<512x16xf32>, vector<16x64xf32>, vector<512x64xf32> -> vector<512x64xf32>
    %add3A_817 = vector.broadcast %get3A_4 : vector<1x64xf32> to vector<512x64xf32>
    %add3A_818 = arith.addf %dot_general3A_816, %add3A_817 : vector<512x64xf32>
    %max3A_819 = arith.constant 0.000000e+00 : f32
    %max3A_820 = vector.broadcast %max3A_819 : f32 to vector<512x64xf32>
    %max3A_821 = arith.maximumf %add3A_818, %max3A_820 : vector<512x64xf32>
    %dot_general3A_822 = arith.constant dense<0.000000e+00> : vector<512x128xf32>
    %dot_general3A_823 = tpu.matmul %max3A_821, %get3A_7, %dot_general3A_822 {dimension_numbers = #tpu.dot_dimension_numbers<[1], [0], [0], [1], [0, 0, 1, 1], [], []>, transpose_lhs_hint = false} : vector<512x64xf32>, vector<64x128xf32>, vector<512x128xf32> -> vector<512x128xf32>
    %add3A_824 = vector.broadcast %get3A_10 : vector<1x128xf32> to vector<512x128xf32>
    %add3A_825 = arith.addf %dot_general3A_823, %add3A_824 : vector<512x128xf32>
    %max3A_826 = arith.constant 0.000000e+00 : f32
    %max3A_827 = vector.broadcast %max3A_826 : f32 to vector<512x128xf32>
    %max3A_828 = arith.maximumf %add3A_825, %max3A_827 : vector<512x128xf32>
    %dot_general3A_829 = arith.constant dense<0.000000e+00> : vector<512x128xf32>
    %dot_general3A_830 = tpu.matmul %max3A_828, %get3A_13, %dot_general3A_829 {dimension_numbers = #tpu.dot_dimension_numbers<[1], [0], [0], [1], [0, 0, 1, 1], [], []>, transpose_lhs_hint = false} : vector<512x128xf32>, vector<128x128xf32>, vector<512x128xf32> -> vector<512x128xf32>
    %add3A_831 = vector.broadcast %get3A_16 : vector<1x128xf32> to vector<512x128xf32>
    %add3A_832 = arith.addf %dot_general3A_830, %add3A_831 : vector<512x128xf32>
    %max3A_833 = arith.maximumf %max3A_758, %add3A_832 : vector<512x128xf32>
    %get3A_834 = arith.constant 5632 : index
    %get3A_835 = arith.constant 0 : index
    %get3A_836 = vector.load %arg0[%get3A_834, %get3A_835] : memref<8192x128xf32, #tpu.memory_space<vmem>>, vector<512x128xf32>
    %get3A_837 = arith.constant 5632 : index
    %get3A_838 = arith.constant 0 : index
    %get3A_839 = vector.load %arg1[%get3A_837, %get3A_838] : memref<8192x1xi32, #tpu.memory_space<vmem>>, vector<512x1xi32>
    %slice3A_840 = vector.extract_strided_slice %get3A_836 {offsets = [0, 112], sizes = [512, 16], strides = [1, 1]} : vector<512x128xf32> to vector<512x16xf32>
    %eq3A_841 = arith.constant 6 : i32
    %eq3A_842 = vector.broadcast %eq3A_841 : i32 to vector<512x1xi32>
    %eq3A_843 = arith.cmpi eq, %get3A_839, %eq3A_842 : vector<512x1xi32>
    %slice3A_844 = vector.extract_strided_slice %get3A_836 {offsets = [0, 96], sizes = [512, 16], strides = [1, 1]} : vector<512x128xf32> to vector<512x16xf32>
    %broadcast_in_dim3A_845 = vector.shape_cast %eq3A_843 : vector<512x1xi1> to vector<512x1xi1>
    %broadcast_in_dim3A_846 = vector.broadcast %broadcast_in_dim3A_845 : vector<512x1xi1> to vector<512x16xi1>
    %select_n3A_847 = arith.select %broadcast_in_dim3A_846, %slice3A_844, %slice3A_840 : vector<512x16xi1>, vector<512x16xf32>
    %eq3A_848 = arith.constant 5 : i32
    %eq3A_849 = vector.broadcast %eq3A_848 : i32 to vector<512x1xi32>
    %eq3A_850 = arith.cmpi eq, %get3A_839, %eq3A_849 : vector<512x1xi32>
    %slice3A_851 = vector.extract_strided_slice %get3A_836 {offsets = [0, 80], sizes = [512, 16], strides = [1, 1]} : vector<512x128xf32> to vector<512x16xf32>
    %broadcast_in_dim3A_852 = vector.shape_cast %eq3A_850 : vector<512x1xi1> to vector<512x1xi1>
    %broadcast_in_dim3A_853 = vector.broadcast %broadcast_in_dim3A_852 : vector<512x1xi1> to vector<512x16xi1>
    %select_n3A_854 = arith.select %broadcast_in_dim3A_853, %slice3A_851, %select_n3A_847 : vector<512x16xi1>, vector<512x16xf32>
    %eq3A_855 = arith.constant 4 : i32
    %eq3A_856 = vector.broadcast %eq3A_855 : i32 to vector<512x1xi32>
    %eq3A_857 = arith.cmpi eq, %get3A_839, %eq3A_856 : vector<512x1xi32>
    %slice3A_858 = vector.extract_strided_slice %get3A_836 {offsets = [0, 64], sizes = [512, 16], strides = [1, 1]} : vector<512x128xf32> to vector<512x16xf32>
    %broadcast_in_dim3A_859 = vector.shape_cast %eq3A_857 : vector<512x1xi1> to vector<512x1xi1>
    %broadcast_in_dim3A_860 = vector.broadcast %broadcast_in_dim3A_859 : vector<512x1xi1> to vector<512x16xi1>
    %select_n3A_861 = arith.select %broadcast_in_dim3A_860, %slice3A_858, %select_n3A_854 : vector<512x16xi1>, vector<512x16xf32>
    %eq3A_862 = arith.constant 3 : i32
    %eq3A_863 = vector.broadcast %eq3A_862 : i32 to vector<512x1xi32>
    %eq3A_864 = arith.cmpi eq, %get3A_839, %eq3A_863 : vector<512x1xi32>
    %slice3A_865 = vector.extract_strided_slice %get3A_836 {offsets = [0, 48], sizes = [512, 16], strides = [1, 1]} : vector<512x128xf32> to vector<512x16xf32>
    %broadcast_in_dim3A_866 = vector.shape_cast %eq3A_864 : vector<512x1xi1> to vector<512x1xi1>
    %broadcast_in_dim3A_867 = vector.broadcast %broadcast_in_dim3A_866 : vector<512x1xi1> to vector<512x16xi1>
    %select_n3A_868 = arith.select %broadcast_in_dim3A_867, %slice3A_865, %select_n3A_861 : vector<512x16xi1>, vector<512x16xf32>
    %eq3A_869 = arith.constant 2 : i32
    %eq3A_870 = vector.broadcast %eq3A_869 : i32 to vector<512x1xi32>
    %eq3A_871 = arith.cmpi eq, %get3A_839, %eq3A_870 : vector<512x1xi32>
    %slice3A_872 = vector.extract_strided_slice %get3A_836 {offsets = [0, 32], sizes = [512, 16], strides = [1, 1]} : vector<512x128xf32> to vector<512x16xf32>
    %broadcast_in_dim3A_873 = vector.shape_cast %eq3A_871 : vector<512x1xi1> to vector<512x1xi1>
    %broadcast_in_dim3A_874 = vector.broadcast %broadcast_in_dim3A_873 : vector<512x1xi1> to vector<512x16xi1>
    %select_n3A_875 = arith.select %broadcast_in_dim3A_874, %slice3A_872, %select_n3A_868 : vector<512x16xi1>, vector<512x16xf32>
    %eq3A_876 = arith.constant 1 : i32
    %eq3A_877 = vector.broadcast %eq3A_876 : i32 to vector<512x1xi32>
    %eq3A_878 = arith.cmpi eq, %get3A_839, %eq3A_877 : vector<512x1xi32>
    %slice3A_879 = vector.extract_strided_slice %get3A_836 {offsets = [0, 16], sizes = [512, 16], strides = [1, 1]} : vector<512x128xf32> to vector<512x16xf32>
    %broadcast_in_dim3A_880 = vector.shape_cast %eq3A_878 : vector<512x1xi1> to vector<512x1xi1>
    %broadcast_in_dim3A_881 = vector.broadcast %broadcast_in_dim3A_880 : vector<512x1xi1> to vector<512x16xi1>
    %select_n3A_882 = arith.select %broadcast_in_dim3A_881, %slice3A_879, %select_n3A_875 : vector<512x16xi1>, vector<512x16xf32>
    %eq3A_883 = arith.constant 0 : i32
    %eq3A_884 = vector.broadcast %eq3A_883 : i32 to vector<512x1xi32>
    %eq3A_885 = arith.cmpi eq, %get3A_839, %eq3A_884 : vector<512x1xi32>
    %slice3A_886 = vector.extract_strided_slice %get3A_836 {offsets = [0, 0], sizes = [512, 16], strides = [1, 1]} : vector<512x128xf32> to vector<512x16xf32>
    %broadcast_in_dim3A_887 = vector.shape_cast %eq3A_885 : vector<512x1xi1> to vector<512x1xi1>
    %broadcast_in_dim3A_888 = vector.broadcast %broadcast_in_dim3A_887 : vector<512x1xi1> to vector<512x16xi1>
    %select_n3A_889 = arith.select %broadcast_in_dim3A_888, %slice3A_886, %select_n3A_882 : vector<512x16xi1>, vector<512x16xf32>
    %dot_general3A_890 = arith.constant dense<0.000000e+00> : vector<512x64xf32>
    %dot_general3A_891 = tpu.matmul %select_n3A_889, %get3A_1, %dot_general3A_890 {dimension_numbers = #tpu.dot_dimension_numbers<[1], [0], [0], [1], [0, 0, 1, 1], [], []>, transpose_lhs_hint = false} : vector<512x16xf32>, vector<16x64xf32>, vector<512x64xf32> -> vector<512x64xf32>
    %add3A_892 = vector.broadcast %get3A_4 : vector<1x64xf32> to vector<512x64xf32>
    %add3A_893 = arith.addf %dot_general3A_891, %add3A_892 : vector<512x64xf32>
    %max3A_894 = arith.constant 0.000000e+00 : f32
    %max3A_895 = vector.broadcast %max3A_894 : f32 to vector<512x64xf32>
    %max3A_896 = arith.maximumf %add3A_893, %max3A_895 : vector<512x64xf32>
    %dot_general3A_897 = arith.constant dense<0.000000e+00> : vector<512x128xf32>
    %dot_general3A_898 = tpu.matmul %max3A_896, %get3A_7, %dot_general3A_897 {dimension_numbers = #tpu.dot_dimension_numbers<[1], [0], [0], [1], [0, 0, 1, 1], [], []>, transpose_lhs_hint = false} : vector<512x64xf32>, vector<64x128xf32>, vector<512x128xf32> -> vector<512x128xf32>
    %add3A_899 = vector.broadcast %get3A_10 : vector<1x128xf32> to vector<512x128xf32>
    %add3A_900 = arith.addf %dot_general3A_898, %add3A_899 : vector<512x128xf32>
    %max3A_901 = arith.constant 0.000000e+00 : f32
    %max3A_902 = vector.broadcast %max3A_901 : f32 to vector<512x128xf32>
    %max3A_903 = arith.maximumf %add3A_900, %max3A_902 : vector<512x128xf32>
    %dot_general3A_904 = arith.constant dense<0.000000e+00> : vector<512x128xf32>
    %dot_general3A_905 = tpu.matmul %max3A_903, %get3A_13, %dot_general3A_904 {dimension_numbers = #tpu.dot_dimension_numbers<[1], [0], [0], [1], [0, 0, 1, 1], [], []>, transpose_lhs_hint = false} : vector<512x128xf32>, vector<128x128xf32>, vector<512x128xf32> -> vector<512x128xf32>
    %add3A_906 = vector.broadcast %get3A_16 : vector<1x128xf32> to vector<512x128xf32>
    %add3A_907 = arith.addf %dot_general3A_905, %add3A_906 : vector<512x128xf32>
    %max3A_908 = arith.maximumf %max3A_833, %add3A_907 : vector<512x128xf32>
    %get3A_909 = arith.constant 6144 : index
    %get3A_910 = arith.constant 0 : index
    %get3A_911 = vector.load %arg0[%get3A_909, %get3A_910] : memref<8192x128xf32, #tpu.memory_space<vmem>>, vector<512x128xf32>
    %get3A_912 = arith.constant 6144 : index
    %get3A_913 = arith.constant 0 : index
    %get3A_914 = vector.load %arg1[%get3A_912, %get3A_913] : memref<8192x1xi32, #tpu.memory_space<vmem>>, vector<512x1xi32>
    %slice3A_915 = vector.extract_strided_slice %get3A_911 {offsets = [0, 112], sizes = [512, 16], strides = [1, 1]} : vector<512x128xf32> to vector<512x16xf32>
    %eq3A_916 = arith.constant 6 : i32
    %eq3A_917 = vector.broadcast %eq3A_916 : i32 to vector<512x1xi32>
    %eq3A_918 = arith.cmpi eq, %get3A_914, %eq3A_917 : vector<512x1xi32>
    %slice3A_919 = vector.extract_strided_slice %get3A_911 {offsets = [0, 96], sizes = [512, 16], strides = [1, 1]} : vector<512x128xf32> to vector<512x16xf32>
    %broadcast_in_dim3A_920 = vector.shape_cast %eq3A_918 : vector<512x1xi1> to vector<512x1xi1>
    %broadcast_in_dim3A_921 = vector.broadcast %broadcast_in_dim3A_920 : vector<512x1xi1> to vector<512x16xi1>
    %select_n3A_922 = arith.select %broadcast_in_dim3A_921, %slice3A_919, %slice3A_915 : vector<512x16xi1>, vector<512x16xf32>
    %eq3A_923 = arith.constant 5 : i32
    %eq3A_924 = vector.broadcast %eq3A_923 : i32 to vector<512x1xi32>
    %eq3A_925 = arith.cmpi eq, %get3A_914, %eq3A_924 : vector<512x1xi32>
    %slice3A_926 = vector.extract_strided_slice %get3A_911 {offsets = [0, 80], sizes = [512, 16], strides = [1, 1]} : vector<512x128xf32> to vector<512x16xf32>
    %broadcast_in_dim3A_927 = vector.shape_cast %eq3A_925 : vector<512x1xi1> to vector<512x1xi1>
    %broadcast_in_dim3A_928 = vector.broadcast %broadcast_in_dim3A_927 : vector<512x1xi1> to vector<512x16xi1>
    %select_n3A_929 = arith.select %broadcast_in_dim3A_928, %slice3A_926, %select_n3A_922 : vector<512x16xi1>, vector<512x16xf32>
    %eq3A_930 = arith.constant 4 : i32
    %eq3A_931 = vector.broadcast %eq3A_930 : i32 to vector<512x1xi32>
    %eq3A_932 = arith.cmpi eq, %get3A_914, %eq3A_931 : vector<512x1xi32>
    %slice3A_933 = vector.extract_strided_slice %get3A_911 {offsets = [0, 64], sizes = [512, 16], strides = [1, 1]} : vector<512x128xf32> to vector<512x16xf32>
    %broadcast_in_dim3A_934 = vector.shape_cast %eq3A_932 : vector<512x1xi1> to vector<512x1xi1>
    %broadcast_in_dim3A_935 = vector.broadcast %broadcast_in_dim3A_934 : vector<512x1xi1> to vector<512x16xi1>
    %select_n3A_936 = arith.select %broadcast_in_dim3A_935, %slice3A_933, %select_n3A_929 : vector<512x16xi1>, vector<512x16xf32>
    %eq3A_937 = arith.constant 3 : i32
    %eq3A_938 = vector.broadcast %eq3A_937 : i32 to vector<512x1xi32>
    %eq3A_939 = arith.cmpi eq, %get3A_914, %eq3A_938 : vector<512x1xi32>
    %slice3A_940 = vector.extract_strided_slice %get3A_911 {offsets = [0, 48], sizes = [512, 16], strides = [1, 1]} : vector<512x128xf32> to vector<512x16xf32>
    %broadcast_in_dim3A_941 = vector.shape_cast %eq3A_939 : vector<512x1xi1> to vector<512x1xi1>
    %broadcast_in_dim3A_942 = vector.broadcast %broadcast_in_dim3A_941 : vector<512x1xi1> to vector<512x16xi1>
    %select_n3A_943 = arith.select %broadcast_in_dim3A_942, %slice3A_940, %select_n3A_936 : vector<512x16xi1>, vector<512x16xf32>
    %eq3A_944 = arith.constant 2 : i32
    %eq3A_945 = vector.broadcast %eq3A_944 : i32 to vector<512x1xi32>
    %eq3A_946 = arith.cmpi eq, %get3A_914, %eq3A_945 : vector<512x1xi32>
    %slice3A_947 = vector.extract_strided_slice %get3A_911 {offsets = [0, 32], sizes = [512, 16], strides = [1, 1]} : vector<512x128xf32> to vector<512x16xf32>
    %broadcast_in_dim3A_948 = vector.shape_cast %eq3A_946 : vector<512x1xi1> to vector<512x1xi1>
    %broadcast_in_dim3A_949 = vector.broadcast %broadcast_in_dim3A_948 : vector<512x1xi1> to vector<512x16xi1>
    %select_n3A_950 = arith.select %broadcast_in_dim3A_949, %slice3A_947, %select_n3A_943 : vector<512x16xi1>, vector<512x16xf32>
    %eq3A_951 = arith.constant 1 : i32
    %eq3A_952 = vector.broadcast %eq3A_951 : i32 to vector<512x1xi32>
    %eq3A_953 = arith.cmpi eq, %get3A_914, %eq3A_952 : vector<512x1xi32>
    %slice3A_954 = vector.extract_strided_slice %get3A_911 {offsets = [0, 16], sizes = [512, 16], strides = [1, 1]} : vector<512x128xf32> to vector<512x16xf32>
    %broadcast_in_dim3A_955 = vector.shape_cast %eq3A_953 : vector<512x1xi1> to vector<512x1xi1>
    %broadcast_in_dim3A_956 = vector.broadcast %broadcast_in_dim3A_955 : vector<512x1xi1> to vector<512x16xi1>
    %select_n3A_957 = arith.select %broadcast_in_dim3A_956, %slice3A_954, %select_n3A_950 : vector<512x16xi1>, vector<512x16xf32>
    %eq3A_958 = arith.constant 0 : i32
    %eq3A_959 = vector.broadcast %eq3A_958 : i32 to vector<512x1xi32>
    %eq3A_960 = arith.cmpi eq, %get3A_914, %eq3A_959 : vector<512x1xi32>
    %slice3A_961 = vector.extract_strided_slice %get3A_911 {offsets = [0, 0], sizes = [512, 16], strides = [1, 1]} : vector<512x128xf32> to vector<512x16xf32>
    %broadcast_in_dim3A_962 = vector.shape_cast %eq3A_960 : vector<512x1xi1> to vector<512x1xi1>
    %broadcast_in_dim3A_963 = vector.broadcast %broadcast_in_dim3A_962 : vector<512x1xi1> to vector<512x16xi1>
    %select_n3A_964 = arith.select %broadcast_in_dim3A_963, %slice3A_961, %select_n3A_957 : vector<512x16xi1>, vector<512x16xf32>
    %dot_general3A_965 = arith.constant dense<0.000000e+00> : vector<512x64xf32>
    %dot_general3A_966 = tpu.matmul %select_n3A_964, %get3A_1, %dot_general3A_965 {dimension_numbers = #tpu.dot_dimension_numbers<[1], [0], [0], [1], [0, 0, 1, 1], [], []>, transpose_lhs_hint = false} : vector<512x16xf32>, vector<16x64xf32>, vector<512x64xf32> -> vector<512x64xf32>
    %add3A_967 = vector.broadcast %get3A_4 : vector<1x64xf32> to vector<512x64xf32>
    %add3A_968 = arith.addf %dot_general3A_966, %add3A_967 : vector<512x64xf32>
    %max3A_969 = arith.constant 0.000000e+00 : f32
    %max3A_970 = vector.broadcast %max3A_969 : f32 to vector<512x64xf32>
    %max3A_971 = arith.maximumf %add3A_968, %max3A_970 : vector<512x64xf32>
    %dot_general3A_972 = arith.constant dense<0.000000e+00> : vector<512x128xf32>
    %dot_general3A_973 = tpu.matmul %max3A_971, %get3A_7, %dot_general3A_972 {dimension_numbers = #tpu.dot_dimension_numbers<[1], [0], [0], [1], [0, 0, 1, 1], [], []>, transpose_lhs_hint = false} : vector<512x64xf32>, vector<64x128xf32>, vector<512x128xf32> -> vector<512x128xf32>
    %add3A_974 = vector.broadcast %get3A_10 : vector<1x128xf32> to vector<512x128xf32>
    %add3A_975 = arith.addf %dot_general3A_973, %add3A_974 : vector<512x128xf32>
    %max3A_976 = arith.constant 0.000000e+00 : f32
    %max3A_977 = vector.broadcast %max3A_976 : f32 to vector<512x128xf32>
    %max3A_978 = arith.maximumf %add3A_975, %max3A_977 : vector<512x128xf32>
    %dot_general3A_979 = arith.constant dense<0.000000e+00> : vector<512x128xf32>
    %dot_general3A_980 = tpu.matmul %max3A_978, %get3A_13, %dot_general3A_979 {dimension_numbers = #tpu.dot_dimension_numbers<[1], [0], [0], [1], [0, 0, 1, 1], [], []>, transpose_lhs_hint = false} : vector<512x128xf32>, vector<128x128xf32>, vector<512x128xf32> -> vector<512x128xf32>
    %add3A_981 = vector.broadcast %get3A_16 : vector<1x128xf32> to vector<512x128xf32>
    %add3A_982 = arith.addf %dot_general3A_980, %add3A_981 : vector<512x128xf32>
    %max3A_983 = arith.maximumf %max3A_908, %add3A_982 : vector<512x128xf32>
    %get3A_984 = arith.constant 6656 : index
    %get3A_985 = arith.constant 0 : index
    %get3A_986 = vector.load %arg0[%get3A_984, %get3A_985] : memref<8192x128xf32, #tpu.memory_space<vmem>>, vector<512x128xf32>
    %get3A_987 = arith.constant 6656 : index
    %get3A_988 = arith.constant 0 : index
    %get3A_989 = vector.load %arg1[%get3A_987, %get3A_988] : memref<8192x1xi32, #tpu.memory_space<vmem>>, vector<512x1xi32>
    %slice3A_990 = vector.extract_strided_slice %get3A_986 {offsets = [0, 112], sizes = [512, 16], strides = [1, 1]} : vector<512x128xf32> to vector<512x16xf32>
    %eq3A_991 = arith.constant 6 : i32
    %eq3A_992 = vector.broadcast %eq3A_991 : i32 to vector<512x1xi32>
    %eq3A_993 = arith.cmpi eq, %get3A_989, %eq3A_992 : vector<512x1xi32>
    %slice3A_994 = vector.extract_strided_slice %get3A_986 {offsets = [0, 96], sizes = [512, 16], strides = [1, 1]} : vector<512x128xf32> to vector<512x16xf32>
    %broadcast_in_dim3A_995 = vector.shape_cast %eq3A_993 : vector<512x1xi1> to vector<512x1xi1>
    %broadcast_in_dim3A_996 = vector.broadcast %broadcast_in_dim3A_995 : vector<512x1xi1> to vector<512x16xi1>
    %select_n3A_997 = arith.select %broadcast_in_dim3A_996, %slice3A_994, %slice3A_990 : vector<512x16xi1>, vector<512x16xf32>
    %eq3A_998 = arith.constant 5 : i32
    %eq3A_999 = vector.broadcast %eq3A_998 : i32 to vector<512x1xi32>
    %eq3A_1000 = arith.cmpi eq, %get3A_989, %eq3A_999 : vector<512x1xi32>
    %slice3A_1001 = vector.extract_strided_slice %get3A_986 {offsets = [0, 80], sizes = [512, 16], strides = [1, 1]} : vector<512x128xf32> to vector<512x16xf32>
    %broadcast_in_dim3A_1002 = vector.shape_cast %eq3A_1000 : vector<512x1xi1> to vector<512x1xi1>
    %broadcast_in_dim3A_1003 = vector.broadcast %broadcast_in_dim3A_1002 : vector<512x1xi1> to vector<512x16xi1>
    %select_n3A_1004 = arith.select %broadcast_in_dim3A_1003, %slice3A_1001, %select_n3A_997 : vector<512x16xi1>, vector<512x16xf32>
    %eq3A_1005 = arith.constant 4 : i32
    %eq3A_1006 = vector.broadcast %eq3A_1005 : i32 to vector<512x1xi32>
    %eq3A_1007 = arith.cmpi eq, %get3A_989, %eq3A_1006 : vector<512x1xi32>
    %slice3A_1008 = vector.extract_strided_slice %get3A_986 {offsets = [0, 64], sizes = [512, 16], strides = [1, 1]} : vector<512x128xf32> to vector<512x16xf32>
    %broadcast_in_dim3A_1009 = vector.shape_cast %eq3A_1007 : vector<512x1xi1> to vector<512x1xi1>
    %broadcast_in_dim3A_1010 = vector.broadcast %broadcast_in_dim3A_1009 : vector<512x1xi1> to vector<512x16xi1>
    %select_n3A_1011 = arith.select %broadcast_in_dim3A_1010, %slice3A_1008, %select_n3A_1004 : vector<512x16xi1>, vector<512x16xf32>
    %eq3A_1012 = arith.constant 3 : i32
    %eq3A_1013 = vector.broadcast %eq3A_1012 : i32 to vector<512x1xi32>
    %eq3A_1014 = arith.cmpi eq, %get3A_989, %eq3A_1013 : vector<512x1xi32>
    %slice3A_1015 = vector.extract_strided_slice %get3A_986 {offsets = [0, 48], sizes = [512, 16], strides = [1, 1]} : vector<512x128xf32> to vector<512x16xf32>
    %broadcast_in_dim3A_1016 = vector.shape_cast %eq3A_1014 : vector<512x1xi1> to vector<512x1xi1>
    %broadcast_in_dim3A_1017 = vector.broadcast %broadcast_in_dim3A_1016 : vector<512x1xi1> to vector<512x16xi1>
    %select_n3A_1018 = arith.select %broadcast_in_dim3A_1017, %slice3A_1015, %select_n3A_1011 : vector<512x16xi1>, vector<512x16xf32>
    %eq3A_1019 = arith.constant 2 : i32
    %eq3A_1020 = vector.broadcast %eq3A_1019 : i32 to vector<512x1xi32>
    %eq3A_1021 = arith.cmpi eq, %get3A_989, %eq3A_1020 : vector<512x1xi32>
    %slice3A_1022 = vector.extract_strided_slice %get3A_986 {offsets = [0, 32], sizes = [512, 16], strides = [1, 1]} : vector<512x128xf32> to vector<512x16xf32>
    %broadcast_in_dim3A_1023 = vector.shape_cast %eq3A_1021 : vector<512x1xi1> to vector<512x1xi1>
    %broadcast_in_dim3A_1024 = vector.broadcast %broadcast_in_dim3A_1023 : vector<512x1xi1> to vector<512x16xi1>
    %select_n3A_1025 = arith.select %broadcast_in_dim3A_1024, %slice3A_1022, %select_n3A_1018 : vector<512x16xi1>, vector<512x16xf32>
    %eq3A_1026 = arith.constant 1 : i32
    %eq3A_1027 = vector.broadcast %eq3A_1026 : i32 to vector<512x1xi32>
    %eq3A_1028 = arith.cmpi eq, %get3A_989, %eq3A_1027 : vector<512x1xi32>
    %slice3A_1029 = vector.extract_strided_slice %get3A_986 {offsets = [0, 16], sizes = [512, 16], strides = [1, 1]} : vector<512x128xf32> to vector<512x16xf32>
    %broadcast_in_dim3A_1030 = vector.shape_cast %eq3A_1028 : vector<512x1xi1> to vector<512x1xi1>
    %broadcast_in_dim3A_1031 = vector.broadcast %broadcast_in_dim3A_1030 : vector<512x1xi1> to vector<512x16xi1>
    %select_n3A_1032 = arith.select %broadcast_in_dim3A_1031, %slice3A_1029, %select_n3A_1025 : vector<512x16xi1>, vector<512x16xf32>
    %eq3A_1033 = arith.constant 0 : i32
    %eq3A_1034 = vector.broadcast %eq3A_1033 : i32 to vector<512x1xi32>
    %eq3A_1035 = arith.cmpi eq, %get3A_989, %eq3A_1034 : vector<512x1xi32>
    %slice3A_1036 = vector.extract_strided_slice %get3A_986 {offsets = [0, 0], sizes = [512, 16], strides = [1, 1]} : vector<512x128xf32> to vector<512x16xf32>
    %broadcast_in_dim3A_1037 = vector.shape_cast %eq3A_1035 : vector<512x1xi1> to vector<512x1xi1>
    %broadcast_in_dim3A_1038 = vector.broadcast %broadcast_in_dim3A_1037 : vector<512x1xi1> to vector<512x16xi1>
    %select_n3A_1039 = arith.select %broadcast_in_dim3A_1038, %slice3A_1036, %select_n3A_1032 : vector<512x16xi1>, vector<512x16xf32>
    %dot_general3A_1040 = arith.constant dense<0.000000e+00> : vector<512x64xf32>
    %dot_general3A_1041 = tpu.matmul %select_n3A_1039, %get3A_1, %dot_general3A_1040 {dimension_numbers = #tpu.dot_dimension_numbers<[1], [0], [0], [1], [0, 0, 1, 1], [], []>, transpose_lhs_hint = false} : vector<512x16xf32>, vector<16x64xf32>, vector<512x64xf32> -> vector<512x64xf32>
    %add3A_1042 = vector.broadcast %get3A_4 : vector<1x64xf32> to vector<512x64xf32>
    %add3A_1043 = arith.addf %dot_general3A_1041, %add3A_1042 : vector<512x64xf32>
    %max3A_1044 = arith.constant 0.000000e+00 : f32
    %max3A_1045 = vector.broadcast %max3A_1044 : f32 to vector<512x64xf32>
    %max3A_1046 = arith.maximumf %add3A_1043, %max3A_1045 : vector<512x64xf32>
    %dot_general3A_1047 = arith.constant dense<0.000000e+00> : vector<512x128xf32>
    %dot_general3A_1048 = tpu.matmul %max3A_1046, %get3A_7, %dot_general3A_1047 {dimension_numbers = #tpu.dot_dimension_numbers<[1], [0], [0], [1], [0, 0, 1, 1], [], []>, transpose_lhs_hint = false} : vector<512x64xf32>, vector<64x128xf32>, vector<512x128xf32> -> vector<512x128xf32>
    %add3A_1049 = vector.broadcast %get3A_10 : vector<1x128xf32> to vector<512x128xf32>
    %add3A_1050 = arith.addf %dot_general3A_1048, %add3A_1049 : vector<512x128xf32>
    %max3A_1051 = arith.constant 0.000000e+00 : f32
    %max3A_1052 = vector.broadcast %max3A_1051 : f32 to vector<512x128xf32>
    %max3A_1053 = arith.maximumf %add3A_1050, %max3A_1052 : vector<512x128xf32>
    %dot_general3A_1054 = arith.constant dense<0.000000e+00> : vector<512x128xf32>
    %dot_general3A_1055 = tpu.matmul %max3A_1053, %get3A_13, %dot_general3A_1054 {dimension_numbers = #tpu.dot_dimension_numbers<[1], [0], [0], [1], [0, 0, 1, 1], [], []>, transpose_lhs_hint = false} : vector<512x128xf32>, vector<128x128xf32>, vector<512x128xf32> -> vector<512x128xf32>
    %add3A_1056 = vector.broadcast %get3A_16 : vector<1x128xf32> to vector<512x128xf32>
    %add3A_1057 = arith.addf %dot_general3A_1055, %add3A_1056 : vector<512x128xf32>
    %max3A_1058 = arith.maximumf %max3A_983, %add3A_1057 : vector<512x128xf32>
    %get3A_1059 = arith.constant 7168 : index
    %get3A_1060 = arith.constant 0 : index
    %get3A_1061 = vector.load %arg0[%get3A_1059, %get3A_1060] : memref<8192x128xf32, #tpu.memory_space<vmem>>, vector<512x128xf32>
    %get3A_1062 = arith.constant 7168 : index
    %get3A_1063 = arith.constant 0 : index
    %get3A_1064 = vector.load %arg1[%get3A_1062, %get3A_1063] : memref<8192x1xi32, #tpu.memory_space<vmem>>, vector<512x1xi32>
    %slice3A_1065 = vector.extract_strided_slice %get3A_1061 {offsets = [0, 112], sizes = [512, 16], strides = [1, 1]} : vector<512x128xf32> to vector<512x16xf32>
    %eq3A_1066 = arith.constant 6 : i32
    %eq3A_1067 = vector.broadcast %eq3A_1066 : i32 to vector<512x1xi32>
    %eq3A_1068 = arith.cmpi eq, %get3A_1064, %eq3A_1067 : vector<512x1xi32>
    %slice3A_1069 = vector.extract_strided_slice %get3A_1061 {offsets = [0, 96], sizes = [512, 16], strides = [1, 1]} : vector<512x128xf32> to vector<512x16xf32>
    %broadcast_in_dim3A_1070 = vector.shape_cast %eq3A_1068 : vector<512x1xi1> to vector<512x1xi1>
    %broadcast_in_dim3A_1071 = vector.broadcast %broadcast_in_dim3A_1070 : vector<512x1xi1> to vector<512x16xi1>
    %select_n3A_1072 = arith.select %broadcast_in_dim3A_1071, %slice3A_1069, %slice3A_1065 : vector<512x16xi1>, vector<512x16xf32>
    %eq3A_1073 = arith.constant 5 : i32
    %eq3A_1074 = vector.broadcast %eq3A_1073 : i32 to vector<512x1xi32>
    %eq3A_1075 = arith.cmpi eq, %get3A_1064, %eq3A_1074 : vector<512x1xi32>
    %slice3A_1076 = vector.extract_strided_slice %get3A_1061 {offsets = [0, 80], sizes = [512, 16], strides = [1, 1]} : vector<512x128xf32> to vector<512x16xf32>
    %broadcast_in_dim3A_1077 = vector.shape_cast %eq3A_1075 : vector<512x1xi1> to vector<512x1xi1>
    %broadcast_in_dim3A_1078 = vector.broadcast %broadcast_in_dim3A_1077 : vector<512x1xi1> to vector<512x16xi1>
    %select_n3A_1079 = arith.select %broadcast_in_dim3A_1078, %slice3A_1076, %select_n3A_1072 : vector<512x16xi1>, vector<512x16xf32>
    %eq3A_1080 = arith.constant 4 : i32
    %eq3A_1081 = vector.broadcast %eq3A_1080 : i32 to vector<512x1xi32>
    %eq3A_1082 = arith.cmpi eq, %get3A_1064, %eq3A_1081 : vector<512x1xi32>
    %slice3A_1083 = vector.extract_strided_slice %get3A_1061 {offsets = [0, 64], sizes = [512, 16], strides = [1, 1]} : vector<512x128xf32> to vector<512x16xf32>
    %broadcast_in_dim3A_1084 = vector.shape_cast %eq3A_1082 : vector<512x1xi1> to vector<512x1xi1>
    %broadcast_in_dim3A_1085 = vector.broadcast %broadcast_in_dim3A_1084 : vector<512x1xi1> to vector<512x16xi1>
    %select_n3A_1086 = arith.select %broadcast_in_dim3A_1085, %slice3A_1083, %select_n3A_1079 : vector<512x16xi1>, vector<512x16xf32>
    %eq3A_1087 = arith.constant 3 : i32
    %eq3A_1088 = vector.broadcast %eq3A_1087 : i32 to vector<512x1xi32>
    %eq3A_1089 = arith.cmpi eq, %get3A_1064, %eq3A_1088 : vector<512x1xi32>
    %slice3A_1090 = vector.extract_strided_slice %get3A_1061 {offsets = [0, 48], sizes = [512, 16], strides = [1, 1]} : vector<512x128xf32> to vector<512x16xf32>
    %broadcast_in_dim3A_1091 = vector.shape_cast %eq3A_1089 : vector<512x1xi1> to vector<512x1xi1>
    %broadcast_in_dim3A_1092 = vector.broadcast %broadcast_in_dim3A_1091 : vector<512x1xi1> to vector<512x16xi1>
    %select_n3A_1093 = arith.select %broadcast_in_dim3A_1092, %slice3A_1090, %select_n3A_1086 : vector<512x16xi1>, vector<512x16xf32>
    %eq3A_1094 = arith.constant 2 : i32
    %eq3A_1095 = vector.broadcast %eq3A_1094 : i32 to vector<512x1xi32>
    %eq3A_1096 = arith.cmpi eq, %get3A_1064, %eq3A_1095 : vector<512x1xi32>
    %slice3A_1097 = vector.extract_strided_slice %get3A_1061 {offsets = [0, 32], sizes = [512, 16], strides = [1, 1]} : vector<512x128xf32> to vector<512x16xf32>
    %broadcast_in_dim3A_1098 = vector.shape_cast %eq3A_1096 : vector<512x1xi1> to vector<512x1xi1>
    %broadcast_in_dim3A_1099 = vector.broadcast %broadcast_in_dim3A_1098 : vector<512x1xi1> to vector<512x16xi1>
    %select_n3A_1100 = arith.select %broadcast_in_dim3A_1099, %slice3A_1097, %select_n3A_1093 : vector<512x16xi1>, vector<512x16xf32>
    %eq3A_1101 = arith.constant 1 : i32
    %eq3A_1102 = vector.broadcast %eq3A_1101 : i32 to vector<512x1xi32>
    %eq3A_1103 = arith.cmpi eq, %get3A_1064, %eq3A_1102 : vector<512x1xi32>
    %slice3A_1104 = vector.extract_strided_slice %get3A_1061 {offsets = [0, 16], sizes = [512, 16], strides = [1, 1]} : vector<512x128xf32> to vector<512x16xf32>
    %broadcast_in_dim3A_1105 = vector.shape_cast %eq3A_1103 : vector<512x1xi1> to vector<512x1xi1>
    %broadcast_in_dim3A_1106 = vector.broadcast %broadcast_in_dim3A_1105 : vector<512x1xi1> to vector<512x16xi1>
    %select_n3A_1107 = arith.select %broadcast_in_dim3A_1106, %slice3A_1104, %select_n3A_1100 : vector<512x16xi1>, vector<512x16xf32>
    %eq3A_1108 = arith.constant 0 : i32
    %eq3A_1109 = vector.broadcast %eq3A_1108 : i32 to vector<512x1xi32>
    %eq3A_1110 = arith.cmpi eq, %get3A_1064, %eq3A_1109 : vector<512x1xi32>
    %slice3A_1111 = vector.extract_strided_slice %get3A_1061 {offsets = [0, 0], sizes = [512, 16], strides = [1, 1]} : vector<512x128xf32> to vector<512x16xf32>
    %broadcast_in_dim3A_1112 = vector.shape_cast %eq3A_1110 : vector<512x1xi1> to vector<512x1xi1>
    %broadcast_in_dim3A_1113 = vector.broadcast %broadcast_in_dim3A_1112 : vector<512x1xi1> to vector<512x16xi1>
    %select_n3A_1114 = arith.select %broadcast_in_dim3A_1113, %slice3A_1111, %select_n3A_1107 : vector<512x16xi1>, vector<512x16xf32>
    %dot_general3A_1115 = arith.constant dense<0.000000e+00> : vector<512x64xf32>
    %dot_general3A_1116 = tpu.matmul %select_n3A_1114, %get3A_1, %dot_general3A_1115 {dimension_numbers = #tpu.dot_dimension_numbers<[1], [0], [0], [1], [0, 0, 1, 1], [], []>, transpose_lhs_hint = false} : vector<512x16xf32>, vector<16x64xf32>, vector<512x64xf32> -> vector<512x64xf32>
    %add3A_1117 = vector.broadcast %get3A_4 : vector<1x64xf32> to vector<512x64xf32>
    %add3A_1118 = arith.addf %dot_general3A_1116, %add3A_1117 : vector<512x64xf32>
    %max3A_1119 = arith.constant 0.000000e+00 : f32
    %max3A_1120 = vector.broadcast %max3A_1119 : f32 to vector<512x64xf32>
    %max3A_1121 = arith.maximumf %add3A_1118, %max3A_1120 : vector<512x64xf32>
    %dot_general3A_1122 = arith.constant dense<0.000000e+00> : vector<512x128xf32>
    %dot_general3A_1123 = tpu.matmul %max3A_1121, %get3A_7, %dot_general3A_1122 {dimension_numbers = #tpu.dot_dimension_numbers<[1], [0], [0], [1], [0, 0, 1, 1], [], []>, transpose_lhs_hint = false} : vector<512x64xf32>, vector<64x128xf32>, vector<512x128xf32> -> vector<512x128xf32>
    %add3A_1124 = vector.broadcast %get3A_10 : vector<1x128xf32> to vector<512x128xf32>
    %add3A_1125 = arith.addf %dot_general3A_1123, %add3A_1124 : vector<512x128xf32>
    %max3A_1126 = arith.constant 0.000000e+00 : f32
    %max3A_1127 = vector.broadcast %max3A_1126 : f32 to vector<512x128xf32>
    %max3A_1128 = arith.maximumf %add3A_1125, %max3A_1127 : vector<512x128xf32>
    %dot_general3A_1129 = arith.constant dense<0.000000e+00> : vector<512x128xf32>
    %dot_general3A_1130 = tpu.matmul %max3A_1128, %get3A_13, %dot_general3A_1129 {dimension_numbers = #tpu.dot_dimension_numbers<[1], [0], [0], [1], [0, 0, 1, 1], [], []>, transpose_lhs_hint = false} : vector<512x128xf32>, vector<128x128xf32>, vector<512x128xf32> -> vector<512x128xf32>
    %add3A_1131 = vector.broadcast %get3A_16 : vector<1x128xf32> to vector<512x128xf32>
    %add3A_1132 = arith.addf %dot_general3A_1130, %add3A_1131 : vector<512x128xf32>
    %max3A_1133 = arith.maximumf %max3A_1058, %add3A_1132 : vector<512x128xf32>
    %get3A_1134 = arith.constant 7680 : index
    %get3A_1135 = arith.constant 0 : index
    %get3A_1136 = vector.load %arg0[%get3A_1134, %get3A_1135] : memref<8192x128xf32, #tpu.memory_space<vmem>>, vector<512x128xf32>
    %get3A_1137 = arith.constant 7680 : index
    %get3A_1138 = arith.constant 0 : index
    %get3A_1139 = vector.load %arg1[%get3A_1137, %get3A_1138] : memref<8192x1xi32, #tpu.memory_space<vmem>>, vector<512x1xi32>
    %slice3A_1140 = vector.extract_strided_slice %get3A_1136 {offsets = [0, 112], sizes = [512, 16], strides = [1, 1]} : vector<512x128xf32> to vector<512x16xf32>
    %eq3A_1141 = arith.constant 6 : i32
    %eq3A_1142 = vector.broadcast %eq3A_1141 : i32 to vector<512x1xi32>
    %eq3A_1143 = arith.cmpi eq, %get3A_1139, %eq3A_1142 : vector<512x1xi32>
    %slice3A_1144 = vector.extract_strided_slice %get3A_1136 {offsets = [0, 96], sizes = [512, 16], strides = [1, 1]} : vector<512x128xf32> to vector<512x16xf32>
    %broadcast_in_dim3A_1145 = vector.shape_cast %eq3A_1143 : vector<512x1xi1> to vector<512x1xi1>
    %broadcast_in_dim3A_1146 = vector.broadcast %broadcast_in_dim3A_1145 : vector<512x1xi1> to vector<512x16xi1>
    %select_n3A_1147 = arith.select %broadcast_in_dim3A_1146, %slice3A_1144, %slice3A_1140 : vector<512x16xi1>, vector<512x16xf32>
    %eq3A_1148 = arith.constant 5 : i32
    %eq3A_1149 = vector.broadcast %eq3A_1148 : i32 to vector<512x1xi32>
    %eq3A_1150 = arith.cmpi eq, %get3A_1139, %eq3A_1149 : vector<512x1xi32>
    %slice3A_1151 = vector.extract_strided_slice %get3A_1136 {offsets = [0, 80], sizes = [512, 16], strides = [1, 1]} : vector<512x128xf32> to vector<512x16xf32>
    %broadcast_in_dim3A_1152 = vector.shape_cast %eq3A_1150 : vector<512x1xi1> to vector<512x1xi1>
    %broadcast_in_dim3A_1153 = vector.broadcast %broadcast_in_dim3A_1152 : vector<512x1xi1> to vector<512x16xi1>
    %select_n3A_1154 = arith.select %broadcast_in_dim3A_1153, %slice3A_1151, %select_n3A_1147 : vector<512x16xi1>, vector<512x16xf32>
    %eq3A_1155 = arith.constant 4 : i32
    %eq3A_1156 = vector.broadcast %eq3A_1155 : i32 to vector<512x1xi32>
    %eq3A_1157 = arith.cmpi eq, %get3A_1139, %eq3A_1156 : vector<512x1xi32>
    %slice3A_1158 = vector.extract_strided_slice %get3A_1136 {offsets = [0, 64], sizes = [512, 16], strides = [1, 1]} : vector<512x128xf32> to vector<512x16xf32>
    %broadcast_in_dim3A_1159 = vector.shape_cast %eq3A_1157 : vector<512x1xi1> to vector<512x1xi1>
    %broadcast_in_dim3A_1160 = vector.broadcast %broadcast_in_dim3A_1159 : vector<512x1xi1> to vector<512x16xi1>
    %select_n3A_1161 = arith.select %broadcast_in_dim3A_1160, %slice3A_1158, %select_n3A_1154 : vector<512x16xi1>, vector<512x16xf32>
    %eq3A_1162 = arith.constant 3 : i32
    %eq3A_1163 = vector.broadcast %eq3A_1162 : i32 to vector<512x1xi32>
    %eq3A_1164 = arith.cmpi eq, %get3A_1139, %eq3A_1163 : vector<512x1xi32>
    %slice3A_1165 = vector.extract_strided_slice %get3A_1136 {offsets = [0, 48], sizes = [512, 16], strides = [1, 1]} : vector<512x128xf32> to vector<512x16xf32>
    %broadcast_in_dim3A_1166 = vector.shape_cast %eq3A_1164 : vector<512x1xi1> to vector<512x1xi1>
    %broadcast_in_dim3A_1167 = vector.broadcast %broadcast_in_dim3A_1166 : vector<512x1xi1> to vector<512x16xi1>
    %select_n3A_1168 = arith.select %broadcast_in_dim3A_1167, %slice3A_1165, %select_n3A_1161 : vector<512x16xi1>, vector<512x16xf32>
    %eq3A_1169 = arith.constant 2 : i32
    %eq3A_1170 = vector.broadcast %eq3A_1169 : i32 to vector<512x1xi32>
    %eq3A_1171 = arith.cmpi eq, %get3A_1139, %eq3A_1170 : vector<512x1xi32>
    %slice3A_1172 = vector.extract_strided_slice %get3A_1136 {offsets = [0, 32], sizes = [512, 16], strides = [1, 1]} : vector<512x128xf32> to vector<512x16xf32>
    %broadcast_in_dim3A_1173 = vector.shape_cast %eq3A_1171 : vector<512x1xi1> to vector<512x1xi1>
    %broadcast_in_dim3A_1174 = vector.broadcast %broadcast_in_dim3A_1173 : vector<512x1xi1> to vector<512x16xi1>
    %select_n3A_1175 = arith.select %broadcast_in_dim3A_1174, %slice3A_1172, %select_n3A_1168 : vector<512x16xi1>, vector<512x16xf32>
    %eq3A_1176 = arith.constant 1 : i32
    %eq3A_1177 = vector.broadcast %eq3A_1176 : i32 to vector<512x1xi32>
    %eq3A_1178 = arith.cmpi eq, %get3A_1139, %eq3A_1177 : vector<512x1xi32>
    %slice3A_1179 = vector.extract_strided_slice %get3A_1136 {offsets = [0, 16], sizes = [512, 16], strides = [1, 1]} : vector<512x128xf32> to vector<512x16xf32>
    %broadcast_in_dim3A_1180 = vector.shape_cast %eq3A_1178 : vector<512x1xi1> to vector<512x1xi1>
    %broadcast_in_dim3A_1181 = vector.broadcast %broadcast_in_dim3A_1180 : vector<512x1xi1> to vector<512x16xi1>
    %select_n3A_1182 = arith.select %broadcast_in_dim3A_1181, %slice3A_1179, %select_n3A_1175 : vector<512x16xi1>, vector<512x16xf32>
    %eq3A_1183 = arith.constant 0 : i32
    %eq3A_1184 = vector.broadcast %eq3A_1183 : i32 to vector<512x1xi32>
    %eq3A_1185 = arith.cmpi eq, %get3A_1139, %eq3A_1184 : vector<512x1xi32>
    %slice3A_1186 = vector.extract_strided_slice %get3A_1136 {offsets = [0, 0], sizes = [512, 16], strides = [1, 1]} : vector<512x128xf32> to vector<512x16xf32>
    %broadcast_in_dim3A_1187 = vector.shape_cast %eq3A_1185 : vector<512x1xi1> to vector<512x1xi1>
    %broadcast_in_dim3A_1188 = vector.broadcast %broadcast_in_dim3A_1187 : vector<512x1xi1> to vector<512x16xi1>
    %select_n3A_1189 = arith.select %broadcast_in_dim3A_1188, %slice3A_1186, %select_n3A_1182 : vector<512x16xi1>, vector<512x16xf32>
    %dot_general3A_1190 = arith.constant dense<0.000000e+00> : vector<512x64xf32>
    %dot_general3A_1191 = tpu.matmul %select_n3A_1189, %get3A_1, %dot_general3A_1190 {dimension_numbers = #tpu.dot_dimension_numbers<[1], [0], [0], [1], [0, 0, 1, 1], [], []>, transpose_lhs_hint = false} : vector<512x16xf32>, vector<16x64xf32>, vector<512x64xf32> -> vector<512x64xf32>
    %add3A_1192 = vector.broadcast %get3A_4 : vector<1x64xf32> to vector<512x64xf32>
    %add3A_1193 = arith.addf %dot_general3A_1191, %add3A_1192 : vector<512x64xf32>
    %max3A_1194 = arith.constant 0.000000e+00 : f32
    %max3A_1195 = vector.broadcast %max3A_1194 : f32 to vector<512x64xf32>
    %max3A_1196 = arith.maximumf %add3A_1193, %max3A_1195 : vector<512x64xf32>
    %dot_general3A_1197 = arith.constant dense<0.000000e+00> : vector<512x128xf32>
    %dot_general3A_1198 = tpu.matmul %max3A_1196, %get3A_7, %dot_general3A_1197 {dimension_numbers = #tpu.dot_dimension_numbers<[1], [0], [0], [1], [0, 0, 1, 1], [], []>, transpose_lhs_hint = false} : vector<512x64xf32>, vector<64x128xf32>, vector<512x128xf32> -> vector<512x128xf32>
    %add3A_1199 = vector.broadcast %get3A_10 : vector<1x128xf32> to vector<512x128xf32>
    %add3A_1200 = arith.addf %dot_general3A_1198, %add3A_1199 : vector<512x128xf32>
    %max3A_1201 = arith.constant 0.000000e+00 : f32
    %max3A_1202 = vector.broadcast %max3A_1201 : f32 to vector<512x128xf32>
    %max3A_1203 = arith.maximumf %add3A_1200, %max3A_1202 : vector<512x128xf32>
    %dot_general3A_1204 = arith.constant dense<0.000000e+00> : vector<512x128xf32>
    %dot_general3A_1205 = tpu.matmul %max3A_1203, %get3A_13, %dot_general3A_1204 {dimension_numbers = #tpu.dot_dimension_numbers<[1], [0], [0], [1], [0, 0, 1, 1], [], []>, transpose_lhs_hint = false} : vector<512x128xf32>, vector<128x128xf32>, vector<512x128xf32> -> vector<512x128xf32>
    %add3A_1206 = vector.broadcast %get3A_16 : vector<1x128xf32> to vector<512x128xf32>
    %add3A_1207 = arith.addf %dot_general3A_1205, %add3A_1206 : vector<512x128xf32>
    %max3A_1208 = arith.maximumf %max3A_1133, %add3A_1207 : vector<512x128xf32>
    %get3A_1209 = arith.constant 0 : index
    %get3A_1210 = arith.constant 0 : index
    %get3A_1211 = vector.load %arg9[%get3A_1209, %get3A_1210] : memref<128x128xf32, #tpu.memory_space<vmem>>, vector<128x128xf32>
    %dot_general3A_1212 = arith.constant dense<0.000000e+00> : vector<512x128xf32>
    %dot_general3A_1213 = tpu.matmul %max3A_1208, %get3A_1211, %dot_general3A_1212 {dimension_numbers = #tpu.dot_dimension_numbers<[1], [0], [0], [1], [0, 0, 1, 1], [], []>, transpose_lhs_hint = false} : vector<512x128xf32>, vector<128x128xf32>, vector<512x128xf32> -> vector<512x128xf32>
    %get3A_1214 = arith.constant 0 : index
    %get3A_1215 = arith.constant 0 : index
    %get3A_1216 = vector.load %arg10[%get3A_1214, %get3A_1215] : memref<1x128xf32, #tpu.memory_space<vmem>>, vector<1x128xf32>
    %add3A_1217 = vector.broadcast %get3A_1216 : vector<1x128xf32> to vector<512x128xf32>
    %add3A_1218 = arith.addf %dot_general3A_1213, %add3A_1217 : vector<512x128xf32>
    %max3A_1219 = arith.constant 0.000000e+00 : f32
    %max3A_1220 = vector.broadcast %max3A_1219 : f32 to vector<512x128xf32>
    %max3A_1221 = arith.maximumf %add3A_1218, %max3A_1220 : vector<512x128xf32>
    %get3A_1222 = arith.constant 0 : index
    %get3A_1223 = arith.constant 0 : index
    %get3A_1224 = vector.load %arg11[%get3A_1222, %get3A_1223] : memref<128x128xf32, #tpu.memory_space<vmem>>, vector<128x128xf32>
    %dot_general3A_1225 = arith.constant dense<0.000000e+00> : vector<512x128xf32>
    %dot_general3A_1226 = tpu.matmul %max3A_1221, %get3A_1224, %dot_general3A_1225 {dimension_numbers = #tpu.dot_dimension_numbers<[1], [0], [0], [1], [0, 0, 1, 1], [], []>, transpose_lhs_hint = false} : vector<512x128xf32>, vector<128x128xf32>, vector<512x128xf32> -> vector<512x128xf32>
    %get3A_1227 = arith.constant 0 : index
    %get3A_1228 = arith.constant 0 : index
    %get3A_1229 = vector.load %arg12[%get3A_1227, %get3A_1228] : memref<1x128xf32, #tpu.memory_space<vmem>>, vector<1x128xf32>
    %add3A_1230 = vector.broadcast %get3A_1229 : vector<1x128xf32> to vector<512x128xf32>
    %add3A_1231 = arith.addf %dot_general3A_1226, %add3A_1230 : vector<512x128xf32>
    %iota3A = tpu.iota {dimensions = array<i32: 0>} : vector<128x128xi32>
    %iota3A_1232 = tpu.iota {dimensions = array<i32: 1>} : vector<128x128xi32>
    %get3A_1233 = arith.constant 0 : index
    %get3A_1234 = arith.constant 0 : index
    %get3A_1235 = arith.constant 0 : index
    %get3A_1236 = vector.load %arg2[%get3A_1233, %get3A_1234, %get3A_1235] : memref<4x128x4xf32, #tpu.memory_space<vmem>>, vector<1x128x4xf32>
    %get3A_1237 = vector.shape_cast %get3A_1236 : vector<1x128x4xf32> to vector<128x4xf32>
    %slice3A_1238 = vector.extract_strided_slice %get3A_1237 {offsets = [0, 3], sizes = [128, 1], strides = [1, 1]} : vector<128x4xf32> to vector<128x1xf32>
    %broadcast_in_dim3A_1239 = vector.shape_cast %slice3A_1238 : vector<128x1xf32> to vector<128x1xf32>
    %broadcast_in_dim3A_1240 = vector.broadcast %broadcast_in_dim3A_1239 : vector<128x1xf32> to vector<128x128xf32>
    %transpose3A = tpu.transpose %broadcast_in_dim3A_1240, [1, 0] : vector<128x128xf32> -> vector<128x128xf32>
    %lt3A = arith.cmpf olt, %transpose3A, %broadcast_in_dim3A_1240 : vector<128x128xf32>
    %convert_element_type3A = arith.extui %lt3A : vector<128x128xi1> to vector<128x128xi32>
    %convert_element_type3A_1241 = arith.sitofp %convert_element_type3A : vector<128x128xi32> to vector<128x128xf32>
    %reduce_sum3A = arith.constant dense<0.000000e+00> : vector<128xf32>
    %reduce_sum3A_1242 = vector.multi_reduction <add>, %convert_element_type3A_1241, %reduce_sum3A [1] : vector<128x128xf32> to vector<128xf32>
    %broadcast_in_dim3A_1243 = vector.shape_cast %reduce_sum3A_1242 : vector<128xf32> to vector<128x1xf32>
    %eq3A_1244 = arith.cmpf oeq, %transpose3A, %broadcast_in_dim3A_1240 : vector<128x128xf32>
    %lt3A_1245 = arith.cmpi slt, %iota3A_1232, %iota3A : vector<128x128xi32>
    %and3A = arith.andi %eq3A_1244, %lt3A_1245 : vector<128x128xi1>
    %convert_element_type3A_1246 = arith.extui %and3A : vector<128x128xi1> to vector<128x128xi32>
    %convert_element_type3A_1247 = arith.sitofp %convert_element_type3A_1246 : vector<128x128xi32> to vector<128x128xf32>
    %reduce_sum3A_1248 = arith.constant dense<0.000000e+00> : vector<128xf32>
    %reduce_sum3A_1249 = vector.multi_reduction <add>, %convert_element_type3A_1247, %reduce_sum3A_1248 [1] : vector<128x128xf32> to vector<128xf32>
    %broadcast_in_dim3A_1250 = vector.shape_cast %reduce_sum3A_1249 : vector<128xf32> to vector<128x1xf32>
    %add3A_1251 = arith.addf %broadcast_in_dim3A_1243, %broadcast_in_dim3A_1250 : vector<128x1xf32>
    %broadcast_in_dim3A_1252 = vector.shape_cast %add3A_1251 : vector<128x1xf32> to vector<128x1xf32>
    %broadcast_in_dim3A_1253 = vector.broadcast %broadcast_in_dim3A_1252 : vector<128x1xf32> to vector<128x128xf32>
    %transpose3A_1254 = tpu.transpose %broadcast_in_dim3A_1253, [1, 0] : vector<128x128xf32> -> vector<128x128xf32>
    %convert_element_type3A_1255 = arith.sitofp %iota3A : vector<128x128xi32> to vector<128x128xf32>
    %eq3A_1256 = arith.cmpf oeq, %transpose3A_1254, %convert_element_type3A_1255 : vector<128x128xf32>
    %convert_element_type3A_1257 = arith.extui %eq3A_1256 : vector<128x128xi1> to vector<128x128xi32>
    %convert_element_type3A_1258 = arith.sitofp %convert_element_type3A_1257 : vector<128x128xi32> to vector<128x128xf32>
    %slice3A_1259 = vector.extract_strided_slice %add3A_1231 {offsets = [0, 0], sizes = [128, 128], strides = [1, 1]} : vector<512x128xf32> to vector<128x128xf32>
    %dot_general3A_1260 = arith.constant dense<0.000000e+00> : vector<128x128xf32>
    %dot_general3A_1261 = tpu.matmul %convert_element_type3A_1258, %slice3A_1259, %dot_general3A_1260 {dimension_numbers = #tpu.dot_dimension_numbers<[1], [0], [0], [1], [0, 0, 1, 1], [], []>, precision = #tpu.contract_precision<fp32>, transpose_lhs_hint = false} : vector<128x128xf32>, vector<128x128xf32>, vector<128x128xf32> -> vector<128x128xf32>
    %swap3A = arith.constant 0 : index
    %swap3A_1262 = arith.constant 0 : index
    %swap3A_1263 = arith.constant 0 : index
    %swap3A_1264 = vector.load %arg13[%swap3A, %swap3A_1262, %swap3A_1263] : memref<4x128x128xf32, #tpu.memory_space<vmem>>, vector<1x128x128xf32>
    %swap3A_1265 = vector.shape_cast %swap3A_1264 : vector<1x128x128xf32> to vector<128x128xf32>
    %swap3A_1266 = vector.shape_cast %dot_general3A_1261 : vector<128x128xf32> to vector<1x128x128xf32>
    tpu.vector_store %arg13[%swap3A, %swap3A_1262, %swap3A_1263], %swap3A_1266 {strides = array<i32>} : memref<4x128x128xf32, #tpu.memory_space<vmem>>, vector<1x128x128xf32>,
    %dot_general3A_1267 = arith.constant dense<0.000000e+00> : vector<128x4xf32>
    %dot_general3A_1268 = tpu.matmul %convert_element_type3A_1258, %get3A_1237, %dot_general3A_1267 {dimension_numbers = #tpu.dot_dimension_numbers<[1], [0], [0], [1], [0, 0, 1, 1], [], []>, precision = #tpu.contract_precision<fp32>, transpose_lhs_hint = false} : vector<128x128xf32>, vector<128x4xf32>, vector<128x4xf32> -> vector<128x4xf32>
    %swap3A_1269 = arith.constant 0 : index
    %swap3A_1270 = arith.constant 0 : index
    %swap3A_1271 = arith.constant 0 : index
    %swap3A_1272 = vector.load %arg14[%swap3A_1269, %swap3A_1270, %swap3A_1271] : memref<4x128x4xf32, #tpu.memory_space<vmem>>, vector<1x128x4xf32>
    %swap3A_1273 = vector.shape_cast %swap3A_1272 : vector<1x128x4xf32> to vector<128x4xf32>
    %swap3A_1274 = vector.shape_cast %dot_general3A_1268 : vector<128x4xf32> to vector<1x128x4xf32>
    tpu.vector_store %arg14[%swap3A_1269, %swap3A_1270, %swap3A_1271], %swap3A_1274 {strides = array<i32>} : memref<4x128x4xf32, #tpu.memory_space<vmem>>, vector<1x128x4xf32>,
    %get3A_1275 = arith.constant 1 : index
    %get3A_1276 = arith.constant 0 : index
    %get3A_1277 = arith.constant 0 : index
    %get3A_1278 = vector.load %arg2[%get3A_1275, %get3A_1276, %get3A_1277] : memref<4x128x4xf32, #tpu.memory_space<vmem>>, vector<1x128x4xf32>
    %get3A_1279 = vector.shape_cast %get3A_1278 : vector<1x128x4xf32> to vector<128x4xf32>
    %slice3A_1280 = vector.extract_strided_slice %get3A_1279 {offsets = [0, 3], sizes = [128, 1], strides = [1, 1]} : vector<128x4xf32> to vector<128x1xf32>
    %broadcast_in_dim3A_1281 = vector.shape_cast %slice3A_1280 : vector<128x1xf32> to vector<128x1xf32>
    %broadcast_in_dim3A_1282 = vector.broadcast %broadcast_in_dim3A_1281 : vector<128x1xf32> to vector<128x128xf32>
    %transpose3A_1283 = tpu.transpose %broadcast_in_dim3A_1282, [1, 0] : vector<128x128xf32> -> vector<128x128xf32>
    %lt3A_1284 = arith.cmpf olt, %transpose3A_1283, %broadcast_in_dim3A_1282 : vector<128x128xf32>
    %convert_element_type3A_1285 = arith.extui %lt3A_1284 : vector<128x128xi1> to vector<128x128xi32>
    %convert_element_type3A_1286 = arith.sitofp %convert_element_type3A_1285 : vector<128x128xi32> to vector<128x128xf32>
    %reduce_sum3A_1287 = arith.constant dense<0.000000e+00> : vector<128xf32>
    %reduce_sum3A_1288 = vector.multi_reduction <add>, %convert_element_type3A_1286, %reduce_sum3A_1287 [1] : vector<128x128xf32> to vector<128xf32>
    %broadcast_in_dim3A_1289 = vector.shape_cast %reduce_sum3A_1288 : vector<128xf32> to vector<128x1xf32>
    %eq3A_1290 = arith.cmpf oeq, %transpose3A_1283, %broadcast_in_dim3A_1282 : vector<128x128xf32>
    %lt3A_1291 = arith.cmpi slt, %iota3A_1232, %iota3A : vector<128x128xi32>
    %and3A_1292 = arith.andi %eq3A_1290, %lt3A_1291 : vector<128x128xi1>
    %convert_element_type3A_1293 = arith.extui %and3A_1292 : vector<128x128xi1> to vector<128x128xi32>
    %convert_element_type3A_1294 = arith.sitofp %convert_element_type3A_1293 : vector<128x128xi32> to vector<128x128xf32>
    %reduce_sum3A_1295 = arith.constant dense<0.000000e+00> : vector<128xf32>
    %reduce_sum3A_1296 = vector.multi_reduction <add>, %convert_element_type3A_1294, %reduce_sum3A_1295 [1] : vector<128x128xf32> to vector<128xf32>
    %broadcast_in_dim3A_1297 = vector.shape_cast %reduce_sum3A_1296 : vector<128xf32> to vector<128x1xf32>
    %add3A_1298 = arith.addf %broadcast_in_dim3A_1289, %broadcast_in_dim3A_1297 : vector<128x1xf32>
    %broadcast_in_dim3A_1299 = vector.shape_cast %add3A_1298 : vector<128x1xf32> to vector<128x1xf32>
    %broadcast_in_dim3A_1300 = vector.broadcast %broadcast_in_dim3A_1299 : vector<128x1xf32> to vector<128x128xf32>
    %transpose3A_1301 = tpu.transpose %broadcast_in_dim3A_1300, [1, 0] : vector<128x128xf32> -> vector<128x128xf32>
    %convert_element_type3A_1302 = arith.sitofp %iota3A : vector<128x128xi32> to vector<128x128xf32>
    %eq3A_1303 = arith.cmpf oeq, %transpose3A_1301, %convert_element_type3A_1302 : vector<128x128xf32>
    %convert_element_type3A_1304 = arith.extui %eq3A_1303 : vector<128x128xi1> to vector<128x128xi32>
    %convert_element_type3A_1305 = arith.sitofp %convert_element_type3A_1304 : vector<128x128xi32> to vector<128x128xf32>
    %slice3A_1306 = vector.extract_strided_slice %add3A_1231 {offsets = [128, 0], sizes = [128, 128], strides = [1, 1]} : vector<512x128xf32> to vector<128x128xf32>
    %dot_general3A_1307 = arith.constant dense<0.000000e+00> : vector<128x128xf32>
    %dot_general3A_1308 = tpu.matmul %convert_element_type3A_1305, %slice3A_1306, %dot_general3A_1307 {dimension_numbers = #tpu.dot_dimension_numbers<[1], [0], [0], [1], [0, 0, 1, 1], [], []>, precision = #tpu.contract_precision<fp32>, transpose_lhs_hint = false} : vector<128x128xf32>, vector<128x128xf32>, vector<128x128xf32> -> vector<128x128xf32>
    %swap3A_1309 = arith.constant 1 : index
    %swap3A_1310 = arith.constant 0 : index
    %swap3A_1311 = arith.constant 0 : index
    %swap3A_1312 = vector.load %arg13[%swap3A_1309, %swap3A_1310, %swap3A_1311] : memref<4x128x128xf32, #tpu.memory_space<vmem>>, vector<1x128x128xf32>
    %swap3A_1313 = vector.shape_cast %swap3A_1312 : vector<1x128x128xf32> to vector<128x128xf32>
    %swap3A_1314 = vector.shape_cast %dot_general3A_1308 : vector<128x128xf32> to vector<1x128x128xf32>
    tpu.vector_store %arg13[%swap3A_1309, %swap3A_1310, %swap3A_1311], %swap3A_1314 {strides = array<i32>} : memref<4x128x128xf32, #tpu.memory_space<vmem>>, vector<1x128x128xf32>,
    %dot_general3A_1315 = arith.constant dense<0.000000e+00> : vector<128x4xf32>
    %dot_general3A_1316 = tpu.matmul %convert_element_type3A_1305, %get3A_1279, %dot_general3A_1315 {dimension_numbers = #tpu.dot_dimension_numbers<[1], [0], [0], [1], [0, 0, 1, 1], [], []>, precision = #tpu.contract_precision<fp32>, transpose_lhs_hint = false} : vector<128x128xf32>, vector<128x4xf32>, vector<128x4xf32> -> vector<128x4xf32>
    %swap3A_1317 = arith.constant 1 : index
    %swap3A_1318 = arith.constant 0 : index
    %swap3A_1319 = arith.constant 0 : index
    %swap3A_1320 = vector.load %arg14[%swap3A_1317, %swap3A_1318, %swap3A_1319] : memref<4x128x4xf32, #tpu.memory_space<vmem>>, vector<1x128x4xf32>
    %swap3A_1321 = vector.shape_cast %swap3A_1320 : vector<1x128x4xf32> to vector<128x4xf32>
    %swap3A_1322 = vector.shape_cast %dot_general3A_1316 : vector<128x4xf32> to vector<1x128x4xf32>
    tpu.vector_store %arg14[%swap3A_1317, %swap3A_1318, %swap3A_1319], %swap3A_1322 {strides = array<i32>} : memref<4x128x4xf32, #tpu.memory_space<vmem>>, vector<1x128x4xf32>,
    %get3A_1323 = arith.constant 2 : index
    %get3A_1324 = arith.constant 0 : index
    %get3A_1325 = arith.constant 0 : index
    %get3A_1326 = vector.load %arg2[%get3A_1323, %get3A_1324, %get3A_1325] : memref<4x128x4xf32, #tpu.memory_space<vmem>>, vector<1x128x4xf32>
    %get3A_1327 = vector.shape_cast %get3A_1326 : vector<1x128x4xf32> to vector<128x4xf32>
    %slice3A_1328 = vector.extract_strided_slice %get3A_1327 {offsets = [0, 3], sizes = [128, 1], strides = [1, 1]} : vector<128x4xf32> to vector<128x1xf32>
    %broadcast_in_dim3A_1329 = vector.shape_cast %slice3A_1328 : vector<128x1xf32> to vector<128x1xf32>
    %broadcast_in_dim3A_1330 = vector.broadcast %broadcast_in_dim3A_1329 : vector<128x1xf32> to vector<128x128xf32>
    %transpose3A_1331 = tpu.transpose %broadcast_in_dim3A_1330, [1, 0] : vector<128x128xf32> -> vector<128x128xf32>
    %lt3A_1332 = arith.cmpf olt, %transpose3A_1331, %broadcast_in_dim3A_1330 : vector<128x128xf32>
    %convert_element_type3A_1333 = arith.extui %lt3A_1332 : vector<128x128xi1> to vector<128x128xi32>
    %convert_element_type3A_1334 = arith.sitofp %convert_element_type3A_1333 : vector<128x128xi32> to vector<128x128xf32>
    %reduce_sum3A_1335 = arith.constant dense<0.000000e+00> : vector<128xf32>
    %reduce_sum3A_1336 = vector.multi_reduction <add>, %convert_element_type3A_1334, %reduce_sum3A_1335 [1] : vector<128x128xf32> to vector<128xf32>
    %broadcast_in_dim3A_1337 = vector.shape_cast %reduce_sum3A_1336 : vector<128xf32> to vector<128x1xf32>
    %eq3A_1338 = arith.cmpf oeq, %transpose3A_1331, %broadcast_in_dim3A_1330 : vector<128x128xf32>
    %lt3A_1339 = arith.cmpi slt, %iota3A_1232, %iota3A : vector<128x128xi32>
    %and3A_1340 = arith.andi %eq3A_1338, %lt3A_1339 : vector<128x128xi1>
    %convert_element_type3A_1341 = arith.extui %and3A_1340 : vector<128x128xi1> to vector<128x128xi32>
    %convert_element_type3A_1342 = arith.sitofp %convert_element_type3A_1341 : vector<128x128xi32> to vector<128x128xf32>
    %reduce_sum3A_1343 = arith.constant dense<0.000000e+00> : vector<128xf32>
    %reduce_sum3A_1344 = vector.multi_reduction <add>, %convert_element_type3A_1342, %reduce_sum3A_1343 [1] : vector<128x128xf32> to vector<128xf32>
    %broadcast_in_dim3A_1345 = vector.shape_cast %reduce_sum3A_1344 : vector<128xf32> to vector<128x1xf32>
    %add3A_1346 = arith.addf %broadcast_in_dim3A_1337, %broadcast_in_dim3A_1345 : vector<128x1xf32>
    %broadcast_in_dim3A_1347 = vector.shape_cast %add3A_1346 : vector<128x1xf32> to vector<128x1xf32>
    %broadcast_in_dim3A_1348 = vector.broadcast %broadcast_in_dim3A_1347 : vector<128x1xf32> to vector<128x128xf32>
    %transpose3A_1349 = tpu.transpose %broadcast_in_dim3A_1348, [1, 0] : vector<128x128xf32> -> vector<128x128xf32>
    %convert_element_type3A_1350 = arith.sitofp %iota3A : vector<128x128xi32> to vector<128x128xf32>
    %eq3A_1351 = arith.cmpf oeq, %transpose3A_1349, %convert_element_type3A_1350 : vector<128x128xf32>
    %convert_element_type3A_1352 = arith.extui %eq3A_1351 : vector<128x128xi1> to vector<128x128xi32>
    %convert_element_type3A_1353 = arith.sitofp %convert_element_type3A_1352 : vector<128x128xi32> to vector<128x128xf32>
    %slice3A_1354 = vector.extract_strided_slice %add3A_1231 {offsets = [256, 0], sizes = [128, 128], strides = [1, 1]} : vector<512x128xf32> to vector<128x128xf32>
    %dot_general3A_1355 = arith.constant dense<0.000000e+00> : vector<128x128xf32>
    %dot_general3A_1356 = tpu.matmul %convert_element_type3A_1353, %slice3A_1354, %dot_general3A_1355 {dimension_numbers = #tpu.dot_dimension_numbers<[1], [0], [0], [1], [0, 0, 1, 1], [], []>, precision = #tpu.contract_precision<fp32>, transpose_lhs_hint = false} : vector<128x128xf32>, vector<128x128xf32>, vector<128x128xf32> -> vector<128x128xf32>
    %swap3A_1357 = arith.constant 2 : index
    %swap3A_1358 = arith.constant 0 : index
    %swap3A_1359 = arith.constant 0 : index
    %swap3A_1360 = vector.load %arg13[%swap3A_1357, %swap3A_1358, %swap3A_1359] : memref<4x128x128xf32, #tpu.memory_space<vmem>>, vector<1x128x128xf32>
    %swap3A_1361 = vector.shape_cast %swap3A_1360 : vector<1x128x128xf32> to vector<128x128xf32>
    %swap3A_1362 = vector.shape_cast %dot_general3A_1356 : vector<128x128xf32> to vector<1x128x128xf32>
    tpu.vector_store %arg13[%swap3A_1357, %swap3A_1358, %swap3A_1359], %swap3A_1362 {strides = array<i32>} : memref<4x128x128xf32, #tpu.memory_space<vmem>>, vector<1x128x128xf32>,
    %dot_general3A_1363 = arith.constant dense<0.000000e+00> : vector<128x4xf32>
    %dot_general3A_1364 = tpu.matmul %convert_element_type3A_1353, %get3A_1327, %dot_general3A_1363 {dimension_numbers = #tpu.dot_dimension_numbers<[1], [0], [0], [1], [0, 0, 1, 1], [], []>, precision = #tpu.contract_precision<fp32>, transpose_lhs_hint = false} : vector<128x128xf32>, vector<128x4xf32>, vector<128x4xf32> -> vector<128x4xf32>
    %swap3A_1365 = arith.constant 2 : index
    %swap3A_1366 = arith.constant 0 : index
    %swap3A_1367 = arith.constant 0 : index
    %swap3A_1368 = vector.load %arg14[%swap3A_1365, %swap3A_1366, %swap3A_1367] : memref<4x128x4xf32, #tpu.memory_space<vmem>>, vector<1x128x4xf32>
    %swap3A_1369 = vector.shape_cast %swap3A_1368 : vector<1x128x4xf32> to vector<128x4xf32>
    %swap3A_1370 = vector.shape_cast %dot_general3A_1364 : vector<128x4xf32> to vector<1x128x4xf32>
    tpu.vector_store %arg14[%swap3A_1365, %swap3A_1366, %swap3A_1367], %swap3A_1370 {strides = array<i32>} : memref<4x128x4xf32, #tpu.memory_space<vmem>>, vector<1x128x4xf32>,
    %get3A_1371 = arith.constant 3 : index
    %get3A_1372 = arith.constant 0 : index
    %get3A_1373 = arith.constant 0 : index
    %get3A_1374 = vector.load %arg2[%get3A_1371, %get3A_1372, %get3A_1373] : memref<4x128x4xf32, #tpu.memory_space<vmem>>, vector<1x128x4xf32>
    %get3A_1375 = vector.shape_cast %get3A_1374 : vector<1x128x4xf32> to vector<128x4xf32>
    %slice3A_1376 = vector.extract_strided_slice %get3A_1375 {offsets = [0, 3], sizes = [128, 1], strides = [1, 1]} : vector<128x4xf32> to vector<128x1xf32>
    %broadcast_in_dim3A_1377 = vector.shape_cast %slice3A_1376 : vector<128x1xf32> to vector<128x1xf32>
    %broadcast_in_dim3A_1378 = vector.broadcast %broadcast_in_dim3A_1377 : vector<128x1xf32> to vector<128x128xf32>
    %transpose3A_1379 = tpu.transpose %broadcast_in_dim3A_1378, [1, 0] : vector<128x128xf32> -> vector<128x128xf32>
    %lt3A_1380 = arith.cmpf olt, %transpose3A_1379, %broadcast_in_dim3A_1378 : vector<128x128xf32>
    %convert_element_type3A_1381 = arith.extui %lt3A_1380 : vector<128x128xi1> to vector<128x128xi32>
    %convert_element_type3A_1382 = arith.sitofp %convert_element_type3A_1381 : vector<128x128xi32> to vector<128x128xf32>
    %reduce_sum3A_1383 = arith.constant dense<0.000000e+00> : vector<128xf32>
    %reduce_sum3A_1384 = vector.multi_reduction <add>, %convert_element_type3A_1382, %reduce_sum3A_1383 [1] : vector<128x128xf32> to vector<128xf32>
    %broadcast_in_dim3A_1385 = vector.shape_cast %reduce_sum3A_1384 : vector<128xf32> to vector<128x1xf32>
    %eq3A_1386 = arith.cmpf oeq, %transpose3A_1379, %broadcast_in_dim3A_1378 : vector<128x128xf32>
    %lt3A_1387 = arith.cmpi slt, %iota3A_1232, %iota3A : vector<128x128xi32>
    %and3A_1388 = arith.andi %eq3A_1386, %lt3A_1387 : vector<128x128xi1>
    %convert_element_type3A_1389 = arith.extui %and3A_1388 : vector<128x128xi1> to vector<128x128xi32>
    %convert_element_type3A_1390 = arith.sitofp %convert_element_type3A_1389 : vector<128x128xi32> to vector<128x128xf32>
    %reduce_sum3A_1391 = arith.constant dense<0.000000e+00> : vector<128xf32>
    %reduce_sum3A_1392 = vector.multi_reduction <add>, %convert_element_type3A_1390, %reduce_sum3A_1391 [1] : vector<128x128xf32> to vector<128xf32>
    %broadcast_in_dim3A_1393 = vector.shape_cast %reduce_sum3A_1392 : vector<128xf32> to vector<128x1xf32>
    %add3A_1394 = arith.addf %broadcast_in_dim3A_1385, %broadcast_in_dim3A_1393 : vector<128x1xf32>
    %broadcast_in_dim3A_1395 = vector.shape_cast %add3A_1394 : vector<128x1xf32> to vector<128x1xf32>
    %broadcast_in_dim3A_1396 = vector.broadcast %broadcast_in_dim3A_1395 : vector<128x1xf32> to vector<128x128xf32>
    %transpose3A_1397 = tpu.transpose %broadcast_in_dim3A_1396, [1, 0] : vector<128x128xf32> -> vector<128x128xf32>
    %convert_element_type3A_1398 = arith.sitofp %iota3A : vector<128x128xi32> to vector<128x128xf32>
    %eq3A_1399 = arith.cmpf oeq, %transpose3A_1397, %convert_element_type3A_1398 : vector<128x128xf32>
    %convert_element_type3A_1400 = arith.extui %eq3A_1399 : vector<128x128xi1> to vector<128x128xi32>
    %convert_element_type3A_1401 = arith.sitofp %convert_element_type3A_1400 : vector<128x128xi32> to vector<128x128xf32>
    %slice3A_1402 = vector.extract_strided_slice %add3A_1231 {offsets = [384, 0], sizes = [128, 128], strides = [1, 1]} : vector<512x128xf32> to vector<128x128xf32>
    %dot_general3A_1403 = arith.constant dense<0.000000e+00> : vector<128x128xf32>
    %dot_general3A_1404 = tpu.matmul %convert_element_type3A_1401, %slice3A_1402, %dot_general3A_1403 {dimension_numbers = #tpu.dot_dimension_numbers<[1], [0], [0], [1], [0, 0, 1, 1], [], []>, precision = #tpu.contract_precision<fp32>, transpose_lhs_hint = false} : vector<128x128xf32>, vector<128x128xf32>, vector<128x128xf32> -> vector<128x128xf32>
    %swap3A_1405 = arith.constant 3 : index
    %swap3A_1406 = arith.constant 0 : index
    %swap3A_1407 = arith.constant 0 : index
    %swap3A_1408 = vector.load %arg13[%swap3A_1405, %swap3A_1406, %swap3A_1407] : memref<4x128x128xf32, #tpu.memory_space<vmem>>, vector<1x128x128xf32>
    %swap3A_1409 = vector.shape_cast %swap3A_1408 : vector<1x128x128xf32> to vector<128x128xf32>
    %swap3A_1410 = vector.shape_cast %dot_general3A_1404 : vector<128x128xf32> to vector<1x128x128xf32>
    tpu.vector_store %arg13[%swap3A_1405, %swap3A_1406, %swap3A_1407], %swap3A_1410 {strides = array<i32>} : memref<4x128x128xf32, #tpu.memory_space<vmem>>, vector<1x128x128xf32>,
    %dot_general3A_1411 = arith.constant dense<0.000000e+00> : vector<128x4xf32>
    %dot_general3A_1412 = tpu.matmul %convert_element_type3A_1401, %get3A_1375, %dot_general3A_1411 {dimension_numbers = #tpu.dot_dimension_numbers<[1], [0], [0], [1], [0, 0, 1, 1], [], []>, precision = #tpu.contract_precision<fp32>, transpose_lhs_hint = false} : vector<128x128xf32>, vector<128x4xf32>, vector<128x4xf32> -> vector<128x4xf32>
    %swap3A_1413 = arith.constant 3 : index
    %swap3A_1414 = arith.constant 0 : index
    %swap3A_1415 = arith.constant 0 : index
    %swap3A_1416 = vector.load %arg14[%swap3A_1413, %swap3A_1414, %swap3A_1415] : memref<4x128x4xf32, #tpu.memory_space<vmem>>, vector<1x128x4xf32>
    %swap3A_1417 = vector.shape_cast %swap3A_1416 : vector<1x128x4xf32> to vector<128x4xf32>
    %swap3A_1418 = vector.shape_cast %dot_general3A_1412 : vector<128x4xf32> to vector<1x128x4xf32>
    tpu.vector_store %arg14[%swap3A_1413, %swap3A_1414, %swap3A_1415], %swap3A_1418 {strides = array<i32>} : memref<4x128x4xf32, #tpu.memory_space<vmem>>, vector<1x128x4xf32>,
    return
  }
}

</mosaic_0001>

<sc_bundles>
// kernel: kernel.5.cloned.1.call-start
scs
__scs_entry_jumppad:
0x0: {  	(pc) =	sbr.rel $0x88, $3  }
0x1: {  	(tag) =	ssettag $0x0;
	lr =	simm.s32 $0x1  }
0x2: {  	[smem:$0x3F94] =	sst lr;
	_ =	strace $0xD0000000  }
0x3: {  	_ = 	snop  }
0x4: {  	_ = 	snop  }
0x5: {  	_ = 	snop  }
0x6: {  	_ = 	snop  }
0x7: {  	_ = 	snop  }
__scs_overlays_trampoline_lowered:
0x8: {  	[smem:$0x3FA3] =	sst s0  }
0x9: {  	[smem:$0x3FA4] =	sst s1  }
0xa: {  	[smem:$0x3FA5] =	sst s2  }
0xb: {  	[smem:$0x3FA6] =	sst s3  }
0xc: {  	[smem:$0x3FA7] =	sst s4  }
0xd: {  	[smem:$0x3FA8] =	sst s5  }
0xe: {  	[smem:$0x3FA9] =	sst s6  }
0xf: {  	[smem:$0x3FAA] =	sst s7  }
0x10: {  	[smem:$0x3FAB] =	sst s8  }
0x11: {  	[smem:$0x3FAC] =	sst s9;
	s0 =	simm.s32 @!p0 $0x0  }
0x12: {  	s1 =	sld [smem:$0x3F92];
	s0 =	simm.s32 @p0 $0x1  }
0x13: {  	[smem:$0x3FAD] =	sst s0;
	s0 =	simm.s32 @!p1 $0x0  }
0x14: {  	s2 =	sld [smem:$0x3F91];
	s0 =	simm.s32 @p1 $0x1  }
0x15: {  	[smem:$0x3FAE] =	sst s0;
	s0 =	simm.s32 @!p2 $0x0  }
0x16: {  	s3 =	sld [smem:$0x3FDB];
	s0 =	simm.s32 @p2 $0x1  }
0x17: {  	s4 =	simm.s32 $0x1BF5;
	[smem:$0x3FB0] =	sst s0  }
0x18: {  	s0 =	sld [smem:$0x3F93];
	_ =	swait.ge [sflag:s4], $0x0  }
0x19: {  	s7 =	sld [smem:$0x3F94]  }
0x1a: {  	s8 =	sadd.s32 $0xFFFFE003, lr  }
0x1b: {  	s9 =	sadd.s32 $0xFFFFFEF7, lr;
	s5 =	simm.s32 $0xFFFFFFFF;
	p2 =	slt.u32 s8, $0xFFFFF086  }
0x1c: {  	p1 =	slt.u32 s9, $0xF7A;
	s5 =	simm.s32 @!p2 $0x0  }
0x1d: {  	s5 =	simm.s32 @p1 $0x1;
	p0 =	seq.s32 s7, s2  }
0x1e: {  	s7 =	smul.u32 @!p0 $0xF7A, s2;
	p2 =	seq.s32 @!p0 s5, $0x0  }
0x1f: {  	s9 =	smul.u32 $0xF7A, s1;
	s8 =	simm.s32 @!p0 $0x1BF5;
	p2 =	por !p2, p0  }
0x20: {  	[sflag:s8] =	ssyncset.s32 @!p0 $0xFFFFF086;
	s6 =	sadd.s32 @!p0 s3, s7;
	s7 =	simm.s32 @!p0 $0x108  }
0x21: {  	s3 =	sadd.s32 s3, s9;
	s6 =	sadd.s32 @!p0 $0x88, s6;
	s7 =	simm.s32 @p2 $0x1082  }
0x22: {  	[simem:s7], [sflag:s8] =	dma.local @!p0 [hbm:s6], $0xF7A  }
0x23: {  	s9 =	sor.u32 $0xD0000000, s2;
	s6 =	simm.s32 $0x108;
	_ =	swait.ge @!p0 [sflag:s8], $0x0  }
0x24: {  	s3 =	sadd.s32 $0x88, s3;
	s6 =	simm.s32 @!p1 $0x1082;
	[sflag:s4] =	ssyncset.s32 $0xFFFFF086  }
0x25: {  	[simem:s6], [sflag:s4] =	dma.local [hbm:s3], $0xF7A  }
0x26: {  	[smem:$0x3F94] =	sst s1;
	(tag) =	ssettag s2;
	_ =	strace s9  }
0x27: {  	s1 =	sld [smem:$0x3FA4]  }
0x28: {  	s2 =	sld [smem:$0x3FA5]  }
0x29: {  	s4 =	sld [smem:$0x3FA7]  }
0x2a: {  	p0 =	seq.s32 s5, $0x0;
	s5 =	sld [smem:$0x3FA8]  }
0x2b: {  	s6 =	sld [smem:$0x3FA9]  }
0x2c: {  	s7 =	sld [smem:$0x3FAA]  }
0x2d: {  	s3 =	simm.s32 $0x108;
	s8 =	sld [smem:$0x3FAB]  }
0x2e: {  	s3 =	simm.s32 @!p0 $0x1082;
	s9 =	sld [smem:$0x3FAC]  }
0x2f: {  	lr =	sadd.s32 s0, s3;
	s0 =	sld [smem:$0x3FA3]  }
0x30: {  	s3 =	sld [smem:$0x3FA6]  }
0x31: {  	[smem:$0x3FAF] =	sst s10  }
0x32: {  	s10 =	sld [smem:$0x3FAD];
	_ =	sdelay $0x3  }
0x33: {  	p0 =	seq.s32 s10, $0x1;
	s10 =	sld [smem:$0x3FAF];
	_ =	sdelay $0x3  }
0x34: {  	[smem:$0x3FAF] =	sst s10  }
0x35: {  	s10 =	sld [smem:$0x3FAE];
	_ =	sdelay $0x3  }
0x36: {  	p1 =	seq.s32 s10, $0x1;
	s10 =	sld [smem:$0x3FAF];
	_ =	sdelay $0x3  }
0x37: {  	[smem:$0x3FAF] =	sst s10  }
0x38: {  	s10 =	sld [smem:$0x3FB0]  }
0x39: {  	_ = 	snop;
	(pc) =	sbr.ind lr, $3  }
0x3a: {  	_ = 	snop  }
0x3b: {  	_ = 	snop  }
0x3c: {  	p2 =	seq.s32 s10, $0x1;
	s10 =	sld [smem:$0x3FAF]  }
0x3d: {  	_ =	shalt  }
0x3e: {  	_ =	shalt  }
0x3f: {  	_ =	shalt  }
0x40: {  	_ =	shalt  }
0x41: {  	_ =	shalt  }
0x42: {  	_ =	shalt  }
0x43: {  	_ =	shalt  }
0x44: {  	_ =	shalt  }
0x45: {  	_ =	shalt  }
0x46: {  	_ =	shalt  }
0x47: {  	_ =	shalt  }
0x48: {  	_ =	shalt  }
0x49: {  	_ =	shalt  }
0x4a: {  	_ =	shalt  }
0x4b: {  	_ =	shalt  }
0x4c: {  	_ =	shalt  }
0x4d: {  	_ =	shalt  }
0x4e: {  	_ =	shalt  }
0x4f: {  	_ =	shalt  }
0x50: {  	_ =	shalt  }
0x51: {  	_ =	shalt  }
0x52: {  	_ =	shalt  }
0x53: {  	_ =	shalt  }
0x54: {  	_ =	shalt  }
0x55: {  	_ =	shalt  }
0x56: {  	_ =	shalt  }
0x57: {  	_ =	shalt  }
0x58: {  	_ =	shalt  }
0x59: {  	_ =	shalt  }
0x5a: {  	_ =	shalt  }
0x5b: {  	_ =	shalt  }
0x5c: {  	_ =	shalt  }
0x5d: {  	_ =	shalt  }
0x5e: {  	_ =	shalt  }
0x5f: {  	_ =	shalt  }
0x60: {  	_ =	shalt  }
0x61: {  	_ =	shalt  }
0x62: {  	_ =	shalt  }
0x63: {  	_ =	shalt  }
0x64: {  	_ =	shalt  }
0x65: {  	_ =	shalt  }
0x66: {  	_ =	shalt  }
0x67: {  	_ =	shalt  }
0x68: {  	_ =	shalt  }
0x69: {  	_ =	shalt  }
0x6a: {  	_ =	shalt  }
0x6b: {  	_ =	shalt  }
0x6c: {  	_ =	shalt  }
0x6d: {  	_ =	shalt  }
0x6e: {  	_ =	shalt  }
0x6f: {  	_ =	shalt  }
0x70: {  	_ =	shalt  }
0x71: {  	_ =	shalt  }
0x72: {  	_ =	shalt  }
0x73: {  	_ =	shalt  }
0x74: {  	_ =	shalt  }
0x75: {  	_ =	shalt  }
0x76: {  	_ =	shalt  }
0x77: {  	_ =	shalt  }
0x78: {  	_ =	shalt  }
0x79: {  	_ =	shalt  }
0x7a: {  	_ =	shalt  }
0x7b: {  	_ =	shalt  }
0x7c: {  	_ =	shalt  }
0x7d: {  	_ =	shalt  }
0x7e: {  	_ =	shalt  }
0x7f: {  	_ =	shalt  }
0x80: {  	_ =	shalt  }
0x81: {  	_ =	shalt  }
0x82: {  	_ =	shalt  }
0x83: {  	_ =	shalt  }
0x84: {  	_ =	shalt  }
0x85: {  	_ =	shalt  }
0x86: {  	_ =	shalt  }
0x87: {  	_ =	shalt  }
.Lfunc_end0:
.L_simem_size_0:
called_computation_lowered:
.L_overlay_start_0:
0x88: {  	s2 =	sld [smem:$0x3FD9]  }
0x89: {  	s3 =	sld [smem:$0x3FFE];
	_ =	sdelay $0x1  }
0x8a: {  	s1 =	srdreg.scid  }
0x8b: {  	s0 =	sand.u32 $0x1, s1  }
0x8c: {  	s14 =	sshll.u32 s0, $0xA;
	s2 =	sadd.s32 s3, s2  }
0x8d: {  	s2 =	sadd.s32 s2, s14  }
0x8e: {  	[smem:$0x3FBB] =	sst s2  }
0x8f: {  	_ = 	snop  }
0x90: {  	s2 =	sld [smem:$0x3FD0];
	_ =	sdelay $0x2  }
0x91: {  	s15 =	simm.s32 $0xA;
	s4 =	simm.s32 $0x10  }
0x92: {  	[smem:s4], [sflag:s15] =	dma.local [hbm:s2], $0x1  }
0x93: {  	_ =	swait.eq [sflag:s15], $0x1  }
0x94: {  	[sflag:s15] =	ssyncset.done $0x0  }
0x95: {  	[sflag:s15] =	ssyncadd.s32 $0xFFFFFFFF  }
0x96: {  	s16 =	sld [smem:$0x10];
	(tm) =	ssettm $0x1  }
0x97: {  	s17 =	sld [smem:$0x3FFB];
	_ =	sdelay $0x3  }
0x98: {  	_ =	strace s17  }
0x99: {  	s3 =	sld [smem:$0x3FFC];
	_ =	sdelay $0x3  }
0x9a: {  	_ =	strace s3  }
0x9b: {  	s3 =	sld [smem:$0x3FFD];
	_ =	sdelay $0x3  }
0x9c: {  	_ =	strace s3  }
0x9d: {  	_ =	strace $0x8FFFFFFF  }
0x9e: {  	s18 =	sld [smem:$0x3FDB];
	_ =	sdelay $0x1  }
0x9f: {  	s19 =	simm.s32 $_scs_section_size  }
0xa0: {  	s5 =	simm.s32 $_size__tile_overlayer_lowered;
	s6 =	simm.s32 $_tile_overlayer_lowered  }
0xa1: {  	s22 =	simm.s32 $0x1BFF;
	s21 =	sshll.u32 s6, $0x1;
	s3 =	sadd.s32 s19, s18  }
0xa2: {  	s7 =	simm.s32 $0x0;
	s20 =	sshll.u32 s5, $0x1;
	s5 =	sadd.s32 s21, s3  }
0xa3: {  	[timem:s7], [sflag:s22] =	dma.local [hbm:s5], s20  }
0xa4: {  	_ =	swait.ge [sflag:s22], s20  }
0xa5: {  	s4 =	ssub.s32 $0x0, s20;
	[sflag:s22] =	ssyncset.done $0x0  }
0xa6: {  	[sflag:s22] =	ssyncadd.s32 s4;
	_ =	sdelay $0x1  }
0xa7: {  	s23 =	simm.s32 $0x1B8B  }
0xa8: {  	_ =	swait.ge [sflag:s23], $0x1  }
0xa9: {  	[sflag:s23] =	ssyncset.done $0x0  }
0xaa: {  	s25 =	simm.s32 $0x1B8E;
	s24 =	sld [smem:$0x3FFE];
	[sflag:s23] =	ssyncadd.s32 $0xFFFFFFFF  }
0xab: {  	s26 =	simm.s32 $execute0_lowered;
	[smem:$0x3FD2] =	sst s25  }
0xac: {  	s5 =	sshll.u32 s26, $0x1;
	_ =	strace $0x80000046;
	[dreg:$0x1] =	wrdreg $0xFFFFFFFF  }
0xad: {  	s28 =	simm.s32 $_size_execute0_lowered;
	s3 =	sadd.s32 s3, s5;
	[dreg:$0x0] =	wrdreg $0x0  }
0xae: {  	s5 =	sshll.u32 s28, $0x1;
	[dreg:$0x2] =	wrdreg s3  }
0xaf: {  	[dreg:$0x3] =	wrdreg s5  }
0xb0: {  	[dreg:$0x4] =	wrdreg $0xC0  }
0xb1: {  	_ =	task [dreg:s7], $0x5FFFF  }
0xb2: {  	[dreg:$0x1] =	wrdreg $0xFFFFFFFF  }
0xb3: {  	[dreg:$0x0] =	wrdreg $0x60  }
0xb4: {  	[dreg:$0x2] =	wrdreg s24  }
0xb5: {  	[dreg:$0x3] =	wrdreg s16  }
0xb6: {  	[dreg:$0x4] =	wrdreg $0x9  }
0xb7: {  	_ =	task.clear_ibuf [dreg:s7], $0x5FFFF;
	_ =	strace $0x90000046  }
0xb8: {  	s29 =	simm.s32 $0x9;
	_ =	strace $0x80000048  }
0xb9: {  	_ =	swait.ge [sflag:s29], $0x1  }
0xba: {  	[sflag:s29] =	ssyncadd.s32 $0xFFFFFFFF  }
0xbb: {  	_ =	strace $0x90000048  }
0xbc: {  	_ =	sfence  }
0xbd: {  	s30 =	sld [smem:$0x0];
	_ =	sdelay $0x2  }
0xbe: {  	s31 =	sshll.u32 s1, $0xD;
	s1 =	sshrl.u32 s1, $0x2  }
0xbf: {  	s3 =	sand.u32 $0x4000, s31;
	s1 =	sadd.s32 s1, s30  }
0xc0: {  	s0 =	sor.u32 s3, s0;
	s1 =	sshll.u32 s1, $0x11  }
0xc1: {  	s0 =	sor.u32 s1, s0  }
0xc2: {  	s0 =	sadd.s32 $0x8F2B, s0  }
0xc3: {  	[sflag:s0] =	ssyncadd.remote.s32 $0x1  }
0xc4: {  	_ =	sfence.sel $0xFFFF  }
0xc5: {  	[dreg:$0x0] =	wrdreg $0xFFFFFFFF;
	(pc) =	sbr.abs _section_cstart, $3  }
0xc6: {  	[dreg:$0x1] =	wrdreg $0xFFFFFFFF  }
0xc7: {  	_ =	task.clear_ibuf [dreg:s7], $0x2FFFF;
	_ =	strace $0x9FFFFFFF  }
0xc8: {  	(tm) =	ssettm $0x7FFFFFFF  }
0xc9: {  	_ =	shalt  }
tec
execute0_lowered:
.L_overlay_start_1:
0x0: {  	(tag) =	ssettag $0x1  }
0x1: {  	s1 =	srdreg.scid  }
0x2: {  	s8 =	rddreg [dreg:$0x0];
	s0 =	stileid.u32;
	s10 =	sand.u32 $0x1, s1  }
0x3: {  	s9 =	rddreg [dreg:$0x1];
	s3 =	sshll.u32 s0, $0x9;
	s4 =	sshll.u32 s10, $0x8  }
0x4: {  	s2 =	simm.s32 $0x0;
	s1 =	rddreg [dreg:$0x2];
	s11 =	sor.u32 s4, s3  }
0x5: {  	[smem:$0x7FF] =	sst s2;
	s3 =	sshrl.u32 s11, $0x3  }
0x6: {  	_ =	strace $0x80000047;
	s4 =	sadd.s32 s9, s3;
	s3 =	simm.s32 $0x2  }
0x7: {  	[tilespmem:s2], [sflag:$0x2] =	stream.linear.gather [hbm4b:s4+s2], $0x80, $0x38;
	[tilespmem:$0x4080] =	vst v63  }
0x8: {  	_ =	swait.ge [sflag:s3], $0x80  }
0x9: {  	s6 =	simm.s32 $0x80;
	[sflag:s3] =	ssyncset.done $0x0  }
0xa: {  	s7 =	simm.s32 $0x1;
	s5 =	sadd.s32 $0x802E00, s8;
	[sflag:s3] =	ssyncadd.s32 $0xFFFFFF80  }
0xb: {  	[tilespmem:s6], [sflag:$0x1] =	stream.indirect.gather [hbm4b:s5+s6], $0x80, s2, s6, $0xb8;
	[tilespmem:$0x4080] =	vst v63  }
0xc: {  	_ =	swait.ge [sflag:s7], $0x4000  }
0xd: {  	s12 =	sadd.s32 $0x2E00, s8;
	s28 =	sshll.u32 s11, $0x4;
	[sflag:s7] =	ssyncset.done $0x0  }
0xe: {  	s8 =	sadd.s32 s12, s28;
	[sflag:s7] =	ssyncadd.s32 $0xFFFFC000  }
0xf: {  	[hbm4b:s8+s2] =	stream.linear.scatter [tilespmem:s6], [sflag:$0x2], $0x4000, $0x38;
	[tilespmem:$0x4080] =	vst v63  }
0x10: {  	s11 =	sor.u32 $0x80, s11;
	_ =	swait.ge [sflag:s3], $0x4000  }
0x11: {  	s13 =	sshrl.u32 s11, $0x3;
	[sflag:s3] =	ssyncset.done $0x0  }
0x12: {  	s10 =	ssub.s32 $0x2, s10;
	s9 =	sadd.s32 s9, s13;
	[sflag:s3] =	ssyncadd.s32 $0xFFFFC000  }
0x13: {  	[tilespmem:s2], [sflag:$0x2] =	stream.linear.gather [hbm4b:s9+s2], $0x80, $0x38;
	[tilespmem:$0x4080] =	vst v63  }
0x14: {  	s29 =	sshrl.u32 s10, $0x1;
	_ =	swait.ge [sflag:s3], $0x80  }
0x15: {  	s13 =	ssub.s32 s10, s29;
	[sflag:s3] =	ssyncset.done $0x0  }
0x16: {  	s31 =	smax.u32 s13, $0x1;
	[sflag:s3] =	ssyncadd.s32 $0xFFFFFF80  }
0x17: {  	[tilespmem:s6], [sflag:$0x1] =	stream.indirect.gather [hbm4b:s5+s6], $0x80, s2, s6, $0xb8;
	[tilespmem:$0x4080] =	vst v63  }
0x18: {  	p0 =	sne.s32 s31, $0x1;
	_ =	swait.ge [sflag:s7], $0x4000  }
.Ltmp0:
0x19: {  	s30 =	sshll.u32 s11, $0x4;
	[sflag:s7] =	ssyncset.done $0x0;
	(pc) =	sbr.rel @!p0 .LBB2_2-.Ltmp0, $4  }
0x1a: {  	s10 =	sadd.s32 s12, s30;
	[sflag:s7] =	ssyncadd.s32 $0xFFFFC000  }
0x1b: {  	[hbm4b:s10+s2] =	stream.linear.scatter [tilespmem:s6], [sflag:$0x2], $0x4000, $0x38;
	[tilespmem:$0x4080] =	vst v63  }
0x1c: {  	_ =	swait.ge [sflag:s3], $0x4000  }
0x1d: {  	s11 =	sadd.s32 $0xFFFFFFFF, s31;
	[sflag:s3] =	ssyncset.done $0x0  }
.LBB2_1:
0x1e: {  	p0 =	sne.s32 s11, $0x1;
	s11 =	sadd.s32 $0xFFFFFFFF, s11;
	[sflag:s3] =	ssyncadd.s32 $0xFFFFC000  }
0x1f: {  	[tilespmem:s2], [sflag:$0x2] =	stream.linear.gather [hbm4b:s4+s2], $0x80, $0x38;
	[tilespmem:$0x4080] =	vst v63  }
0x20: {  	_ =	swait.ge [sflag:s3], $0x80  }
0x21: {  	[sflag:s3] =	ssyncset.done $0x0  }
0x22: {  	[sflag:s3] =	ssyncadd.s32 $0xFFFFFF80  }
0x23: {  	[tilespmem:s6], [sflag:$0x1] =	stream.indirect.gather [hbm4b:s5+s6], $0x80, s2, s6, $0xb8;
	[tilespmem:$0x4080] =	vst v63  }
0x24: {  	_ =	swait.ge [sflag:s7], $0x4000  }
0x25: {  	[sflag:s7] =	ssyncset.done $0x0  }
0x26: {  	[sflag:s7] =	ssyncadd.s32 $0xFFFFC000  }
0x27: {  	[hbm4b:s8+s2] =	stream.linear.scatter [tilespmem:s6], [sflag:$0x2], $0x4000, $0x38;
	[tilespmem:$0x4080] =	vst v63  }
0x28: {  	_ =	swait.ge [sflag:s3], $0x4000  }
0x29: {  	[sflag:s3] =	ssyncset.done $0x0  }
0x2a: {  	[sflag:s3] =	ssyncadd.s32 $0xFFFFC000  }
0x2b: {  	[tilespmem:s2], [sflag:$0x2] =	stream.linear.gather [hbm4b:s9+s2], $0x80, $0x38;
	[tilespmem:$0x4080] =	vst v63  }
0x2c: {  	_ =	swait.ge [sflag:s3], $0x80  }
0x2d: {  	[sflag:s3] =	ssyncset.done $0x0  }
0x2e: {  	[sflag:s3] =	ssyncadd.s32 $0xFFFFFF80  }
0x2f: {  	[tilespmem:s6], [sflag:$0x1] =	stream.indirect.gather [hbm4b:s5+s6], $0x80, s2, s6, $0xb8;
	[tilespmem:$0x4080] =	vst v63  }
0x30: {  	_ =	swait.ge [sflag:s7], $0x4000  }
.Ltmp1:
0x31: {  	[sflag:s7] =	ssyncset.done $0x0;
	(pc) =	sbr.rel @p0 .LBB2_1-.Ltmp1, $4  }
0x32: {  	[sflag:s7] =	ssyncadd.s32 $0xFFFFC000  }
0x33: {  	[hbm4b:s10+s2] =	stream.linear.scatter [tilespmem:s6], [sflag:$0x2], $0x4000, $0x38;
	[tilespmem:$0x4080] =	vst v63  }
0x34: {  	_ =	swait.ge [sflag:s3], $0x4000  }
0x35: {  	[sflag:s3] =	ssyncset.done $0x0  }
.LBB2_2:
0x36: {  	[sflag:s3] =	ssyncadd.s32 $0xFFFFC000  }
0x37: {  	_ =	sfence.sel $0x180000  }
0x38: {  	[bflag:$0x0] =	sbarrier.arrive $0xFFFF  }
0x39: {  	p0 =	sne.s32 s0, $0x0;
	_ =	strace $0x90000047  }
0x3a: {  	s0 =	sadd.s32 @!p0 $0x100000, s1;
	[bflag:$0x2] =	sbarrier.arrive $0xFFFF  }
0x3b: {  	[sflag:s0] =	ssyncadd.tile.s32 @!p0 $0x1;
	_ =	shalt  }
.Lfunc_end2:
_tile_overlayer_lowered:
.L_overlay_start_2:
0x3c: {  	(tag) =	ssettag $0x2  }
0x3d: {  	s0 =	rddreg [dreg:$0x0];
	s2 =	stileid.u32  }
0x3e: {  	s1 =	rddreg [dreg:$0x1];
	p0 =	sne.s32 s2, $0x0  }
0x3f: {  	s3 =	rddreg [dreg:$0x2];
	[bflag:$0x3] =	sbarrier.arrive $0xFFFF;
	s2 =	simm.s32 @!p0 $0x1C02  }
0x40: {  	[timem:s3], [sflag:s2] =	dma.local @!p0 [hbm:s0], s1  }
0x41: {  	s0 =	simm.s32 @!p0 $0x2  }
0x42: {  	_ =	swait.ge @!p0 [sflag:s0], s1  }
0x43: {  	s1 =	ssub.s32 @!p0 $0x0, s1;
	[sflag:s0] =	ssyncset.done @!p0 $0x0  }
0x44: {  	[sflag:s0] =	ssyncadd.s32 @!p0 s1  }
0x45: {  	[bflag:$0x3] =	sbarrier.arrive $0xFFFF  }
0x46: {  	_ =	shalt  }

</sc_bundles>
